<compile_context>
chip_gen: v7x
topology: tpu7x:2x2x1
jax: 0.10.2.dev20260603
libtpu: 0.0.44.dev20260713+nightly
codegen_flags: <defaults>
</compile_context>

<pallas_src>
import functools

import numpy as np
import jax
import jax.numpy as jnp
from jax.experimental import pallas as pl
from jax.experimental.pallas import tpu as pltpu
from jax.experimental.pallas import tpu_sc as plsc

N = 2048
D = 768
H = 3072
E = 8
NSLOT = 2
A = N * NSLOT
TM = 256
NT = A // TM + E
PAD = NT * TM
CH = 128
NCH = A // CH
SCW = 128
RSPLIT = 3
DSUB = D // RSPLIT
NEG_INF = -1e30


def _gate_route_kernel(xf_ref, wgt_ref, t128_ref, w_full_ref, w1c_ref,
                       w2c_ref, posa_ref, eot_ref, valid_ref):
    logits = jax.lax.dot_general(
        xf_ref[...], wgt_ref[...], (((1,), (0,)), ((), ())),
        preferred_element_type=jnp.float32)
    col = jax.lax.broadcasted_iota(jnp.int32, (N, E), 1)
    m1 = jnp.max(logits, axis=1, keepdims=True)
    i1 = jnp.min(jnp.where(logits == m1, col, E), axis=1, keepdims=True)
    masked = jnp.where(col == i1, NEG_INF, logits)
    m2 = jnp.max(masked, axis=1, keepdims=True)
    i2 = jnp.min(jnp.where(masked == m2, col, E), axis=1, keepdims=True)
    e2 = jnp.exp(m2 - m1)
    denom = 1.0 + e2
    w1 = 1.0 / denom
    w2 = e2 / denom
    oh1 = (col == i1).astype(jnp.float32)
    oh2 = (col == i2).astype(jnp.float32)
    w_full_ref[...] = w1 * oh1 + w2 * oh2
    w1c_ref[...] = w1
    w2c_ref[...] = w2

    t128 = t128_ref[...]
    base = jnp.zeros((1, E), jnp.float32)
    ranks = []
    blks = []
    for c in range(NCH):
        src = oh1 if c < NCH // 2 else oh2
        r0 = (c % (NCH // 2)) * CH
        blk = jax.lax.slice(src, (r0, 0), (r0 + CH, E))
        blks.append(blk)
        r = jax.lax.dot_general(
            t128, blk.astype(jnp.bfloat16), (((1,), (0,)), ((), ())),
            preferred_element_type=jnp.float32) + base
        ranks.append(jnp.sum(r * blk, axis=1, keepdims=True))
        base = base + jnp.sum(blk, axis=0, keepdims=True)
    counts = base
    tiles_e = jnp.floor((counts + (TM - 1)) * (1.0 / TM))
    ecol = jax.lax.broadcasted_iota(jnp.int32, (E, E), 1)
    erow = jax.lax.broadcasted_iota(jnp.int32, (E, E), 0)
    tril_e = (erow < ecol).astype(jnp.float32)
    toff = jax.lax.dot_general(
        tiles_e, tril_e, (((1,), (0,)), ((), ())),
        preferred_element_type=jnp.float32)
    off_pad = toff * float(TM)
    iota3 = jax.lax.broadcasted_iota(jnp.int32, (CH, RSPLIT), 1)
    iota3f = iota3.astype(jnp.float32)
    for c in range(NCH):
        pos = jnp.sum(blks[c] * off_pad, axis=1, keepdims=True) + ranks[c]
        posa_ref[c] = (pos * float(RSPLIT) + iota3f).astype(jnp.int32)
    trow = jax.lax.broadcasted_iota(jnp.int32, (NT, E), 0).astype(jnp.float32)
    ge = (trow >= toff).astype(jnp.float32)
    eot = jnp.sum(ge, axis=1, keepdims=True) - 1.0
    total_tiles = jnp.sum(tiles_e, axis=1, keepdims=True)
    tcol = jax.lax.broadcasted_iota(jnp.int32, (NT, 1), 0).astype(jnp.float32)
    eot_ref[...] = jnp.clip(eot, 0.0, E - 1).astype(jnp.int32)
    valid_ref[...] = (tcol < total_tiles).astype(jnp.int32)


def _ffn1_kernel(eot_ref, valid_ref, xs_ref, w1_ref, b1_ref, h_ref, w1s_ref):
    t = pl.program_id(0)
    prev = eot_ref[jnp.maximum(t - 1, 0)]
    changed = jnp.logical_or(t == 0, eot_ref[t] != prev)

    @pl.when(changed)
    def _():
        w1s_ref[...] = w1_ref[0].astype(jnp.bfloat16)

    @pl.when(valid_ref[t] == 1)
    def _():
        h = jax.lax.dot_general(
            xs_ref[...].astype(jnp.bfloat16), w1s_ref[...],
            (((1,), (1,)), ((), ())),
            preferred_element_type=jnp.float32)
        h = h + b1_ref[0]
        h_ref[...] = (0.5 * h * (1.0 + jax.lax.erf(h * 0.7071067811865476))
                      ).astype(jnp.bfloat16)


def _ffn2_kernel(eot_ref, valid_ref, h_ref, w2_ref, b2_ref, ys_ref, w2s_ref):
    t = pl.program_id(0)
    prev = eot_ref[jnp.maximum(t - 1, 0)]
    changed = jnp.logical_or(t == 0, eot_ref[t] != prev)

    @pl.when(changed)
    def _():
        w2s_ref[...] = w2_ref[0].astype(jnp.bfloat16)

    @pl.when(valid_ref[t] == 1)
    def _():
        eo = jax.lax.dot_general(
            h_ref[...], w2s_ref[...], (((1,), (1,)), ((), ())),
            preferred_element_type=jnp.float32)
        ys_ref[...] = eo + b2_ref[0]


def _combine_kernel(y01_ref, w1c_ref, w2c_ref, out_ref):
    out_ref[...] = (w1c_ref[...] * y01_ref[:N] +
                    w2c_ref[...] * y01_ref[N:])


_vector_mesh = functools.partial(
    plsc.VectorSubcoreMesh, core_axis_name="c", subcore_axis_name="s")


def _sc_dispatch(xf, dest3):
    xv = xf.reshape(N * RSPLIT, DSUB)
    nwin = N * RSPLIT // SCW
    @pl.kernel(out_type=jax.ShapeDtypeStruct((PAD * RSPLIT, DSUB),
                                             jnp.float32),
               mesh=_vector_mesh())
    def disp(xv_hbm, d3_hbm, xs_hbm):
        def body(x_vmem, i_vmem):
            pltpu.sync_copy(x_vmem, xs_hbm.at[i_vmem.at[0]])

        pltpu.emit_pipeline(
            body,
            grid=(2 * nwin,),
            in_specs=[
                pl.BlockSpec((SCW, DSUB), lambda i: (i % nwin, 0)),
                pl.BlockSpec((1, SCW), lambda i: (0, i)),
            ],
            out_specs=[],
            core_axis_name=("c", "s"),
            dimension_semantics=(pltpu.PARALLEL,),
        )(xv_hbm, d3_hbm)

    return disp(xv, dest3).reshape(PAD, D)


def _sc_combine(ys, src3):
    yv = ys.reshape(PAD * RSPLIT, DSUB)
    nwin = NSLOT * N * RSPLIT // SCW
    @pl.kernel(out_type=jax.ShapeDtypeStruct((NSLOT * N * RSPLIT, DSUB),
                                             jnp.float32),
               mesh=_vector_mesh())
    def comb(yv_hbm, s3_hbm, y_hbm):
        def body(i_vmem, y_vmem):
            pltpu.sync_copy(yv_hbm.at[i_vmem.at[0]], y_vmem)

        pltpu.emit_pipeline(
            body,
            grid=(nwin,),
            in_specs=[
                pl.BlockSpec((1, SCW), lambda i: (0, i)),
            ],
            out_specs=[
                pl.BlockSpec((SCW, DSUB), lambda i: (i, 0)),
            ],
            core_axis_name=("c", "s"),
            dimension_semantics=(pltpu.PARALLEL,),
        )(s3_hbm, y_hbm)

    return comb(yv, src3).reshape(NSLOT * N, D)


_T128 = np.tril(np.ones((CH, CH), np.float32), -1)


def kernel(x, Wg, W1, b1, W2, b2):
    b, s, d = x.shape
    xf = x.reshape(N, D)

    t128 = jnp.asarray(_T128, jnp.bfloat16)
    w_full, w1c, w2c, posa, eot, valid = pl.pallas_call(
        _gate_route_kernel,
        out_shape=(
            jax.ShapeDtypeStruct((N, E), jnp.float32),
            jax.ShapeDtypeStruct((N, 1), jnp.float32),
            jax.ShapeDtypeStruct((N, 1), jnp.float32),
            jax.ShapeDtypeStruct((NCH, CH, RSPLIT), jnp.int32),
            jax.ShapeDtypeStruct((NT, 1), jnp.int32),
            jax.ShapeDtypeStruct((NT, 1), jnp.int32),
        ),
    )(xf, Wg.T, t128)

    idx3 = posa.reshape(1, A * RSPLIT)

    xs = _sc_dispatch(xf, idx3)

    b1r = b1.reshape(E, 1, H)
    b2r = b2.reshape(E, 1, D)
    eotf = eot.reshape(NT)
    validf = valid.reshape(NT)
    hs = pl.pallas_call(
        _ffn1_kernel,
        grid_spec=pltpu.PrefetchScalarGridSpec(
            num_scalar_prefetch=2,
            grid=(NT,),
            in_specs=[
                pl.BlockSpec((TM, D), lambda t, eot, valid: (t, 0)),
                pl.BlockSpec((1, H, D), lambda t, eot, valid: (eot[t], 0, 0)),
                pl.BlockSpec((1, 1, H), lambda t, eot, valid: (eot[t], 0, 0)),
            ],
            out_specs=pl.BlockSpec((TM, H), lambda t, eot, valid: (t, 0)),
            scratch_shapes=[pltpu.VMEM((H, D), jnp.bfloat16)],
        ),
        out_shape=jax.ShapeDtypeStruct((PAD, H), jnp.bfloat16),
    )(eotf, validf, xs, W1, b1r)

    ys = pl.pallas_call(
        _ffn2_kernel,
        grid_spec=pltpu.PrefetchScalarGridSpec(
            num_scalar_prefetch=2,
            grid=(NT,),
            in_specs=[
                pl.BlockSpec((TM, H), lambda t, eot, valid: (t, 0)),
                pl.BlockSpec((1, D, H), lambda t, eot, valid: (eot[t], 0, 0)),
                pl.BlockSpec((1, 1, D), lambda t, eot, valid: (eot[t], 0, 0)),
            ],
            out_specs=pl.BlockSpec((TM, D), lambda t, eot, valid: (t, 0)),
            scratch_shapes=[pltpu.VMEM((D, H), jnp.bfloat16)],
        ),
        out_shape=jax.ShapeDtypeStruct((PAD, D), jnp.float32),
    )(eotf, validf, hs, W2, b2r)

    y01 = _sc_combine(ys, idx3)

    out = pl.pallas_call(
        _combine_kernel,
        out_shape=jax.ShapeDtypeStruct((N, D), jnp.float32),
    )(y01, w1c, w2c)

    return out.reshape(b, s, d), w_full

# --- scband reference (transcript-rebuilt; emitter-appended) ---
"""Pipeline reference for scband-mo-elayer-36249523978261 (READ-ONLY COPY).

The authoritative reference and input builder live on the scoring server;
editing this copy changes nothing except your own understanding.
"""

import jax, jax.numpy as jnp
import numpy as np

K = 2
B, S, D, H, E = 1, 2048, 768, 3072, 8


def setup_inputs(seed: int = 0) -> dict:
    key = jax.random.key(seed)
    ks = jax.random.split(key, 6)
    x = jax.random.normal(ks[0], (B, S, D), dtype=jnp.float32)
    Wg = jax.random.normal(ks[1], (E, D), dtype=jnp.float32) * 0.02
    W1 = jax.random.normal(ks[2], (E, H, D), dtype=jnp.float32) * 0.02
    b1 = jnp.zeros((E, H), dtype=jnp.float32)
    W2 = jax.random.normal(ks[3], (E, D, H), dtype=jnp.float32) * 0.02
    b2 = jnp.zeros((E, D), dtype=jnp.float32)
    return {"x": x, "Wg": Wg, "W1": W1, "b1": b1, "W2": W2, "b2": b2}


def reference(x, Wg, W1, b1, W2, b2):
    b, s, d = x.shape
    xf = x.reshape(-1, d)
    n = xf.shape[0]
    # TopKGate
    logits = xf @ Wg.T  # [N, E]
    top_v, top_i = jax.lax.top_k(logits, K)
    top_w = jax.nn.softmax(top_v, axis=-1)
    full_weights = jnp.zeros_like(logits).at[jnp.arange(n)[:, None], top_i].set(top_w)
    # Experts: dense evaluation, masked/weighted by gate (same math as token dispatch,
    # since tokens not routed to an expert have weight exactly 0)
    h = jax.nn.gelu(jnp.einsum('nd,ehd->neh', xf, W1) + b1[None, :, :], approximate=False)
    eo = jnp.einsum('neh,eoh->neo', h, W2) + b2[None, :, :]  # [N, E, D_out]
    final = jnp.einsum('neo,ne->no', eo, full_weights)  # weighted scatter-add over experts
    return final.reshape(b, s, -1), full_weights

if __name__ == "__main__":
    import jax
    _d = setup_inputs()
    print(jax.jit(kernel)(*tuple(_d.values())))

</pallas_src>

<mosaic_0001>
#map = affine_map<(d0, d1) -> (0, 0)>
module attributes {stable_mosaic.version = 14 : i64} {
  func.func @comb(%arg0: i32, %arg1: i32, %arg2: memref<18432x256xf32, #tpu.memory_space<hbm>>, %arg3: memref<1x12288xi32, #tpu.memory_space<hbm>>, %arg4: memref<12288x256xf32, #tpu.memory_space<hbm>>) attributes {dimension_semantics = [#tpu.dimension_semantics<core_parallel>, #tpu.dimension_semantics<subcore_parallel>], iteration_bounds = array<i64: 2, 16>, scalar_prefetch = 0 : i64, scratch_operands = 0 : i64, tpu.core_type = #tpu.core_type<sc_vector_subcore>, window_params = [{transform_indices = #map}, {transform_indices = #map}, {transform_indices = #map}]} {
    %mul3A = arith.constant 1 : i32
    %mul3A_0 = arith.muli %arg1, %mul3A : i32
    %add3A = arith.constant 0 : i32
    %add3A_1 = arith.addi %add3A, %mul3A_0 : i32
    %mul3A_2 = arith.constant 16 : i32
    %mul3A_3 = arith.muli %arg0, %mul3A_2 : i32
    %add3A_4 = arith.addi %add3A_1, %mul3A_3 : i32
    %mul3A_5 = arith.constant 3 : i32
    %mul3A_6 = arith.muli %add3A_4, %mul3A_5 : i32
    "tpu.region"() ({
      %run_scoped3A = memref.alloca() : memref<2x1x128xi32, #tpu.memory_space<vmem>>
      %run_scoped3A_7 = tpu.sem_alloc : memref<2x!tpu.dma_semaphore, #tpu.memory_space<semaphore_mem>>
      %run_scoped3A_8 = memref.alloca() : memref<2x128x256xf32, #tpu.memory_space<vmem>>
      %run_scoped3A_9 = tpu.sem_alloc : memref<2x!tpu.dma_semaphore, #tpu.memory_space<semaphore_mem>>
      %add3A_10 = arith.constant 0 : i32
      %add3A_11 = arith.addi %add3A_10, %mul3A_6 : i32
      %select_n3A = arith.constant true
      %select_n3A_12 = arith.constant 0 : i32
      %select_n3A_13 = arith.constant -1 : i32
      %select_n3A_14 = arith.select %select_n3A, %select_n3A_13, %select_n3A_12 : i32
      %eq3A = arith.constant -1 : i32
      %eq3A_15 = arith.cmpi eq, %select_n3A_14, %eq3A : i32
      %select_n3A_16 = arith.constant 2 : i32
      %select_n3A_17 = arith.select %eq3A_15, %select_n3A_16, %select_n3A_14 : i32
      %add3A_18 = arith.addi %select_n3A_17, %mul3A_6 : i32
      %select_n3A_19 = arith.constant true
      %select_n3A_20 = arith.constant 0 : i32
      %select_n3A_21 = arith.constant 1 : i32
      %select_n3A_22 = arith.select %select_n3A_19, %select_n3A_21, %select_n3A_20 : i32
      %eq3A_23 = arith.constant 3 : i32
      %eq3A_24 = arith.cmpi eq, %select_n3A_22, %eq3A_23 : i32
      %select_n3A_25 = arith.constant 0 : i32
      %select_n3A_26 = arith.select %eq3A_24, %select_n3A_25, %select_n3A_22 : i32
      %add3A_27 = arith.addi %select_n3A_26, %mul3A_6 : i32
      %add3A_28 = arith.constant 1 : i32
      %add3A_29 = arith.addi %select_n3A_26, %add3A_28 : i32
      %select_n3A_30 = arith.constant true
      %select_n3A_31 = arith.select %select_n3A_30, %add3A_29, %select_n3A_26 : i32
      %eq3A_32 = arith.constant 3 : i32
      %eq3A_33 = arith.cmpi eq, %select_n3A_31, %eq3A_32 : i32
      %select_n3A_34 = arith.constant 0 : i32
      %select_n3A_35 = arith.select %eq3A_33, %select_n3A_34, %select_n3A_31 : i32
      %add3A_36 = arith.addi %select_n3A_35, %mul3A_6 : i32
      "tpu.trace_start"() <{level = 10 : i32, message = "ep_initialize_0"}> : () -> ()
      %rem3A = arith.constant 0 : i32
      %rem3A_37 = arith.constant 2 : i32
      %rem3A_38 = arith.remui %rem3A, %rem3A_37 : i32
      %mul3A_39 = arith.constant 128 : i32
      %mul3A_40 = arith.muli %mul3A_39, %add3A_11 : i32
      %dma_start3A = arith.constant 0 : i32
      %dma_start3A_41 = arith.constant 0 : i32
      %dma_start3A_42 = tpu.memref_slice %run_scoped3A[%rem3A_38, %dma_start3A, %dma_start3A_41] : memref<2x1x128xi32, #tpu.memory_space<vmem>> -> memref<1x1x128xi32, #tpu.memory_space<vmem>>
      %dma_start3A_43 = tpu.memref_squeeze %dma_start3A_42 : memref<1x1x128xi32, #tpu.memory_space<vmem>> -> memref<1x128xi32, #tpu.memory_space<vmem>>
      %dma_start3A_44 = arith.constant 0 : i32
      %dma_start3A_45 = tpu.memref_slice %arg3[%dma_start3A_44, %mul3A_40] : memref<1x12288xi32, #tpu.memory_space<hbm>> -> memref<1x128xi32, #tpu.memory_space<hbm>>
      %dma_start3A_46 = tpu.memref_slice %run_scoped3A_7[%rem3A_38] : memref<2x!tpu.dma_semaphore, #tpu.memory_space<semaphore_mem>> -> memref<1x!tpu.dma_semaphore, #tpu.memory_space<semaphore_mem>>
      %dma_start3A_47 = tpu.memref_squeeze %dma_start3A_46 : memref<1x!tpu.dma_semaphore, #tpu.memory_space<semaphore_mem>> -> memref<!tpu.dma_semaphore, #tpu.memory_space<semaphore_mem>>
      %dma_start3A_48 = arith.constant 0 : i32
      %dma_start3A_49 = arith.constant 0 : i32
      %dma_start3A_50 = tpu.memref_slice %run_scoped3A[%rem3A_38, %dma_start3A_48, %dma_start3A_49] : memref<2x1x128xi32, #tpu.memory_space<vmem>> -> memref<1x1x128xi32, #tpu.memory_space<vmem>>
      %dma_start3A_51 = tpu.memref_squeeze %dma_start3A_50 : memref<1x1x128xi32, #tpu.memory_space<vmem>> -> memref<1x128xi32, #tpu.memory_space<vmem>>
      %dma_start3A_52 = arith.constant 0 : i32
      %dma_start3A_53 = tpu.memref_slice %arg3[%dma_start3A_52, %mul3A_40] : memref<1x12288xi32, #tpu.memory_space<hbm>> -> memref<1x128xi32, #tpu.memory_space<hbm>>
      tpu.enqueue_dma source(%dma_start3A_53 : memref<1x128xi32, #tpu.memory_space<hbm>>) target(%dma_start3A_51 : memref<1x128xi32, #tpu.memory_space<vmem>>) target_semaphore(%dma_start3A_47 : memref<!tpu.dma_semaphore, #tpu.memory_space<semaphore_mem>>)
      %add3A_54 = arith.constant 0 : i32
      %add3A_55 = arith.constant 1 : i32
      %add3A_56 = arith.addi %add3A_54, %add3A_55 : i32
      %select_n3A_57 = arith.constant true
      %select_n3A_58 = arith.constant 0 : i32
      %select_n3A_59 = arith.select %select_n3A_57, %add3A_56, %select_n3A_58 : i32
      "tpu.trace_stop"() : () -> ()
      %scan3A = arith.constant 0 : i32
      %scan3A_60 = arith.constant 0 : i32
      %scan3A_61 = arith.constant 0 : i32
      %scan3A_62 = arith.constant 0 : i32
      %scan3A_63 = arith.constant 0 : i32
      %scan3A_64 = arith.constant 3 : i32
      %scan3A_65 = arith.addi %scan3A_63, %scan3A_64 : i32
      %scan3A_66 = arith.constant 1 : i32
      %scan3A_67:5 = scf.for %scan3A_121 = %scan3A_63 to %scan3A_65 step %scan3A_66 iter_args(%scan3A_122 = %select_n3A_59, %scan3A_123 = %scan3A, %scan3A_124 = %scan3A_60, %scan3A_125 = %scan3A_61, %scan3A_126 = %scan3A_62) -> (i32, i32, i32, i32, i32)  : i32 {
        %eq3A_127 = arith.constant 0 : i32
        %eq3A_128 = arith.cmpi eq, %scan3A_121, %eq3A_127 : i32
        %eq3A_129 = arith.constant 2 : i32
        %eq3A_130 = arith.cmpi eq, %scan3A_121, %eq3A_129 : i32
        %add3A_131 = arith.addi %scan3A_126, %mul3A_6 : i32
        %sub3A_132 = arith.constant 1 : i32
        %sub3A_133 = arith.subi %scan3A_126, %sub3A_132 : i32
        %select_n3A_134 = arith.constant true
        %select_n3A_135 = arith.select %select_n3A_134, %sub3A_133, %scan3A_126 : i32
        %eq3A_136 = arith.constant -1 : i32
        %eq3A_137 = arith.cmpi eq, %select_n3A_135, %eq3A_136 : i32
        %select_n3A_138 = arith.constant 2 : i32
        %select_n3A_139 = arith.select %eq3A_137, %select_n3A_138, %select_n3A_135 : i32
        %add3A_140 = arith.addi %select_n3A_139, %mul3A_6 : i32
        %add3A_141 = arith.constant 1 : i32
        %add3A_142 = arith.addi %scan3A_126, %add3A_141 : i32
        %select_n3A_143 = arith.constant true
        %select_n3A_144 = arith.select %select_n3A_143, %add3A_142, %scan3A_126 : i32
        %eq3A_145 = arith.constant 3 : i32
        %eq3A_146 = arith.cmpi eq, %select_n3A_144, %eq3A_145 : i32
        %select_n3A_147 = arith.constant 0 : i32
        %select_n3A_148 = arith.select %eq3A_146, %select_n3A_147, %select_n3A_144 : i32
        %add3A_149 = arith.addi %select_n3A_148, %mul3A_6 : i32
        %add3A_150 = arith.constant 1 : i32
        %add3A_151 = arith.addi %select_n3A_148, %add3A_150 : i32
        %select_n3A_152 = arith.constant true
        %select_n3A_153 = arith.select %select_n3A_152, %add3A_151, %select_n3A_148 : i32
        %eq3A_154 = arith.constant 3 : i32
        %eq3A_155 = arith.cmpi eq, %select_n3A_153, %eq3A_154 : i32
        %select_n3A_156 = arith.constant 0 : i32
        %select_n3A_157 = arith.select %eq3A_155, %select_n3A_156, %select_n3A_153 : i32
        %add3A_158 = arith.addi %select_n3A_157, %mul3A_6 : i32
        %ne3A = arith.cmpi ne, %add3A_131, %add3A_149 : i32
        %or3A = arith.constant false
        %or3A_159 = arith.ori %or3A, %ne3A : i1
        %ge3A = arith.constant 2 : i32
        %ge3A_160 = arith.cmpi sge, %scan3A_121, %ge3A : i32
        %not3A = arith.constant true
        %not3A_161 = arith.xori %ge3A_160, %not3A : i1
        %and3A = arith.andi %or3A_159, %not3A_161 : i1
        %convert_element_type3A = arith.extui %and3A : i1 to i32
        %cond3A = arith.constant 0 : i32
        %cond3A_162 = arith.cmpi ne, %convert_element_type3A, %cond3A : i32
        scf.if %cond3A_162 {
          "tpu.trace_start"() <{level = 10 : i32, message = "ep_copy_in"}> : () -> ()
          %rem3A_264 = arith.constant 2 : i32
          %rem3A_265 = arith.remui %scan3A_122, %rem3A_264 : i32
          %mul3A_266 = arith.constant 128 : i32
          %mul3A_267 = arith.muli %mul3A_266, %add3A_149 : i32
          %dma_start3A_268 = arith.constant 0 : i32
          %dma_start3A_269 = arith.constant 0 : i32
          %dma_start3A_270 = tpu.memref_slice %run_scoped3A[%rem3A_265, %dma_start3A_268, %dma_start3A_269] : memref<2x1x128xi32, #tpu.memory_space<vmem>> -> memref<1x1x128xi32, #tpu.memory_space<vmem>>
          %dma_start3A_271 = tpu.memref_squeeze %dma_start3A_270 : memref<1x1x128xi32, #tpu.memory_space<vmem>> -> memref<1x128xi32, #tpu.memory_space<vmem>>
          %dma_start3A_272 = arith.constant 0 : i32
          %dma_start3A_273 = tpu.memref_slice %arg3[%dma_start3A_272, %mul3A_267] : memref<1x12288xi32, #tpu.memory_space<hbm>> -> memref<1x128xi32, #tpu.memory_space<hbm>>
          %dma_start3A_274 = tpu.memref_slice %run_scoped3A_7[%rem3A_265] : memref<2x!tpu.dma_semaphore, #tpu.memory_space<semaphore_mem>> -> memref<1x!tpu.dma_semaphore, #tpu.memory_space<semaphore_mem>>
          %dma_start3A_275 = tpu.memref_squeeze %dma_start3A_274 : memref<1x!tpu.dma_semaphore, #tpu.memory_space<semaphore_mem>> -> memref<!tpu.dma_semaphore, #tpu.memory_space<semaphore_mem>>
          %dma_start3A_276 = arith.constant 0 : i32
          %dma_start3A_277 = arith.constant 0 : i32
          %dma_start3A_278 = tpu.memref_slice %run_scoped3A[%rem3A_265, %dma_start3A_276, %dma_start3A_277] : memref<2x1x128xi32, #tpu.memory_space<vmem>> -> memref<1x1x128xi32, #tpu.memory_space<vmem>>
          %dma_start3A_279 = tpu.memref_squeeze %dma_start3A_278 : memref<1x1x128xi32, #tpu.memory_space<vmem>> -> memref<1x128xi32, #tpu.memory_space<vmem>>
          %dma_start3A_280 = arith.constant 0 : i32
          %dma_start3A_281 = tpu.memref_slice %arg3[%dma_start3A_280, %mul3A_267] : memref<1x12288xi32, #tpu.memory_space<hbm>> -> memref<1x128xi32, #tpu.memory_space<hbm>>
          tpu.enqueue_dma source(%dma_start3A_281 : memref<1x128xi32, #tpu.memory_space<hbm>>) target(%dma_start3A_279 : memref<1x128xi32, #tpu.memory_space<vmem>>) target_semaphore(%dma_start3A_275 : memref<!tpu.dma_semaphore, #tpu.memory_space<semaphore_mem>>)
          "tpu.trace_stop"() : () -> ()
        } else {
        }
        %and3A_163 = arith.constant true
        %and3A_164 = arith.andi %and3A, %and3A_163 : i1
        %add3A_165 = arith.constant 1 : i32
        %add3A_166 = arith.addi %scan3A_122, %add3A_165 : i32
        %select_n3A_167 = arith.select %and3A_164, %add3A_166, %scan3A_122 : i32
        %ne3A_168 = arith.cmpi ne, %add3A_131, %add3A_149 : i32
        %or3A_169 = arith.constant false
        %or3A_170 = arith.ori %or3A_169, %ne3A_168 : i1
        %or3A_171 = arith.constant false
        %or3A_172 = arith.ori %or3A_170, %or3A_171 : i1
        %ge3A_173 = arith.constant 2 : i32
        %ge3A_174 = arith.cmpi sge, %scan3A_121, %ge3A_173 : i32
        %not3A_175 = arith.constant true
        %not3A_176 = arith.xori %ge3A_174, %not3A_175 : i1
        %and3A_177 = arith.andi %or3A_172, %not3A_176 : i1
        %ne3A_178 = arith.cmpi ne, %add3A_131, %add3A_140 : i32
        %or3A_179 = arith.constant false
        %or3A_180 = arith.ori %or3A_179, %ne3A_178 : i1
        %or3A_181 = arith.ori %or3A_180, %eq3A_128 : i1
        %convert_element_type3A_182 = arith.extui %or3A_181 : i1 to i32
        %cond3A_183 = arith.constant 0 : i32
        %cond3A_184 = arith.cmpi ne, %convert_element_type3A_182, %cond3A_183 : i32
        scf.if %cond3A_184 {
          "tpu.trace_start"() <{level = 10 : i32, message = "ep_wait_in"}> : () -> ()
          %mul3A_264 = arith.constant 128 : i32
          %mul3A_265 = arith.muli %mul3A_264, %add3A_131 : i32
          %rem3A_266 = arith.constant 2 : i32
          %rem3A_267 = arith.remui %scan3A_123, %rem3A_266 : i32
          %dma_wait3A_268 = arith.constant 0 : i32
          %dma_wait3A_269 = arith.constant 0 : i32
          %dma_wait3A_270 = tpu.memref_slice %run_scoped3A[%rem3A_267, %dma_wait3A_268, %dma_wait3A_269] : memref<2x1x128xi32, #tpu.memory_space<vmem>> -> memref<1x1x128xi32, #tpu.memory_space<vmem>>
          %dma_wait3A_271 = tpu.memref_squeeze %dma_wait3A_270 : memref<1x1x128xi32, #tpu.memory_space<vmem>> -> memref<1x128xi32, #tpu.memory_space<vmem>>
          %dma_wait3A_272 = arith.constant 0 : i32
          %dma_wait3A_273 = tpu.memref_slice %arg3[%dma_wait3A_272, %mul3A_265] : memref<1x12288xi32, #tpu.memory_space<hbm>> -> memref<1x128xi32, #tpu.memory_space<hbm>>
          %dma_wait3A_274 = tpu.memref_slice %run_scoped3A_7[%rem3A_267] : memref<2x!tpu.dma_semaphore, #tpu.memory_space<semaphore_mem>> -> memref<1x!tpu.dma_semaphore, #tpu.memory_space<semaphore_mem>>
          %dma_wait3A_275 = tpu.memref_squeeze %dma_wait3A_274 : memref<1x!tpu.dma_semaphore, #tpu.memory_space<semaphore_mem>> -> memref<!tpu.dma_semaphore, #tpu.memory_space<semaphore_mem>>
          %dma_wait3A_276 = arith.constant 0 : i32
          %dma_wait3A_277 = arith.constant 0 : i32
          %dma_wait3A_278 = tpu.memref_slice %run_scoped3A[%rem3A_267, %dma_wait3A_276, %dma_wait3A_277] : memref<2x1x128xi32, #tpu.memory_space<vmem>> -> memref<1x1x128xi32, #tpu.memory_space<vmem>>
          %dma_wait3A_279 = tpu.memref_squeeze %dma_wait3A_278 : memref<1x1x128xi32, #tpu.memory_space<vmem>> -> memref<1x128xi32, #tpu.memory_space<vmem>>
          %dma_wait3A_280 = arith.constant 0 : i32
          %dma_wait3A_281 = tpu.memref_slice %arg3[%dma_wait3A_280, %mul3A_265] : memref<1x12288xi32, #tpu.memory_space<hbm>> -> memref<1x128xi32, #tpu.memory_space<hbm>>
          tpu.wait_dma2 semaphore(%dma_wait3A_275 : memref<!tpu.dma_semaphore, #tpu.memory_space<semaphore_mem>>) src(%dma_wait3A_281 : memref<1x128xi32, #tpu.memory_space<hbm>>) dst(%dma_wait3A_279 : memref<1x128xi32, #tpu.memory_space<vmem>>)
          "tpu.trace_stop"() : () -> ()
        } else {
        }
        %ne3A_185 = arith.cmpi ne, %add3A_131, %add3A_140 : i32
        %or3A_186 = arith.constant false
        %or3A_187 = arith.ori %or3A_186, %ne3A_185 : i1
        %or3A_188 = arith.constant false
        %or3A_189 = arith.ori %or3A_187, %or3A_188 : i1
        %or3A_190 = arith.ori %or3A_189, %eq3A_128 : i1
        %convert_element_type3A_191 = arith.extui %or3A_190 : i1 to i32
        %cond3A_192 = arith.constant 0 : i32
        %cond3A_193 = arith.cmpi ne, %convert_element_type3A_191, %cond3A_192 : i32
        scf.if %cond3A_193 {
        } else {
        }
        %rem3A_194 = arith.constant 2 : i32
        %rem3A_195 = arith.remui %scan3A_123, %rem3A_194 : i32
        %rem3A_196 = arith.constant 2 : i32
        %rem3A_197 = arith.remui %scan3A_124, %rem3A_196 : i32
        %run_scoped3A_198 = arith.constant 0 : i32
        "tpu.trace_start"() <{level = 10 : i32, message = "ep_run_kernel"}> : () -> ()
        "tpu.region"() ({
          %run_scoped3A_264 = tpu.sem_alloc : memref<!tpu.dma_semaphore, #tpu.memory_space<semaphore_mem>>
          %dma_start3A_265 = arith.constant 0 : i32
          %dma_start3A_266 = arith.constant 0 : i32
          %dma_start3A_267 = tpu.memref_slice %run_scoped3A_8[%rem3A_197, %dma_start3A_265, %dma_start3A_266] : memref<2x128x256xf32, #tpu.memory_space<vmem>> -> memref<1x128x256xf32, #tpu.memory_space<vmem>>
          %dma_start3A_268 = tpu.memref_squeeze %dma_start3A_267 : memref<1x128x256xf32, #tpu.memory_space<vmem>> -> memref<128x256xf32, #tpu.memory_space<vmem>>
          %dma_start3A_269 = arith.constant 0 : i32
          %dma_start3A_270 = arith.constant 0 : i32
          %dma_start3A_271 = tpu.memref_slice %run_scoped3A[%rem3A_195, %dma_start3A_269, %dma_start3A_270] : memref<2x1x128xi32, #tpu.memory_space<vmem>> -> memref<1x1x128xi32, #tpu.memory_space<vmem>>
          %dma_start3A_272 = tpu.memref_squeeze %dma_start3A_271 : memref<1x1x128xi32, #tpu.memory_space<vmem>> -> memref<1x128xi32, #tpu.memory_space<vmem>>
          %dma_start3A_273 = arith.constant 0 : i32
          %dma_start3A_274 = tpu.memref_slice %dma_start3A_272[%run_scoped3A_198, %dma_start3A_273] : memref<1x128xi32, #tpu.memory_space<vmem>> -> memref<1x128xi32, #tpu.memory_space<vmem>>
          %dma_start3A_275 = tpu.memref_squeeze %dma_start3A_274 : memref<1x128xi32, #tpu.memory_space<vmem>> -> memref<128xi32, #tpu.memory_space<vmem>>
          %dma_start3A_276 = arith.constant 0 : i32
          %dma_start3A_277 = arith.constant 0 : i32
          %dma_start3A_278 = tpu.memref_slice %arg2[%dma_start3A_276, %dma_start3A_277] : memref<18432x256xf32, #tpu.memory_space<hbm>> -> memref<18432x256xf32, #tpu.memory_space<hbm>>
          tpu.enqueue_indirect_dma source(%dma_start3A_278 : memref<18432x256xf32, #tpu.memory_space<hbm>>) target(%dma_start3A_268 : memref<128x256xf32, #tpu.memory_space<vmem>>) offsets(%dma_start3A_275 : memref<128xi32, #tpu.memory_space<vmem>>) semaphore(%run_scoped3A_264 : memref<!tpu.dma_semaphore, #tpu.memory_space<semaphore_mem>>)
          %dma_wait3A_279 = arith.constant 0 : i32
          %dma_wait3A_280 = arith.constant 0 : i32
          %dma_wait3A_281 = tpu.memref_slice %run_scoped3A_8[%rem3A_197, %dma_wait3A_279, %dma_wait3A_280] : memref<2x128x256xf32, #tpu.memory_space<vmem>> -> memref<1x128x256xf32, #tpu.memory_space<vmem>>
          %dma_wait3A_282 = tpu.memref_squeeze %dma_wait3A_281 : memref<1x128x256xf32, #tpu.memory_space<vmem>> -> memref<128x256xf32, #tpu.memory_space<vmem>>
          %dma_wait3A_283 = arith.constant 0 : i32
          %dma_wait3A_284 = arith.constant 0 : i32
          %dma_wait3A_285 = tpu.memref_slice %run_scoped3A[%rem3A_195, %dma_wait3A_283, %dma_wait3A_284] : memref<2x1x128xi32, #tpu.memory_space<vmem>> -> memref<1x1x128xi32, #tpu.memory_space<vmem>>
          %dma_wait3A_286 = tpu.memref_squeeze %dma_wait3A_285 : memref<1x1x128xi32, #tpu.memory_space<vmem>> -> memref<1x128xi32, #tpu.memory_space<vmem>>
          %dma_wait3A_287 = arith.constant 0 : i32
          %dma_wait3A_288 = tpu.memref_slice %dma_wait3A_286[%run_scoped3A_198, %dma_wait3A_287] : memref<1x128xi32, #tpu.memory_space<vmem>> -> memref<1x128xi32, #tpu.memory_space<vmem>>
          %dma_wait3A_289 = tpu.memref_squeeze %dma_wait3A_288 : memref<1x128xi32, #tpu.memory_space<vmem>> -> memref<128xi32, #tpu.memory_space<vmem>>
          %dma_wait3A_290 = arith.constant 0 : i32
          %dma_wait3A_291 = arith.constant 0 : i32
          %dma_wait3A_292 = tpu.memref_slice %arg2[%dma_wait3A_290, %dma_wait3A_291] : memref<18432x256xf32, #tpu.memory_space<hbm>> -> memref<18432x256xf32, #tpu.memory_space<hbm>>
          tpu.wait_indirect_dma semaphore(%run_scoped3A_264 : memref<!tpu.dma_semaphore, #tpu.memory_space<semaphore_mem>>) src(%dma_wait3A_292 : memref<18432x256xf32, #tpu.memory_space<hbm>>) dst(%dma_wait3A_282 : memref<128x256xf32, #tpu.memory_space<vmem>>)
          tpu.yield
        }) : () -> ()
        "tpu.trace_stop"() : () -> ()
        %ne3A_199 = arith.cmpi ne, %add3A_131, %add3A_149 : i32
        %or3A_200 = arith.constant false
        %or3A_201 = arith.ori %or3A_200, %ne3A_199 : i1
        %or3A_202 = arith.ori %or3A_201, %eq3A_130 : i1
        %convert_element_type3A_203 = arith.extui %or3A_202 : i1 to i32
        %cond3A_204 = arith.constant 0 : i32
        %cond3A_205 = arith.cmpi ne, %convert_element_type3A_203, %cond3A_204 : i32
        scf.if %cond3A_205 {
        } else {
        }
        %and3A_206 = arith.constant false
        %and3A_207 = arith.andi %or3A_202, %and3A_206 : i1
        %ne3A_208 = arith.cmpi ne, %add3A_131, %add3A_149 : i32
        %or3A_209 = arith.constant false
        %or3A_210 = arith.ori %or3A_209, %ne3A_208 : i1
        %or3A_211 = arith.constant false
        %or3A_212 = arith.ori %or3A_210, %or3A_211 : i1
        %or3A_213 = arith.ori %or3A_212, %eq3A_130 : i1
        %convert_element_type3A_214 = arith.extui %or3A_213 : i1 to i32
        %cond3A_215 = arith.constant 0 : i32
        %cond3A_216 = arith.cmpi ne, %convert_element_type3A_214, %cond3A_215 : i32
        scf.if %cond3A_216 {
          "tpu.trace_start"() <{level = 10 : i32, message = "ep_copy_out"}> : () -> ()
          %rem3A_264 = arith.constant 2 : i32
          %rem3A_265 = arith.remui %scan3A_124, %rem3A_264 : i32
          %mul3A_266 = arith.constant 128 : i32
          %mul3A_267 = arith.muli %mul3A_266, %add3A_131 : i32
          %dma_start3A_268 = arith.constant 0 : i32
          %dma_start3A_269 = arith.constant 0 : i32
          %dma_start3A_270 = tpu.memref_slice %run_scoped3A_8[%rem3A_265, %dma_start3A_268, %dma_start3A_269] : memref<2x128x256xf32, #tpu.memory_space<vmem>> -> memref<1x128x256xf32, #tpu.memory_space<vmem>>
          %dma_start3A_271 = tpu.memref_squeeze %dma_start3A_270 : memref<1x128x256xf32, #tpu.memory_space<vmem>> -> memref<128x256xf32, #tpu.memory_space<vmem>>
          %dma_start3A_272 = arith.constant 0 : i32
          %dma_start3A_273 = tpu.memref_slice %arg4[%mul3A_267, %dma_start3A_272] : memref<12288x256xf32, #tpu.memory_space<hbm>> -> memref<128x256xf32, #tpu.memory_space<hbm>>
          %dma_start3A_274 = tpu.memref_slice %run_scoped3A_9[%rem3A_265] : memref<2x!tpu.dma_semaphore, #tpu.memory_space<semaphore_mem>> -> memref<1x!tpu.dma_semaphore, #tpu.memory_space<semaphore_mem>>
          %dma_start3A_275 = tpu.memref_squeeze %dma_start3A_274 : memref<1x!tpu.dma_semaphore, #tpu.memory_space<semaphore_mem>> -> memref<!tpu.dma_semaphore, #tpu.memory_space<semaphore_mem>>
          %dma_start3A_276 = arith.constant 0 : i32
          %dma_start3A_277 = tpu.memref_slice %arg4[%mul3A_267, %dma_start3A_276] : memref<12288x256xf32, #tpu.memory_space<hbm>> -> memref<128x256xf32, #tpu.memory_space<hbm>>
          %dma_start3A_278 = arith.constant 0 : i32
          %dma_start3A_279 = arith.constant 0 : i32
          %dma_start3A_280 = tpu.memref_slice %run_scoped3A_8[%rem3A_265, %dma_start3A_278, %dma_start3A_279] : memref<2x128x256xf32, #tpu.memory_space<vmem>> -> memref<1x128x256xf32, #tpu.memory_space<vmem>>
          %dma_start3A_281 = tpu.memref_squeeze %dma_start3A_280 : memref<1x128x256xf32, #tpu.memory_space<vmem>> -> memref<128x256xf32, #tpu.memory_space<vmem>>
          tpu.enqueue_dma source(%dma_start3A_281 : memref<128x256xf32, #tpu.memory_space<vmem>>) target(%dma_start3A_277 : memref<128x256xf32, #tpu.memory_space<hbm>>) target_semaphore(%dma_start3A_275 : memref<!tpu.dma_semaphore, #tpu.memory_space<semaphore_mem>>)
          "tpu.trace_stop"() : () -> ()
        } else {
        }
        %and3A_217 = arith.constant true
        %and3A_218 = arith.andi %or3A_213, %and3A_217 : i1
        %add3A_219 = arith.constant 1 : i32
        %add3A_220 = arith.addi %scan3A_124, %add3A_219 : i32
        %select_n3A_221 = arith.select %and3A_218, %add3A_220, %scan3A_124 : i32
        %ne3A_222 = arith.cmpi ne, %add3A_131, %add3A_140 : i32
        %or3A_223 = arith.constant false
        %or3A_224 = arith.ori %or3A_223, %ne3A_222 : i1
        %not3A_225 = arith.constant true
        %not3A_226 = arith.xori %eq3A_128, %not3A_225 : i1
        %and3A_227 = arith.andi %or3A_224, %not3A_226 : i1
        %convert_element_type3A_228 = arith.extui %and3A_227 : i1 to i32
        %cond3A_229 = arith.constant 0 : i32
        %cond3A_230 = arith.cmpi ne, %convert_element_type3A_228, %cond3A_229 : i32
        scf.if %cond3A_230 {
        } else {
        }
        %and3A_231 = arith.constant false
        %and3A_232 = arith.andi %and3A_227, %and3A_231 : i1
        %ne3A_233 = arith.cmpi ne, %add3A_131, %add3A_140 : i32
        %or3A_234 = arith.constant false
        %or3A_235 = arith.ori %or3A_234, %ne3A_233 : i1
        %or3A_236 = arith.constant false
        %or3A_237 = arith.ori %or3A_235, %or3A_236 : i1
        %not3A_238 = arith.constant true
        %not3A_239 = arith.xori %eq3A_128, %not3A_238 : i1
        %and3A_240 = arith.andi %or3A_237, %not3A_239 : i1
        %convert_element_type3A_241 = arith.extui %and3A_240 : i1 to i32
        %cond3A_242 = arith.constant 0 : i32
        %cond3A_243 = arith.cmpi ne, %convert_element_type3A_241, %cond3A_242 : i32
        scf.if %cond3A_243 {
          "tpu.trace_start"() <{level = 10 : i32, message = "ep_wait_out"}> : () -> ()
          %rem3A_264 = arith.constant 2 : i32
          %rem3A_265 = arith.remui %scan3A_125, %rem3A_264 : i32
          %mul3A_266 = arith.constant 128 : i32
          %mul3A_267 = arith.muli %mul3A_266, %add3A_140 : i32
          %dma_wait3A_268 = arith.constant 0 : i32
          %dma_wait3A_269 = arith.constant 0 : i32
          %dma_wait3A_270 = tpu.memref_slice %run_scoped3A_8[%rem3A_265, %dma_wait3A_268, %dma_wait3A_269] : memref<2x128x256xf32, #tpu.memory_space<vmem>> -> memref<1x128x256xf32, #tpu.memory_space<vmem>>
          %dma_wait3A_271 = tpu.memref_squeeze %dma_wait3A_270 : memref<1x128x256xf32, #tpu.memory_space<vmem>> -> memref<128x256xf32, #tpu.memory_space<vmem>>
          %dma_wait3A_272 = arith.constant 0 : i32
          %dma_wait3A_273 = tpu.memref_slice %arg4[%mul3A_267, %dma_wait3A_272] : memref<12288x256xf32, #tpu.memory_space<hbm>> -> memref<128x256xf32, #tpu.memory_space<hbm>>
          %dma_wait3A_274 = tpu.memref_slice %run_scoped3A_9[%rem3A_265] : memref<2x!tpu.dma_semaphore, #tpu.memory_space<semaphore_mem>> -> memref<1x!tpu.dma_semaphore, #tpu.memory_space<semaphore_mem>>
          %dma_wait3A_275 = tpu.memref_squeeze %dma_wait3A_274 : memref<1x!tpu.dma_semaphore, #tpu.memory_space<semaphore_mem>> -> memref<!tpu.dma_semaphore, #tpu.memory_space<semaphore_mem>>
          %dma_wait3A_276 = arith.constant 0 : i32
          %dma_wait3A_277 = tpu.memref_slice %arg4[%mul3A_267, %dma_wait3A_276] : memref<12288x256xf32, #tpu.memory_space<hbm>> -> memref<128x256xf32, #tpu.memory_space<hbm>>
          %dma_wait3A_278 = arith.constant 0 : i32
          %dma_wait3A_279 = arith.constant 0 : i32
          %dma_wait3A_280 = tpu.memref_slice %run_scoped3A_8[%rem3A_265, %dma_wait3A_278, %dma_wait3A_279] : memref<2x128x256xf32, #tpu.memory_space<vmem>> -> memref<1x128x256xf32, #tpu.memory_space<vmem>>
          %dma_wait3A_281 = tpu.memref_squeeze %dma_wait3A_280 : memref<1x128x256xf32, #tpu.memory_space<vmem>> -> memref<128x256xf32, #tpu.memory_space<vmem>>
          tpu.wait_dma2 semaphore(%dma_wait3A_275 : memref<!tpu.dma_semaphore, #tpu.memory_space<semaphore_mem>>) src(%dma_wait3A_281 : memref<128x256xf32, #tpu.memory_space<vmem>>) dst(%dma_wait3A_277 : memref<128x256xf32, #tpu.memory_space<hbm>>)
          "tpu.trace_stop"() : () -> ()
        } else {
        }
        %and3A_244 = arith.constant true
        %and3A_245 = arith.andi %and3A_240, %and3A_244 : i1
        %add3A_246 = arith.constant 1 : i32
        %add3A_247 = arith.addi %scan3A_125, %add3A_246 : i32
        %select_n3A_248 = arith.select %and3A_245, %add3A_247, %scan3A_125 : i32
        %ne3A_249 = arith.cmpi ne, %add3A_131, %add3A_149 : i32
        %or3A_250 = arith.constant false
        %or3A_251 = arith.ori %or3A_250, %ne3A_249 : i1
        %or3A_252 = arith.ori %or3A_251, %eq3A_130 : i1
        %add3A_253 = arith.constant 1 : i32
        %add3A_254 = arith.addi %scan3A_123, %add3A_253 : i32
        %select_n3A_255 = arith.select %or3A_252, %add3A_254, %scan3A_123 : i32
        %add3A_256 = arith.constant 1 : i32
        %add3A_257 = arith.addi %scan3A_126, %add3A_256 : i32
        %select_n3A_258 = arith.constant true
        %select_n3A_259 = arith.select %select_n3A_258, %add3A_257, %scan3A_126 : i32
        %eq3A_260 = arith.constant 3 : i32
        %eq3A_261 = arith.cmpi eq, %select_n3A_259, %eq3A_260 : i32
        %select_n3A_262 = arith.constant 0 : i32
        %select_n3A_263 = arith.select %eq3A_261, %select_n3A_262, %select_n3A_259 : i32
        scf.yield %select_n3A_167, %select_n3A_255, %select_n3A_221, %select_n3A_248, %select_n3A_263 : i32, i32, i32, i32, i32
      }
      %scan3A_68 = arith.constant 3 : i32
      %sub3A = arith.constant 1 : i32
      %sub3A_69 = arith.subi %scan3A_67#4, %sub3A : i32
      %select_n3A_70 = arith.constant true
      %select_n3A_71 = arith.select %select_n3A_70, %sub3A_69, %scan3A_67#4 : i32
      %eq3A_72 = arith.constant -1 : i32
      %eq3A_73 = arith.cmpi eq, %select_n3A_71, %eq3A_72 : i32
      %select_n3A_74 = arith.constant 2 : i32
      %select_n3A_75 = arith.select %eq3A_73, %select_n3A_74, %select_n3A_71 : i32
      %add3A_76 = arith.addi %select_n3A_75, %mul3A_6 : i32
      %sub3A_77 = arith.constant 1 : i32
      %sub3A_78 = arith.subi %select_n3A_75, %sub3A_77 : i32
      %select_n3A_79 = arith.constant true
      %select_n3A_80 = arith.select %select_n3A_79, %sub3A_78, %select_n3A_75 : i32
      %eq3A_81 = arith.constant -1 : i32
      %eq3A_82 = arith.cmpi eq, %select_n3A_80, %eq3A_81 : i32
      %select_n3A_83 = arith.constant 2 : i32
      %select_n3A_84 = arith.select %eq3A_82, %select_n3A_83, %select_n3A_80 : i32
      %add3A_85 = arith.addi %select_n3A_84, %mul3A_6 : i32
      %add3A_86 = arith.constant 1 : i32
      %add3A_87 = arith.addi %select_n3A_75, %add3A_86 : i32
      %select_n3A_88 = arith.constant true
      %select_n3A_89 = arith.select %select_n3A_88, %add3A_87, %select_n3A_75 : i32
      %eq3A_90 = arith.constant 3 : i32
      %eq3A_91 = arith.cmpi eq, %select_n3A_89, %eq3A_90 : i32
      %select_n3A_92 = arith.constant 0 : i32
      %select_n3A_93 = arith.select %eq3A_91, %select_n3A_92, %select_n3A_89 : i32
      %add3A_94 = arith.addi %select_n3A_93, %mul3A_6 : i32
      %add3A_95 = arith.constant 1 : i32
      %add3A_96 = arith.addi %select_n3A_93, %add3A_95 : i32
      %select_n3A_97 = arith.constant true
      %select_n3A_98 = arith.select %select_n3A_97, %add3A_96, %select_n3A_93 : i32
      %eq3A_99 = arith.constant 3 : i32
      %eq3A_100 = arith.cmpi eq, %select_n3A_98, %eq3A_99 : i32
      %select_n3A_101 = arith.constant 0 : i32
      %select_n3A_102 = arith.select %eq3A_100, %select_n3A_101, %select_n3A_98 : i32
      %add3A_103 = arith.addi %select_n3A_102, %mul3A_6 : i32
      "tpu.trace_start"() <{level = 10 : i32, message = "ep_finalize"}> : () -> ()
      %rem3A_104 = arith.constant 2 : i32
      %rem3A_105 = arith.remui %scan3A_67#3, %rem3A_104 : i32
      %mul3A_106 = arith.constant 128 : i32
      %mul3A_107 = arith.muli %mul3A_106, %add3A_76 : i32
      %dma_wait3A = arith.constant 0 : i32
      %dma_wait3A_108 = arith.constant 0 : i32
      %dma_wait3A_109 = tpu.memref_slice %run_scoped3A_8[%rem3A_105, %dma_wait3A, %dma_wait3A_108] : memref<2x128x256xf32, #tpu.memory_space<vmem>> -> memref<1x128x256xf32, #tpu.memory_space<vmem>>
      %dma_wait3A_110 = tpu.memref_squeeze %dma_wait3A_109 : memref<1x128x256xf32, #tpu.memory_space<vmem>> -> memref<128x256xf32, #tpu.memory_space<vmem>>
      %dma_wait3A_111 = arith.constant 0 : i32
      %dma_wait3A_112 = tpu.memref_slice %arg4[%mul3A_107, %dma_wait3A_111] : memref<12288x256xf32, #tpu.memory_space<hbm>> -> memref<128x256xf32, #tpu.memory_space<hbm>>
      %dma_wait3A_113 = tpu.memref_slice %run_scoped3A_9[%rem3A_105] : memref<2x!tpu.dma_semaphore, #tpu.memory_space<semaphore_mem>> -> memref<1x!tpu.dma_semaphore, #tpu.memory_space<semaphore_mem>>
      %dma_wait3A_114 = tpu.memref_squeeze %dma_wait3A_113 : memref<1x!tpu.dma_semaphore, #tpu.memory_space<semaphore_mem>> -> memref<!tpu.dma_semaphore, #tpu.memory_space<semaphore_mem>>
      %dma_wait3A_115 = arith.constant 0 : i32
      %dma_wait3A_116 = tpu.memref_slice %arg4[%mul3A_107, %dma_wait3A_115] : memref<12288x256xf32, #tpu.memory_space<hbm>> -> memref<128x256xf32, #tpu.memory_space<hbm>>
      %dma_wait3A_117 = arith.constant 0 : i32
      %dma_wait3A_118 = arith.constant 0 : i32
      %dma_wait3A_119 = tpu.memref_slice %run_scoped3A_8[%rem3A_105, %dma_wait3A_117, %dma_wait3A_118] : memref<2x128x256xf32, #tpu.memory_space<vmem>> -> memref<1x128x256xf32, #tpu.memory_space<vmem>>
      %dma_wait3A_120 = tpu.memref_squeeze %dma_wait3A_119 : memref<1x128x256xf32, #tpu.memory_space<vmem>> -> memref<128x256xf32, #tpu.memory_space<vmem>>
      tpu.wait_dma2 semaphore(%dma_wait3A_114 : memref<!tpu.dma_semaphore, #tpu.memory_space<semaphore_mem>>) src(%dma_wait3A_120 : memref<128x256xf32, #tpu.memory_space<vmem>>) dst(%dma_wait3A_116 : memref<128x256xf32, #tpu.memory_space<hbm>>)
      "tpu.trace_stop"() : () -> ()
      tpu.yield
    }) : () -> ()
    return
  }
}

#map = affine_map<(d0, d1) -> (0, 0)>
module attributes {stable_mosaic.version = 14 : i64} {
  func.func @disp(%arg0: i32, %arg1: i32, %arg2: memref<6144x256xf32, #tpu.memory_space<hbm>>, %arg3: memref<1x12288xi32, #tpu.memory_space<hbm>>, %arg4: memref<18432x256xf32, #tpu.memory_space<hbm>>) attributes {dimension_semantics = [#tpu.dimension_semantics<core_parallel>, #tpu.dimension_semantics<subcore_parallel>], iteration_bounds = array<i64: 2, 16>, scalar_prefetch = 0 : i64, scratch_operands = 0 : i64, tpu.core_type = #tpu.core_type<sc_vector_subcore>, window_params = [{transform_indices = #map}, {transform_indices = #map}, {transform_indices = #map}]} {
    %mul3A = arith.constant 1 : i32
    %mul3A_0 = arith.muli %arg1, %mul3A : i32
    %add3A = arith.constant 0 : i32
    %add3A_1 = arith.addi %add3A, %mul3A_0 : i32
    %mul3A_2 = arith.constant 16 : i32
    %mul3A_3 = arith.muli %arg0, %mul3A_2 : i32
    %add3A_4 = arith.addi %add3A_1, %mul3A_3 : i32
    %mul3A_5 = arith.constant 3 : i32
    %mul3A_6 = arith.muli %add3A_4, %mul3A_5 : i32
    "tpu.region"() ({
      %run_scoped3A = memref.alloca() : memref<2x128x256xf32, #tpu.memory_space<vmem>>
      %run_scoped3A_7 = tpu.sem_alloc : memref<2x!tpu.dma_semaphore, #tpu.memory_space<semaphore_mem>>
      %run_scoped3A_8 = memref.alloca() : memref<2x1x128xi32, #tpu.memory_space<vmem>>
      %run_scoped3A_9 = tpu.sem_alloc : memref<2x!tpu.dma_semaphore, #tpu.memory_space<semaphore_mem>>
      %add3A_10 = arith.constant 0 : i32
      %add3A_11 = arith.addi %add3A_10, %mul3A_6 : i32
      %select_n3A = arith.constant true
      %select_n3A_12 = arith.constant 0 : i32
      %select_n3A_13 = arith.constant -1 : i32
      %select_n3A_14 = arith.select %select_n3A, %select_n3A_13, %select_n3A_12 : i32
      %eq3A = arith.constant -1 : i32
      %eq3A_15 = arith.cmpi eq, %select_n3A_14, %eq3A : i32
      %select_n3A_16 = arith.constant 2 : i32
      %select_n3A_17 = arith.select %eq3A_15, %select_n3A_16, %select_n3A_14 : i32
      %add3A_18 = arith.addi %select_n3A_17, %mul3A_6 : i32
      %select_n3A_19 = arith.constant true
      %select_n3A_20 = arith.constant 0 : i32
      %select_n3A_21 = arith.constant 1 : i32
      %select_n3A_22 = arith.select %select_n3A_19, %select_n3A_21, %select_n3A_20 : i32
      %eq3A_23 = arith.constant 3 : i32
      %eq3A_24 = arith.cmpi eq, %select_n3A_22, %eq3A_23 : i32
      %select_n3A_25 = arith.constant 0 : i32
      %select_n3A_26 = arith.select %eq3A_24, %select_n3A_25, %select_n3A_22 : i32
      %add3A_27 = arith.addi %select_n3A_26, %mul3A_6 : i32
      %add3A_28 = arith.constant 1 : i32
      %add3A_29 = arith.addi %select_n3A_26, %add3A_28 : i32
      %select_n3A_30 = arith.constant true
      %select_n3A_31 = arith.select %select_n3A_30, %add3A_29, %select_n3A_26 : i32
      %eq3A_32 = arith.constant 3 : i32
      %eq3A_33 = arith.cmpi eq, %select_n3A_31, %eq3A_32 : i32
      %select_n3A_34 = arith.constant 0 : i32
      %select_n3A_35 = arith.select %eq3A_33, %select_n3A_34, %select_n3A_31 : i32
      %add3A_36 = arith.addi %select_n3A_35, %mul3A_6 : i32
      "tpu.trace_start"() <{level = 10 : i32, message = "ep_initialize_0"}> : () -> ()
      %rem3A = arith.constant 0 : i32
      %rem3A_37 = arith.constant 2 : i32
      %rem3A_38 = arith.remui %rem3A, %rem3A_37 : i32
      %jit3A = arith.constant 48 : i32
      %eq3A_39 = arith.constant 0 : i32
      %eq3A_40 = arith.cmpi eq, %jit3A, %eq3A_39 : i32
      %jit3A_41 = arith.constant 1 : i32
      %select_n3A_42 = arith.select %eq3A_40, %jit3A_41, %jit3A : i32
      %rem3A_43 = arith.remsi %add3A_11, %select_n3A_42 : i32
      %ne3A = arith.constant 0 : i32
      %ne3A_44 = arith.cmpi ne, %rem3A_43, %ne3A : i32
      %lt3A = arith.constant 0 : i32
      %lt3A_45 = arith.cmpi slt, %rem3A_43, %lt3A : i32
      %lt3A_46 = arith.constant 0 : i32
      %lt3A_47 = arith.cmpi slt, %select_n3A_42, %lt3A_46 : i32
      %ne3A_48 = arith.xori %lt3A_45, %lt3A_47 : i1
      %and3A = arith.andi %ne3A_48, %ne3A_44 : i1
      %add3A_49 = arith.addi %rem3A_43, %select_n3A_42 : i32
      %select_n3A_50 = arith.select %and3A, %add3A_49, %rem3A_43 : i32
      %mul3A_51 = arith.constant 128 : i32
      %mul3A_52 = arith.muli %mul3A_51, %select_n3A_50 : i32
      %dma_start3A = arith.constant 0 : i32
      %dma_start3A_53 = arith.constant 0 : i32
      %dma_start3A_54 = tpu.memref_slice %run_scoped3A[%rem3A_38, %dma_start3A, %dma_start3A_53] : memref<2x128x256xf32, #tpu.memory_space<vmem>> -> memref<1x128x256xf32, #tpu.memory_space<vmem>>
      %dma_start3A_55 = tpu.memref_squeeze %dma_start3A_54 : memref<1x128x256xf32, #tpu.memory_space<vmem>> -> memref<128x256xf32, #tpu.memory_space<vmem>>
      %dma_start3A_56 = arith.constant 0 : i32
      %dma_start3A_57 = tpu.memref_slice %arg2[%mul3A_52, %dma_start3A_56] : memref<6144x256xf32, #tpu.memory_space<hbm>> -> memref<128x256xf32, #tpu.memory_space<hbm>>
      %dma_start3A_58 = tpu.memref_slice %run_scoped3A_7[%rem3A_38] : memref<2x!tpu.dma_semaphore, #tpu.memory_space<semaphore_mem>> -> memref<1x!tpu.dma_semaphore, #tpu.memory_space<semaphore_mem>>
      %dma_start3A_59 = tpu.memref_squeeze %dma_start3A_58 : memref<1x!tpu.dma_semaphore, #tpu.memory_space<semaphore_mem>> -> memref<!tpu.dma_semaphore, #tpu.memory_space<semaphore_mem>>
      %dma_start3A_60 = arith.constant 0 : i32
      %dma_start3A_61 = arith.constant 0 : i32
      %dma_start3A_62 = tpu.memref_slice %run_scoped3A[%rem3A_38, %dma_start3A_60, %dma_start3A_61] : memref<2x128x256xf32, #tpu.memory_space<vmem>> -> memref<1x128x256xf32, #tpu.memory_space<vmem>>
      %dma_start3A_63 = tpu.memref_squeeze %dma_start3A_62 : memref<1x128x256xf32, #tpu.memory_space<vmem>> -> memref<128x256xf32, #tpu.memory_space<vmem>>
      %dma_start3A_64 = arith.constant 0 : i32
      %dma_start3A_65 = tpu.memref_slice %arg2[%mul3A_52, %dma_start3A_64] : memref<6144x256xf32, #tpu.memory_space<hbm>> -> memref<128x256xf32, #tpu.memory_space<hbm>>
      tpu.enqueue_dma source(%dma_start3A_65 : memref<128x256xf32, #tpu.memory_space<hbm>>) target(%dma_start3A_63 : memref<128x256xf32, #tpu.memory_space<vmem>>) target_semaphore(%dma_start3A_59 : memref<!tpu.dma_semaphore, #tpu.memory_space<semaphore_mem>>)
      %add3A_66 = arith.constant 0 : i32
      %add3A_67 = arith.constant 1 : i32
      %add3A_68 = arith.addi %add3A_66, %add3A_67 : i32
      %select_n3A_69 = arith.constant true
      %select_n3A_70 = arith.constant 0 : i32
      %select_n3A_71 = arith.select %select_n3A_69, %add3A_68, %select_n3A_70 : i32
      %rem3A_72 = arith.constant 0 : i32
      %rem3A_73 = arith.constant 2 : i32
      %rem3A_74 = arith.remui %rem3A_72, %rem3A_73 : i32
      %mul3A_75 = arith.constant 128 : i32
      %mul3A_76 = arith.muli %mul3A_75, %add3A_11 : i32
      %dma_start3A_77 = arith.constant 0 : i32
      %dma_start3A_78 = arith.constant 0 : i32
      %dma_start3A_79 = tpu.memref_slice %run_scoped3A_8[%rem3A_74, %dma_start3A_77, %dma_start3A_78] : memref<2x1x128xi32, #tpu.memory_space<vmem>> -> memref<1x1x128xi32, #tpu.memory_space<vmem>>
      %dma_start3A_80 = tpu.memref_squeeze %dma_start3A_79 : memref<1x1x128xi32, #tpu.memory_space<vmem>> -> memref<1x128xi32, #tpu.memory_space<vmem>>
      %dma_start3A_81 = arith.constant 0 : i32
      %dma_start3A_82 = tpu.memref_slice %arg3[%dma_start3A_81, %mul3A_76] : memref<1x12288xi32, #tpu.memory_space<hbm>> -> memref<1x128xi32, #tpu.memory_space<hbm>>
      %dma_start3A_83 = tpu.memref_slice %run_scoped3A_9[%rem3A_74] : memref<2x!tpu.dma_semaphore, #tpu.memory_space<semaphore_mem>> -> memref<1x!tpu.dma_semaphore, #tpu.memory_space<semaphore_mem>>
      %dma_start3A_84 = tpu.memref_squeeze %dma_start3A_83 : memref<1x!tpu.dma_semaphore, #tpu.memory_space<semaphore_mem>> -> memref<!tpu.dma_semaphore, #tpu.memory_space<semaphore_mem>>
      %dma_start3A_85 = arith.constant 0 : i32
      %dma_start3A_86 = arith.constant 0 : i32
      %dma_start3A_87 = tpu.memref_slice %run_scoped3A_8[%rem3A_74, %dma_start3A_85, %dma_start3A_86] : memref<2x1x128xi32, #tpu.memory_space<vmem>> -> memref<1x1x128xi32, #tpu.memory_space<vmem>>
      %dma_start3A_88 = tpu.memref_squeeze %dma_start3A_87 : memref<1x1x128xi32, #tpu.memory_space<vmem>> -> memref<1x128xi32, #tpu.memory_space<vmem>>
      %dma_start3A_89 = arith.constant 0 : i32
      %dma_start3A_90 = tpu.memref_slice %arg3[%dma_start3A_89, %mul3A_76] : memref<1x12288xi32, #tpu.memory_space<hbm>> -> memref<1x128xi32, #tpu.memory_space<hbm>>
      tpu.enqueue_dma source(%dma_start3A_90 : memref<1x128xi32, #tpu.memory_space<hbm>>) target(%dma_start3A_88 : memref<1x128xi32, #tpu.memory_space<vmem>>) target_semaphore(%dma_start3A_84 : memref<!tpu.dma_semaphore, #tpu.memory_space<semaphore_mem>>)
      %add3A_91 = arith.constant 0 : i32
      %add3A_92 = arith.constant 1 : i32
      %add3A_93 = arith.addi %add3A_91, %add3A_92 : i32
      %select_n3A_94 = arith.constant true
      %select_n3A_95 = arith.constant 0 : i32
      %select_n3A_96 = arith.select %select_n3A_94, %add3A_93, %select_n3A_95 : i32
      "tpu.trace_stop"() : () -> ()
      %scan3A = arith.constant 0 : i32
      %scan3A_97 = arith.constant 0 : i32
      %scan3A_98 = arith.constant 0 : i32
      %scan3A_99 = arith.constant 0 : i32
      %scan3A_100 = arith.constant 3 : i32
      %scan3A_101 = arith.addi %scan3A_99, %scan3A_100 : i32
      %scan3A_102 = arith.constant 1 : i32
      %scan3A_103:5 = scf.for %scan3A_140 = %scan3A_99 to %scan3A_101 step %scan3A_102 iter_args(%scan3A_141 = %select_n3A_71, %scan3A_142 = %scan3A, %scan3A_143 = %select_n3A_96, %scan3A_144 = %scan3A_97, %scan3A_145 = %scan3A_98) -> (i32, i32, i32, i32, i32)  : i32 {
        %eq3A_146 = arith.constant 0 : i32
        %eq3A_147 = arith.cmpi eq, %scan3A_140, %eq3A_146 : i32
        %eq3A_148 = arith.constant 2 : i32
        %eq3A_149 = arith.cmpi eq, %scan3A_140, %eq3A_148 : i32
        %add3A_150 = arith.addi %scan3A_145, %mul3A_6 : i32
        %sub3A_151 = arith.constant 1 : i32
        %sub3A_152 = arith.subi %scan3A_145, %sub3A_151 : i32
        %select_n3A_153 = arith.constant true
        %select_n3A_154 = arith.select %select_n3A_153, %sub3A_152, %scan3A_145 : i32
        %eq3A_155 = arith.constant -1 : i32
        %eq3A_156 = arith.cmpi eq, %select_n3A_154, %eq3A_155 : i32
        %select_n3A_157 = arith.constant 2 : i32
        %select_n3A_158 = arith.select %eq3A_156, %select_n3A_157, %select_n3A_154 : i32
        %add3A_159 = arith.addi %select_n3A_158, %mul3A_6 : i32
        %add3A_160 = arith.constant 1 : i32
        %add3A_161 = arith.addi %scan3A_145, %add3A_160 : i32
        %select_n3A_162 = arith.constant true
        %select_n3A_163 = arith.select %select_n3A_162, %add3A_161, %scan3A_145 : i32
        %eq3A_164 = arith.constant 3 : i32
        %eq3A_165 = arith.cmpi eq, %select_n3A_163, %eq3A_164 : i32
        %select_n3A_166 = arith.constant 0 : i32
        %select_n3A_167 = arith.select %eq3A_165, %select_n3A_166, %select_n3A_163 : i32
        %add3A_168 = arith.addi %select_n3A_167, %mul3A_6 : i32
        %add3A_169 = arith.constant 1 : i32
        %add3A_170 = arith.addi %select_n3A_167, %add3A_169 : i32
        %select_n3A_171 = arith.constant true
        %select_n3A_172 = arith.select %select_n3A_171, %add3A_170, %select_n3A_167 : i32
        %eq3A_173 = arith.constant 3 : i32
        %eq3A_174 = arith.cmpi eq, %select_n3A_172, %eq3A_173 : i32
        %select_n3A_175 = arith.constant 0 : i32
        %select_n3A_176 = arith.select %eq3A_174, %select_n3A_175, %select_n3A_172 : i32
        %add3A_177 = arith.addi %select_n3A_176, %mul3A_6 : i32
        %jit3A_178 = arith.constant 48 : i32
        %eq3A_179 = arith.constant 0 : i32
        %eq3A_180 = arith.cmpi eq, %jit3A_178, %eq3A_179 : i32
        %jit3A_181 = arith.constant 1 : i32
        %select_n3A_182 = arith.select %eq3A_180, %jit3A_181, %jit3A_178 : i32
        %rem3A_183 = arith.remsi %add3A_150, %select_n3A_182 : i32
        %ne3A_184 = arith.constant 0 : i32
        %ne3A_185 = arith.cmpi ne, %rem3A_183, %ne3A_184 : i32
        %lt3A_186 = arith.constant 0 : i32
        %lt3A_187 = arith.cmpi slt, %rem3A_183, %lt3A_186 : i32
        %lt3A_188 = arith.constant 0 : i32
        %lt3A_189 = arith.cmpi slt, %select_n3A_182, %lt3A_188 : i32
        %ne3A_190 = arith.xori %lt3A_187, %lt3A_189 : i1
        %and3A_191 = arith.andi %ne3A_190, %ne3A_185 : i1
        %add3A_192 = arith.addi %rem3A_183, %select_n3A_182 : i32
        %select_n3A_193 = arith.select %and3A_191, %add3A_192, %rem3A_183 : i32
        %jit3A_194 = arith.constant 48 : i32
        %eq3A_195 = arith.constant 0 : i32
        %eq3A_196 = arith.cmpi eq, %jit3A_194, %eq3A_195 : i32
        %jit3A_197 = arith.constant 1 : i32
        %select_n3A_198 = arith.select %eq3A_196, %jit3A_197, %jit3A_194 : i32
        %rem3A_199 = arith.remsi %add3A_168, %select_n3A_198 : i32
        %ne3A_200 = arith.constant 0 : i32
        %ne3A_201 = arith.cmpi ne, %rem3A_199, %ne3A_200 : i32
        %lt3A_202 = arith.constant 0 : i32
        %lt3A_203 = arith.cmpi slt, %rem3A_199, %lt3A_202 : i32
        %lt3A_204 = arith.constant 0 : i32
        %lt3A_205 = arith.cmpi slt, %select_n3A_198, %lt3A_204 : i32
        %ne3A_206 = arith.xori %lt3A_203, %lt3A_205 : i1
        %and3A_207 = arith.andi %ne3A_206, %ne3A_201 : i1
        %add3A_208 = arith.addi %rem3A_199, %select_n3A_198 : i32
        %select_n3A_209 = arith.select %and3A_207, %add3A_208, %rem3A_199 : i32
        %ne3A_210 = arith.cmpi ne, %select_n3A_193, %select_n3A_209 : i32
        %or3A = arith.constant false
        %or3A_211 = arith.ori %or3A, %ne3A_210 : i1
        %or3A_212 = arith.constant false
        %or3A_213 = arith.ori %or3A_211, %or3A_212 : i1
        %ge3A = arith.constant 2 : i32
        %ge3A_214 = arith.cmpi sge, %scan3A_140, %ge3A : i32
        %not3A = arith.constant true
        %not3A_215 = arith.xori %ge3A_214, %not3A : i1
        %and3A_216 = arith.andi %or3A_213, %not3A_215 : i1
        %convert_element_type3A = arith.extui %and3A_216 : i1 to i32
        %cond3A = arith.constant 0 : i32
        %cond3A_217 = arith.cmpi ne, %convert_element_type3A, %cond3A : i32
        scf.if %cond3A_217 {
          "tpu.trace_start"() <{level = 10 : i32, message = "ep_copy_in"}> : () -> ()
          %rem3A_456 = arith.constant 2 : i32
          %rem3A_457 = arith.remui %scan3A_141, %rem3A_456 : i32
          %jit3A_458 = arith.constant 48 : i32
          %eq3A_459 = arith.constant 0 : i32
          %eq3A_460 = arith.cmpi eq, %jit3A_458, %eq3A_459 : i32
          %jit3A_461 = arith.constant 1 : i32
          %select_n3A_462 = arith.select %eq3A_460, %jit3A_461, %jit3A_458 : i32
          %rem3A_463 = arith.remsi %add3A_168, %select_n3A_462 : i32
          %ne3A_464 = arith.constant 0 : i32
          %ne3A_465 = arith.cmpi ne, %rem3A_463, %ne3A_464 : i32
          %lt3A_466 = arith.constant 0 : i32
          %lt3A_467 = arith.cmpi slt, %rem3A_463, %lt3A_466 : i32
          %lt3A_468 = arith.constant 0 : i32
          %lt3A_469 = arith.cmpi slt, %select_n3A_462, %lt3A_468 : i32
          %ne3A_470 = arith.xori %lt3A_467, %lt3A_469 : i1
          %and3A_471 = arith.andi %ne3A_470, %ne3A_465 : i1
          %add3A_472 = arith.addi %rem3A_463, %select_n3A_462 : i32
          %select_n3A_473 = arith.select %and3A_471, %add3A_472, %rem3A_463 : i32
          %mul3A_474 = arith.constant 128 : i32
          %mul3A_475 = arith.muli %mul3A_474, %select_n3A_473 : i32
          %dma_start3A_476 = arith.constant 0 : i32
          %dma_start3A_477 = arith.constant 0 : i32
          %dma_start3A_478 = tpu.memref_slice %run_scoped3A[%rem3A_457, %dma_start3A_476, %dma_start3A_477] : memref<2x128x256xf32, #tpu.memory_space<vmem>> -> memref<1x128x256xf32, #tpu.memory_space<vmem>>
          %dma_start3A_479 = tpu.memref_squeeze %dma_start3A_478 : memref<1x128x256xf32, #tpu.memory_space<vmem>> -> memref<128x256xf32, #tpu.memory_space<vmem>>
          %dma_start3A_480 = arith.constant 0 : i32
          %dma_start3A_481 = tpu.memref_slice %arg2[%mul3A_475, %dma_start3A_480] : memref<6144x256xf32, #tpu.memory_space<hbm>> -> memref<128x256xf32, #tpu.memory_space<hbm>>
          %dma_start3A_482 = tpu.memref_slice %run_scoped3A_7[%rem3A_457] : memref<2x!tpu.dma_semaphore, #tpu.memory_space<semaphore_mem>> -> memref<1x!tpu.dma_semaphore, #tpu.memory_space<semaphore_mem>>
          %dma_start3A_483 = tpu.memref_squeeze %dma_start3A_482 : memref<1x!tpu.dma_semaphore, #tpu.memory_space<semaphore_mem>> -> memref<!tpu.dma_semaphore, #tpu.memory_space<semaphore_mem>>
          %dma_start3A_484 = arith.constant 0 : i32
          %dma_start3A_485 = arith.constant 0 : i32
          %dma_start3A_486 = tpu.memref_slice %run_scoped3A[%rem3A_457, %dma_start3A_484, %dma_start3A_485] : memref<2x128x256xf32, #tpu.memory_space<vmem>> -> memref<1x128x256xf32, #tpu.memory_space<vmem>>
          %dma_start3A_487 = tpu.memref_squeeze %dma_start3A_486 : memref<1x128x256xf32, #tpu.memory_space<vmem>> -> memref<128x256xf32, #tpu.memory_space<vmem>>
          %dma_start3A_488 = arith.constant 0 : i32
          %dma_start3A_489 = tpu.memref_slice %arg2[%mul3A_475, %dma_start3A_488] : memref<6144x256xf32, #tpu.memory_space<hbm>> -> memref<128x256xf32, #tpu.memory_space<hbm>>
          tpu.enqueue_dma source(%dma_start3A_489 : memref<128x256xf32, #tpu.memory_space<hbm>>) target(%dma_start3A_487 : memref<128x256xf32, #tpu.memory_space<vmem>>) target_semaphore(%dma_start3A_483 : memref<!tpu.dma_semaphore, #tpu.memory_space<semaphore_mem>>)
          "tpu.trace_stop"() : () -> ()
        } else {
        }
        %and3A_218 = arith.constant true
        %and3A_219 = arith.andi %and3A_216, %and3A_218 : i1
        %add3A_220 = arith.constant 1 : i32
        %add3A_221 = arith.addi %scan3A_141, %add3A_220 : i32
        %select_n3A_222 = arith.select %and3A_219, %add3A_221, %scan3A_141 : i32
        %ne3A_223 = arith.cmpi ne, %add3A_150, %add3A_168 : i32
        %or3A_224 = arith.constant false
        %or3A_225 = arith.ori %or3A_224, %ne3A_223 : i1
        %ge3A_226 = arith.constant 2 : i32
        %ge3A_227 = arith.cmpi sge, %scan3A_140, %ge3A_226 : i32
        %not3A_228 = arith.constant true
        %not3A_229 = arith.xori %ge3A_227, %not3A_228 : i1
        %and3A_230 = arith.andi %or3A_225, %not3A_229 : i1
        %convert_element_type3A_231 = arith.extui %and3A_230 : i1 to i32
        %cond3A_232 = arith.constant 0 : i32
        %cond3A_233 = arith.cmpi ne, %convert_element_type3A_231, %cond3A_232 : i32
        scf.if %cond3A_233 {
          "tpu.trace_start"() <{level = 10 : i32, message = "ep_copy_in"}> : () -> ()
          %rem3A_456 = arith.constant 2 : i32
          %rem3A_457 = arith.remui %scan3A_143, %rem3A_456 : i32
          %mul3A_458 = arith.constant 128 : i32
          %mul3A_459 = arith.muli %mul3A_458, %add3A_168 : i32
          %dma_start3A_460 = arith.constant 0 : i32
          %dma_start3A_461 = arith.constant 0 : i32
          %dma_start3A_462 = tpu.memref_slice %run_scoped3A_8[%rem3A_457, %dma_start3A_460, %dma_start3A_461] : memref<2x1x128xi32, #tpu.memory_space<vmem>> -> memref<1x1x128xi32, #tpu.memory_space<vmem>>
          %dma_start3A_463 = tpu.memref_squeeze %dma_start3A_462 : memref<1x1x128xi32, #tpu.memory_space<vmem>> -> memref<1x128xi32, #tpu.memory_space<vmem>>
          %dma_start3A_464 = arith.constant 0 : i32
          %dma_start3A_465 = tpu.memref_slice %arg3[%dma_start3A_464, %mul3A_459] : memref<1x12288xi32, #tpu.memory_space<hbm>> -> memref<1x128xi32, #tpu.memory_space<hbm>>
          %dma_start3A_466 = tpu.memref_slice %run_scoped3A_9[%rem3A_457] : memref<2x!tpu.dma_semaphore, #tpu.memory_space<semaphore_mem>> -> memref<1x!tpu.dma_semaphore, #tpu.memory_space<semaphore_mem>>
          %dma_start3A_467 = tpu.memref_squeeze %dma_start3A_466 : memref<1x!tpu.dma_semaphore, #tpu.memory_space<semaphore_mem>> -> memref<!tpu.dma_semaphore, #tpu.memory_space<semaphore_mem>>
          %dma_start3A_468 = arith.constant 0 : i32
          %dma_start3A_469 = arith.constant 0 : i32
          %dma_start3A_470 = tpu.memref_slice %run_scoped3A_8[%rem3A_457, %dma_start3A_468, %dma_start3A_469] : memref<2x1x128xi32, #tpu.memory_space<vmem>> -> memref<1x1x128xi32, #tpu.memory_space<vmem>>
          %dma_start3A_471 = tpu.memref_squeeze %dma_start3A_470 : memref<1x1x128xi32, #tpu.memory_space<vmem>> -> memref<1x128xi32, #tpu.memory_space<vmem>>
          %dma_start3A_472 = arith.constant 0 : i32
          %dma_start3A_473 = tpu.memref_slice %arg3[%dma_start3A_472, %mul3A_459] : memref<1x12288xi32, #tpu.memory_space<hbm>> -> memref<1x128xi32, #tpu.memory_space<hbm>>
          tpu.enqueue_dma source(%dma_start3A_473 : memref<1x128xi32, #tpu.memory_space<hbm>>) target(%dma_start3A_471 : memref<1x128xi32, #tpu.memory_space<vmem>>) target_semaphore(%dma_start3A_467 : memref<!tpu.dma_semaphore, #tpu.memory_space<semaphore_mem>>)
          "tpu.trace_stop"() : () -> ()
        } else {
        }
        %and3A_234 = arith.constant true
        %and3A_235 = arith.andi %and3A_230, %and3A_234 : i1
        %add3A_236 = arith.constant 1 : i32
        %add3A_237 = arith.addi %scan3A_143, %add3A_236 : i32
        %select_n3A_238 = arith.select %and3A_235, %add3A_237, %scan3A_143 : i32
        %jit3A_239 = arith.constant 48 : i32
        %eq3A_240 = arith.constant 0 : i32
        %eq3A_241 = arith.cmpi eq, %jit3A_239, %eq3A_240 : i32
        %jit3A_242 = arith.constant 1 : i32
        %select_n3A_243 = arith.select %eq3A_241, %jit3A_242, %jit3A_239 : i32
        %rem3A_244 = arith.remsi %add3A_150, %select_n3A_243 : i32
        %ne3A_245 = arith.constant 0 : i32
        %ne3A_246 = arith.cmpi ne, %rem3A_244, %ne3A_245 : i32
        %lt3A_247 = arith.constant 0 : i32
        %lt3A_248 = arith.cmpi slt, %rem3A_244, %lt3A_247 : i32
        %lt3A_249 = arith.constant 0 : i32
        %lt3A_250 = arith.cmpi slt, %select_n3A_243, %lt3A_249 : i32
        %ne3A_251 = arith.xori %lt3A_248, %lt3A_250 : i1
        %and3A_252 = arith.andi %ne3A_251, %ne3A_246 : i1
        %add3A_253 = arith.addi %rem3A_244, %select_n3A_243 : i32
        %select_n3A_254 = arith.select %and3A_252, %add3A_253, %rem3A_244 : i32
        %jit3A_255 = arith.constant 48 : i32
        %eq3A_256 = arith.constant 0 : i32
        %eq3A_257 = arith.cmpi eq, %jit3A_255, %eq3A_256 : i32
        %jit3A_258 = arith.constant 1 : i32
        %select_n3A_259 = arith.select %eq3A_257, %jit3A_258, %jit3A_255 : i32
        %rem3A_260 = arith.remsi %add3A_159, %select_n3A_259 : i32
        %ne3A_261 = arith.constant 0 : i32
        %ne3A_262 = arith.cmpi ne, %rem3A_260, %ne3A_261 : i32
        %lt3A_263 = arith.constant 0 : i32
        %lt3A_264 = arith.cmpi slt, %rem3A_260, %lt3A_263 : i32
        %lt3A_265 = arith.constant 0 : i32
        %lt3A_266 = arith.cmpi slt, %select_n3A_259, %lt3A_265 : i32
        %ne3A_267 = arith.xori %lt3A_264, %lt3A_266 : i1
        %and3A_268 = arith.andi %ne3A_267, %ne3A_262 : i1
        %add3A_269 = arith.addi %rem3A_260, %select_n3A_259 : i32
        %select_n3A_270 = arith.select %and3A_268, %add3A_269, %rem3A_260 : i32
        %ne3A_271 = arith.cmpi ne, %select_n3A_254, %select_n3A_270 : i32
        %or3A_272 = arith.constant false
        %or3A_273 = arith.ori %or3A_272, %ne3A_271 : i1
        %or3A_274 = arith.constant false
        %or3A_275 = arith.ori %or3A_273, %or3A_274 : i1
        %or3A_276 = arith.ori %or3A_275, %eq3A_147 : i1
        %convert_element_type3A_277 = arith.extui %or3A_276 : i1 to i32
        %cond3A_278 = arith.constant 0 : i32
        %cond3A_279 = arith.cmpi ne, %convert_element_type3A_277, %cond3A_278 : i32
        scf.if %cond3A_279 {
          %jit3A_456 = arith.constant 48 : i32
          "tpu.trace_start"() <{level = 10 : i32, message = "ep_wait_in"}> : () -> ()
          %eq3A_457 = arith.constant 0 : i32
          %eq3A_458 = arith.cmpi eq, %jit3A_456, %eq3A_457 : i32
          %jit3A_459 = arith.constant 1 : i32
          %select_n3A_460 = arith.select %eq3A_458, %jit3A_459, %jit3A_456 : i32
          %rem3A_461 = arith.remsi %add3A_150, %select_n3A_460 : i32
          %ne3A_462 = arith.constant 0 : i32
          %ne3A_463 = arith.cmpi ne, %rem3A_461, %ne3A_462 : i32
          %lt3A_464 = arith.constant 0 : i32
          %lt3A_465 = arith.cmpi slt, %rem3A_461, %lt3A_464 : i32
          %lt3A_466 = arith.constant 0 : i32
          %lt3A_467 = arith.cmpi slt, %select_n3A_460, %lt3A_466 : i32
          %ne3A_468 = arith.xori %lt3A_465, %lt3A_467 : i1
          %and3A_469 = arith.andi %ne3A_468, %ne3A_463 : i1
          %add3A_470 = arith.addi %rem3A_461, %select_n3A_460 : i32
          %select_n3A_471 = arith.select %and3A_469, %add3A_470, %rem3A_461 : i32
          %mul3A_472 = arith.constant 128 : i32
          %mul3A_473 = arith.muli %mul3A_472, %select_n3A_471 : i32
          %rem3A_474 = arith.constant 2 : i32
          %rem3A_475 = arith.remui %scan3A_142, %rem3A_474 : i32
          %dma_wait3A = arith.constant 0 : i32
          %dma_wait3A_476 = arith.constant 0 : i32
          %dma_wait3A_477 = tpu.memref_slice %run_scoped3A[%rem3A_475, %dma_wait3A, %dma_wait3A_476] : memref<2x128x256xf32, #tpu.memory_space<vmem>> -> memref<1x128x256xf32, #tpu.memory_space<vmem>>
          %dma_wait3A_478 = tpu.memref_squeeze %dma_wait3A_477 : memref<1x128x256xf32, #tpu.memory_space<vmem>> -> memref<128x256xf32, #tpu.memory_space<vmem>>
          %dma_wait3A_479 = arith.constant 0 : i32
          %dma_wait3A_480 = tpu.memref_slice %arg2[%mul3A_473, %dma_wait3A_479] : memref<6144x256xf32, #tpu.memory_space<hbm>> -> memref<128x256xf32, #tpu.memory_space<hbm>>
          %dma_wait3A_481 = tpu.memref_slice %run_scoped3A_7[%rem3A_475] : memref<2x!tpu.dma_semaphore, #tpu.memory_space<semaphore_mem>> -> memref<1x!tpu.dma_semaphore, #tpu.memory_space<semaphore_mem>>
          %dma_wait3A_482 = tpu.memref_squeeze %dma_wait3A_481 : memref<1x!tpu.dma_semaphore, #tpu.memory_space<semaphore_mem>> -> memref<!tpu.dma_semaphore, #tpu.memory_space<semaphore_mem>>
          %dma_wait3A_483 = arith.constant 0 : i32
          %dma_wait3A_484 = arith.constant 0 : i32
          %dma_wait3A_485 = tpu.memref_slice %run_scoped3A[%rem3A_475, %dma_wait3A_483, %dma_wait3A_484] : memref<2x128x256xf32, #tpu.memory_space<vmem>> -> memref<1x128x256xf32, #tpu.memory_space<vmem>>
          %dma_wait3A_486 = tpu.memref_squeeze %dma_wait3A_485 : memref<1x128x256xf32, #tpu.memory_space<vmem>> -> memref<128x256xf32, #tpu.memory_space<vmem>>
          %dma_wait3A_487 = arith.constant 0 : i32
          %dma_wait3A_488 = tpu.memref_slice %arg2[%mul3A_473, %dma_wait3A_487] : memref<6144x256xf32, #tpu.memory_space<hbm>> -> memref<128x256xf32, #tpu.memory_space<hbm>>
          tpu.wait_dma2 semaphore(%dma_wait3A_482 : memref<!tpu.dma_semaphore, #tpu.memory_space<semaphore_mem>>) src(%dma_wait3A_488 : memref<128x256xf32, #tpu.memory_space<hbm>>) dst(%dma_wait3A_486 : memref<128x256xf32, #tpu.memory_space<vmem>>)
          "tpu.trace_stop"() : () -> ()
        } else {
        }
        %ne3A_280 = arith.cmpi ne, %add3A_150, %add3A_159 : i32
        %or3A_281 = arith.constant false
        %or3A_282 = arith.ori %or3A_281, %ne3A_280 : i1
        %or3A_283 = arith.ori %or3A_282, %eq3A_147 : i1
        %convert_element_type3A_284 = arith.extui %or3A_283 : i1 to i32
        %cond3A_285 = arith.constant 0 : i32
        %cond3A_286 = arith.cmpi ne, %convert_element_type3A_284, %cond3A_285 : i32
        scf.if %cond3A_286 {
          "tpu.trace_start"() <{level = 10 : i32, message = "ep_wait_in"}> : () -> ()
          %mul3A_456 = arith.constant 128 : i32
          %mul3A_457 = arith.muli %mul3A_456, %add3A_150 : i32
          %rem3A_458 = arith.constant 2 : i32
          %rem3A_459 = arith.remui %scan3A_144, %rem3A_458 : i32
          %dma_wait3A = arith.constant 0 : i32
          %dma_wait3A_460 = arith.constant 0 : i32
          %dma_wait3A_461 = tpu.memref_slice %run_scoped3A_8[%rem3A_459, %dma_wait3A, %dma_wait3A_460] : memref<2x1x128xi32, #tpu.memory_space<vmem>> -> memref<1x1x128xi32, #tpu.memory_space<vmem>>
          %dma_wait3A_462 = tpu.memref_squeeze %dma_wait3A_461 : memref<1x1x128xi32, #tpu.memory_space<vmem>> -> memref<1x128xi32, #tpu.memory_space<vmem>>
          %dma_wait3A_463 = arith.constant 0 : i32
          %dma_wait3A_464 = tpu.memref_slice %arg3[%dma_wait3A_463, %mul3A_457] : memref<1x12288xi32, #tpu.memory_space<hbm>> -> memref<1x128xi32, #tpu.memory_space<hbm>>
          %dma_wait3A_465 = tpu.memref_slice %run_scoped3A_9[%rem3A_459] : memref<2x!tpu.dma_semaphore, #tpu.memory_space<semaphore_mem>> -> memref<1x!tpu.dma_semaphore, #tpu.memory_space<semaphore_mem>>
          %dma_wait3A_466 = tpu.memref_squeeze %dma_wait3A_465 : memref<1x!tpu.dma_semaphore, #tpu.memory_space<semaphore_mem>> -> memref<!tpu.dma_semaphore, #tpu.memory_space<semaphore_mem>>
          %dma_wait3A_467 = arith.constant 0 : i32
          %dma_wait3A_468 = arith.constant 0 : i32
          %dma_wait3A_469 = tpu.memref_slice %run_scoped3A_8[%rem3A_459, %dma_wait3A_467, %dma_wait3A_468] : memref<2x1x128xi32, #tpu.memory_space<vmem>> -> memref<1x1x128xi32, #tpu.memory_space<vmem>>
          %dma_wait3A_470 = tpu.memref_squeeze %dma_wait3A_469 : memref<1x1x128xi32, #tpu.memory_space<vmem>> -> memref<1x128xi32, #tpu.memory_space<vmem>>
          %dma_wait3A_471 = arith.constant 0 : i32
          %dma_wait3A_472 = tpu.memref_slice %arg3[%dma_wait3A_471, %mul3A_457] : memref<1x12288xi32, #tpu.memory_space<hbm>> -> memref<1x128xi32, #tpu.memory_space<hbm>>
          tpu.wait_dma2 semaphore(%dma_wait3A_466 : memref<!tpu.dma_semaphore, #tpu.memory_space<semaphore_mem>>) src(%dma_wait3A_472 : memref<1x128xi32, #tpu.memory_space<hbm>>) dst(%dma_wait3A_470 : memref<1x128xi32, #tpu.memory_space<vmem>>)
          "tpu.trace_stop"() : () -> ()
        } else {
        }
        %rem3A_287 = arith.constant 2 : i32
        %rem3A_288 = arith.remui %scan3A_142, %rem3A_287 : i32
        %rem3A_289 = arith.constant 2 : i32
        %rem3A_290 = arith.remui %scan3A_144, %rem3A_289 : i32
        %run_scoped3A_291 = arith.constant 0 : i32
        "tpu.trace_start"() <{level = 10 : i32, message = "ep_run_kernel"}> : () -> ()
        "tpu.region"() ({
          %run_scoped3A_456 = tpu.sem_alloc : memref<!tpu.dma_semaphore, #tpu.memory_space<semaphore_mem>>
          %dma_start3A_457 = arith.constant 0 : i32
          %dma_start3A_458 = arith.constant 0 : i32
          %dma_start3A_459 = tpu.memref_slice %run_scoped3A[%rem3A_288, %dma_start3A_457, %dma_start3A_458] : memref<2x128x256xf32, #tpu.memory_space<vmem>> -> memref<1x128x256xf32, #tpu.memory_space<vmem>>
          %dma_start3A_460 = tpu.memref_squeeze %dma_start3A_459 : memref<1x128x256xf32, #tpu.memory_space<vmem>> -> memref<128x256xf32, #tpu.memory_space<vmem>>
          %dma_start3A_461 = arith.constant 0 : i32
          %dma_start3A_462 = arith.constant 0 : i32
          %dma_start3A_463 = tpu.memref_slice %run_scoped3A_8[%rem3A_290, %dma_start3A_461, %dma_start3A_462] : memref<2x1x128xi32, #tpu.memory_space<vmem>> -> memref<1x1x128xi32, #tpu.memory_space<vmem>>
          %dma_start3A_464 = tpu.memref_squeeze %dma_start3A_463 : memref<1x1x128xi32, #tpu.memory_space<vmem>> -> memref<1x128xi32, #tpu.memory_space<vmem>>
          %dma_start3A_465 = arith.constant 0 : i32
          %dma_start3A_466 = tpu.memref_slice %dma_start3A_464[%run_scoped3A_291, %dma_start3A_465] : memref<1x128xi32, #tpu.memory_space<vmem>> -> memref<1x128xi32, #tpu.memory_space<vmem>>
          %dma_start3A_467 = tpu.memref_squeeze %dma_start3A_466 : memref<1x128xi32, #tpu.memory_space<vmem>> -> memref<128xi32, #tpu.memory_space<vmem>>
          %dma_start3A_468 = arith.constant 0 : i32
          %dma_start3A_469 = arith.constant 0 : i32
          %dma_start3A_470 = tpu.memref_slice %arg4[%dma_start3A_468, %dma_start3A_469] : memref<18432x256xf32, #tpu.memory_space<hbm>> -> memref<18432x256xf32, #tpu.memory_space<hbm>>
          tpu.enqueue_indirect_dma source(%dma_start3A_460 : memref<128x256xf32, #tpu.memory_space<vmem>>) target(%dma_start3A_470 : memref<18432x256xf32, #tpu.memory_space<hbm>>) offsets(%dma_start3A_467 : memref<128xi32, #tpu.memory_space<vmem>>) semaphore(%run_scoped3A_456 : memref<!tpu.dma_semaphore, #tpu.memory_space<semaphore_mem>>)
          %dma_wait3A = arith.constant 0 : i32
          %dma_wait3A_471 = arith.constant 0 : i32
          %dma_wait3A_472 = tpu.memref_slice %run_scoped3A[%rem3A_288, %dma_wait3A, %dma_wait3A_471] : memref<2x128x256xf32, #tpu.memory_space<vmem>> -> memref<1x128x256xf32, #tpu.memory_space<vmem>>
          %dma_wait3A_473 = tpu.memref_squeeze %dma_wait3A_472 : memref<1x128x256xf32, #tpu.memory_space<vmem>> -> memref<128x256xf32, #tpu.memory_space<vmem>>
          %dma_wait3A_474 = arith.constant 0 : i32
          %dma_wait3A_475 = arith.constant 0 : i32
          %dma_wait3A_476 = tpu.memref_slice %run_scoped3A_8[%rem3A_290, %dma_wait3A_474, %dma_wait3A_475] : memref<2x1x128xi32, #tpu.memory_space<vmem>> -> memref<1x1x128xi32, #tpu.memory_space<vmem>>
          %dma_wait3A_477 = tpu.memref_squeeze %dma_wait3A_476 : memref<1x1x128xi32, #tpu.memory_space<vmem>> -> memref<1x128xi32, #tpu.memory_space<vmem>>
          %dma_wait3A_478 = arith.constant 0 : i32
          %dma_wait3A_479 = tpu.memref_slice %dma_wait3A_477[%run_scoped3A_291, %dma_wait3A_478] : memref<1x128xi32, #tpu.memory_space<vmem>> -> memref<1x128xi32, #tpu.memory_space<vmem>>
          %dma_wait3A_480 = tpu.memref_squeeze %dma_wait3A_479 : memref<1x128xi32, #tpu.memory_space<vmem>> -> memref<128xi32, #tpu.memory_space<vmem>>
          %dma_wait3A_481 = arith.constant 0 : i32
          %dma_wait3A_482 = arith.constant 0 : i32
          %dma_wait3A_483 = tpu.memref_slice %arg4[%dma_wait3A_481, %dma_wait3A_482] : memref<18432x256xf32, #tpu.memory_space<hbm>> -> memref<18432x256xf32, #tpu.memory_space<hbm>>
          tpu.wait_indirect_dma semaphore(%run_scoped3A_456 : memref<!tpu.dma_semaphore, #tpu.memory_space<semaphore_mem>>) src(%dma_wait3A_473 : memref<128x256xf32, #tpu.memory_space<vmem>>) dst(%dma_wait3A_483 : memref<18432x256xf32, #tpu.memory_space<hbm>>)
          tpu.yield
        }) : () -> ()
        %jit3A_292 = arith.constant 48 : i32
        "tpu.trace_stop"() : () -> ()
        %eq3A_293 = arith.constant 0 : i32
        %eq3A_294 = arith.cmpi eq, %jit3A_292, %eq3A_293 : i32
        %jit3A_295 = arith.constant 1 : i32
        %select_n3A_296 = arith.select %eq3A_294, %jit3A_295, %jit3A_292 : i32
        %rem3A_297 = arith.remsi %add3A_150, %select_n3A_296 : i32
        %ne3A_298 = arith.constant 0 : i32
        %ne3A_299 = arith.cmpi ne, %rem3A_297, %ne3A_298 : i32
        %lt3A_300 = arith.constant 0 : i32
        %lt3A_301 = arith.cmpi slt, %rem3A_297, %lt3A_300 : i32
        %lt3A_302 = arith.constant 0 : i32
        %lt3A_303 = arith.cmpi slt, %select_n3A_296, %lt3A_302 : i32
        %ne3A_304 = arith.xori %lt3A_301, %lt3A_303 : i1
        %and3A_305 = arith.andi %ne3A_304, %ne3A_299 : i1
        %add3A_306 = arith.addi %rem3A_297, %select_n3A_296 : i32
        %select_n3A_307 = arith.select %and3A_305, %add3A_306, %rem3A_297 : i32
        %jit3A_308 = arith.constant 48 : i32
        %eq3A_309 = arith.constant 0 : i32
        %eq3A_310 = arith.cmpi eq, %jit3A_308, %eq3A_309 : i32
        %jit3A_311 = arith.constant 1 : i32
        %select_n3A_312 = arith.select %eq3A_310, %jit3A_311, %jit3A_308 : i32
        %rem3A_313 = arith.remsi %add3A_168, %select_n3A_312 : i32
        %ne3A_314 = arith.constant 0 : i32
        %ne3A_315 = arith.cmpi ne, %rem3A_313, %ne3A_314 : i32
        %lt3A_316 = arith.constant 0 : i32
        %lt3A_317 = arith.cmpi slt, %rem3A_313, %lt3A_316 : i32
        %lt3A_318 = arith.constant 0 : i32
        %lt3A_319 = arith.cmpi slt, %select_n3A_312, %lt3A_318 : i32
        %ne3A_320 = arith.xori %lt3A_317, %lt3A_319 : i1
        %and3A_321 = arith.andi %ne3A_320, %ne3A_315 : i1
        %add3A_322 = arith.addi %rem3A_313, %select_n3A_312 : i32
        %select_n3A_323 = arith.select %and3A_321, %add3A_322, %rem3A_313 : i32
        %ne3A_324 = arith.cmpi ne, %select_n3A_307, %select_n3A_323 : i32
        %or3A_325 = arith.constant false
        %or3A_326 = arith.ori %or3A_325, %ne3A_324 : i1
        %or3A_327 = arith.constant false
        %or3A_328 = arith.ori %or3A_326, %or3A_327 : i1
        %or3A_329 = arith.ori %or3A_328, %eq3A_149 : i1
        %convert_element_type3A_330 = arith.extui %or3A_329 : i1 to i32
        %cond3A_331 = arith.constant 0 : i32
        %cond3A_332 = arith.cmpi ne, %convert_element_type3A_330, %cond3A_331 : i32
        scf.if %cond3A_332 {
        } else {
        }
        %and3A_333 = arith.constant false
        %and3A_334 = arith.andi %or3A_329, %and3A_333 : i1
        %ne3A_335 = arith.cmpi ne, %add3A_150, %add3A_168 : i32
        %or3A_336 = arith.constant false
        %or3A_337 = arith.ori %or3A_336, %ne3A_335 : i1
        %or3A_338 = arith.ori %or3A_337, %eq3A_149 : i1
        %convert_element_type3A_339 = arith.extui %or3A_338 : i1 to i32
        %cond3A_340 = arith.constant 0 : i32
        %cond3A_341 = arith.cmpi ne, %convert_element_type3A_339, %cond3A_340 : i32
        scf.if %cond3A_341 {
        } else {
        }
        %and3A_342 = arith.constant false
        %and3A_343 = arith.andi %or3A_338, %and3A_342 : i1
        %jit3A_344 = arith.constant 48 : i32
        %eq3A_345 = arith.constant 0 : i32
        %eq3A_346 = arith.cmpi eq, %jit3A_344, %eq3A_345 : i32
        %jit3A_347 = arith.constant 1 : i32
        %select_n3A_348 = arith.select %eq3A_346, %jit3A_347, %jit3A_344 : i32
        %rem3A_349 = arith.remsi %add3A_150, %select_n3A_348 : i32
        %ne3A_350 = arith.constant 0 : i32
        %ne3A_351 = arith.cmpi ne, %rem3A_349, %ne3A_350 : i32
        %lt3A_352 = arith.constant 0 : i32
        %lt3A_353 = arith.cmpi slt, %rem3A_349, %lt3A_352 : i32
        %lt3A_354 = arith.constant 0 : i32
        %lt3A_355 = arith.cmpi slt, %select_n3A_348, %lt3A_354 : i32
        %ne3A_356 = arith.xori %lt3A_353, %lt3A_355 : i1
        %and3A_357 = arith.andi %ne3A_356, %ne3A_351 : i1
        %add3A_358 = arith.addi %rem3A_349, %select_n3A_348 : i32
        %select_n3A_359 = arith.select %and3A_357, %add3A_358, %rem3A_349 : i32
        %jit3A_360 = arith.constant 48 : i32
        %eq3A_361 = arith.constant 0 : i32
        %eq3A_362 = arith.cmpi eq, %jit3A_360, %eq3A_361 : i32
        %jit3A_363 = arith.constant 1 : i32
        %select_n3A_364 = arith.select %eq3A_362, %jit3A_363, %jit3A_360 : i32
        %rem3A_365 = arith.remsi %add3A_159, %select_n3A_364 : i32
        %ne3A_366 = arith.constant 0 : i32
        %ne3A_367 = arith.cmpi ne, %rem3A_365, %ne3A_366 : i32
        %lt3A_368 = arith.constant 0 : i32
        %lt3A_369 = arith.cmpi slt, %rem3A_365, %lt3A_368 : i32
        %lt3A_370 = arith.constant 0 : i32
        %lt3A_371 = arith.cmpi slt, %select_n3A_364, %lt3A_370 : i32
        %ne3A_372 = arith.xori %lt3A_369, %lt3A_371 : i1
        %and3A_373 = arith.andi %ne3A_372, %ne3A_367 : i1
        %add3A_374 = arith.addi %rem3A_365, %select_n3A_364 : i32
        %select_n3A_375 = arith.select %and3A_373, %add3A_374, %rem3A_365 : i32
        %ne3A_376 = arith.cmpi ne, %select_n3A_359, %select_n3A_375 : i32
        %or3A_377 = arith.constant false
        %or3A_378 = arith.ori %or3A_377, %ne3A_376 : i1
        %or3A_379 = arith.constant false
        %or3A_380 = arith.ori %or3A_378, %or3A_379 : i1
        %not3A_381 = arith.constant true
        %not3A_382 = arith.xori %eq3A_147, %not3A_381 : i1
        %and3A_383 = arith.andi %or3A_380, %not3A_382 : i1
        %convert_element_type3A_384 = arith.extui %and3A_383 : i1 to i32
        %cond3A_385 = arith.constant 0 : i32
        %cond3A_386 = arith.cmpi ne, %convert_element_type3A_384, %cond3A_385 : i32
        scf.if %cond3A_386 {
        } else {
        }
        %and3A_387 = arith.constant false
        %and3A_388 = arith.andi %and3A_383, %and3A_387 : i1
        %ne3A_389 = arith.cmpi ne, %add3A_150, %add3A_159 : i32
        %or3A_390 = arith.constant false
        %or3A_391 = arith.ori %or3A_390, %ne3A_389 : i1
        %not3A_392 = arith.constant true
        %not3A_393 = arith.xori %eq3A_147, %not3A_392 : i1
        %and3A_394 = arith.andi %or3A_391, %not3A_393 : i1
        %convert_element_type3A_395 = arith.extui %and3A_394 : i1 to i32
        %cond3A_396 = arith.constant 0 : i32
        %cond3A_397 = arith.cmpi ne, %convert_element_type3A_395, %cond3A_396 : i32
        scf.if %cond3A_397 {
        } else {
        }
        %and3A_398 = arith.constant false
        %and3A_399 = arith.andi %and3A_394, %and3A_398 : i1
        %jit3A_400 = arith.constant 48 : i32
        %eq3A_401 = arith.constant 0 : i32
        %eq3A_402 = arith.cmpi eq, %jit3A_400, %eq3A_401 : i32
        %jit3A_403 = arith.constant 1 : i32
        %select_n3A_404 = arith.select %eq3A_402, %jit3A_403, %jit3A_400 : i32
        %rem3A_405 = arith.remsi %add3A_150, %select_n3A_404 : i32
        %ne3A_406 = arith.constant 0 : i32
        %ne3A_407 = arith.cmpi ne, %rem3A_405, %ne3A_406 : i32
        %lt3A_408 = arith.constant 0 : i32
        %lt3A_409 = arith.cmpi slt, %rem3A_405, %lt3A_408 : i32
        %lt3A_410 = arith.constant 0 : i32
        %lt3A_411 = arith.cmpi slt, %select_n3A_404, %lt3A_410 : i32
        %ne3A_412 = arith.xori %lt3A_409, %lt3A_411 : i1
        %and3A_413 = arith.andi %ne3A_412, %ne3A_407 : i1
        %add3A_414 = arith.addi %rem3A_405, %select_n3A_404 : i32
        %select_n3A_415 = arith.select %and3A_413, %add3A_414, %rem3A_405 : i32
        %jit3A_416 = arith.constant 48 : i32
        %eq3A_417 = arith.constant 0 : i32
        %eq3A_418 = arith.cmpi eq, %jit3A_416, %eq3A_417 : i32
        %jit3A_419 = arith.constant 1 : i32
        %select_n3A_420 = arith.select %eq3A_418, %jit3A_419, %jit3A_416 : i32
        %rem3A_421 = arith.remsi %add3A_168, %select_n3A_420 : i32
        %ne3A_422 = arith.constant 0 : i32
        %ne3A_423 = arith.cmpi ne, %rem3A_421, %ne3A_422 : i32
        %lt3A_424 = arith.constant 0 : i32
        %lt3A_425 = arith.cmpi slt, %rem3A_421, %lt3A_424 : i32
        %lt3A_426 = arith.constant 0 : i32
        %lt3A_427 = arith.cmpi slt, %select_n3A_420, %lt3A_426 : i32
        %ne3A_428 = arith.xori %lt3A_425, %lt3A_427 : i1
        %and3A_429 = arith.andi %ne3A_428, %ne3A_423 : i1
        %add3A_430 = arith.addi %rem3A_421, %select_n3A_420 : i32
        %select_n3A_431 = arith.select %and3A_429, %add3A_430, %rem3A_421 : i32
        %ne3A_432 = arith.cmpi ne, %select_n3A_415, %select_n3A_431 : i32
        %or3A_433 = arith.constant false
        %or3A_434 = arith.ori %or3A_433, %ne3A_432 : i1
        %or3A_435 = arith.constant false
        %or3A_436 = arith.ori %or3A_434, %or3A_435 : i1
        %or3A_437 = arith.ori %or3A_436, %eq3A_149 : i1
        %add3A_438 = arith.constant 1 : i32
        %add3A_439 = arith.addi %scan3A_142, %add3A_438 : i32
        %select_n3A_440 = arith.select %or3A_437, %add3A_439, %scan3A_142 : i32
        %ne3A_441 = arith.cmpi ne, %add3A_150, %add3A_168 : i32
        %or3A_442 = arith.constant false
        %or3A_443 = arith.ori %or3A_442, %ne3A_441 : i1
        %or3A_444 = arith.ori %or3A_443, %eq3A_149 : i1
        %add3A_445 = arith.constant 1 : i32
        %add3A_446 = arith.addi %scan3A_144, %add3A_445 : i32
        %select_n3A_447 = arith.select %or3A_444, %add3A_446, %scan3A_144 : i32
        %add3A_448 = arith.constant 1 : i32
        %add3A_449 = arith.addi %scan3A_145, %add3A_448 : i32
        %select_n3A_450 = arith.constant true
        %select_n3A_451 = arith.select %select_n3A_450, %add3A_449, %scan3A_145 : i32
        %eq3A_452 = arith.constant 3 : i32
        %eq3A_453 = arith.cmpi eq, %select_n3A_451, %eq3A_452 : i32
        %select_n3A_454 = arith.constant 0 : i32
        %select_n3A_455 = arith.select %eq3A_453, %select_n3A_454, %select_n3A_451 : i32
        scf.yield %select_n3A_222, %select_n3A_440, %select_n3A_238, %select_n3A_447, %select_n3A_455 : i32, i32, i32, i32, i32
      }
      %scan3A_104 = arith.constant 3 : i32
      %sub3A = arith.constant 1 : i32
      %sub3A_105 = arith.subi %scan3A_103#4, %sub3A : i32
      %select_n3A_106 = arith.constant true
      %select_n3A_107 = arith.select %select_n3A_106, %sub3A_105, %scan3A_103#4 : i32
      %eq3A_108 = arith.constant -1 : i32
      %eq3A_109 = arith.cmpi eq, %select_n3A_107, %eq3A_108 : i32
      %select_n3A_110 = arith.constant 2 : i32
      %select_n3A_111 = arith.select %eq3A_109, %select_n3A_110, %select_n3A_107 : i32
      %add3A_112 = arith.addi %select_n3A_111, %mul3A_6 : i32
      %sub3A_113 = arith.constant 1 : i32
      %sub3A_114 = arith.subi %select_n3A_111, %sub3A_113 : i32
      %select_n3A_115 = arith.constant true
      %select_n3A_116 = arith.select %select_n3A_115, %sub3A_114, %select_n3A_111 : i32
      %eq3A_117 = arith.constant -1 : i32
      %eq3A_118 = arith.cmpi eq, %select_n3A_116, %eq3A_117 : i32
      %select_n3A_119 = arith.constant 2 : i32
      %select_n3A_120 = arith.select %eq3A_118, %select_n3A_119, %select_n3A_116 : i32
      %add3A_121 = arith.addi %select_n3A_120, %mul3A_6 : i32
      %add3A_122 = arith.constant 1 : i32
      %add3A_123 = arith.addi %select_n3A_111, %add3A_122 : i32
      %select_n3A_124 = arith.constant true
      %select_n3A_125 = arith.select %select_n3A_124, %add3A_123, %select_n3A_111 : i32
      %eq3A_126 = arith.constant 3 : i32
      %eq3A_127 = arith.cmpi eq, %select_n3A_125, %eq3A_126 : i32
      %select_n3A_128 = arith.constant 0 : i32
      %select_n3A_129 = arith.select %eq3A_127, %select_n3A_128, %select_n3A_125 : i32
      %add3A_130 = arith.addi %select_n3A_129, %mul3A_6 : i32
      %add3A_131 = arith.constant 1 : i32
      %add3A_132 = arith.addi %select_n3A_129, %add3A_131 : i32
      %select_n3A_133 = arith.constant true
      %select_n3A_134 = arith.select %select_n3A_133, %add3A_132, %select_n3A_129 : i32
      %eq3A_135 = arith.constant 3 : i32
      %eq3A_136 = arith.cmpi eq, %select_n3A_134, %eq3A_135 : i32
      %select_n3A_137 = arith.constant 0 : i32
      %select_n3A_138 = arith.select %eq3A_136, %select_n3A_137, %select_n3A_134 : i32
      %add3A_139 = arith.addi %select_n3A_138, %mul3A_6 : i32
      tpu.yield
    }) : () -> ()
    return
  }
}

module attributes {stable_mosaic.version = 14 : i64} {
  func.func @_gate_route_kernel(%arg0: memref<2048x768xf32, #tpu.memory_space<vmem>>, %arg1: memref<768x8xf32, #tpu.memory_space<vmem>>, %arg2: memref<128x128xbf16, #tpu.memory_space<vmem>>, %arg3: memref<2048x8xf32, #tpu.memory_space<vmem>>, %arg4: memref<2048x1xf32, #tpu.memory_space<vmem>>, %arg5: memref<2048x1xf32, #tpu.memory_space<vmem>>, %arg6: memref<32x128x3xi32, #tpu.memory_space<vmem>>, %arg7: memref<24x1xi32, #tpu.memory_space<vmem>>, %arg8: memref<24x1xi32, #tpu.memory_space<vmem>>) attributes {dimension_semantics = [], scalar_prefetch = 0 : i64, scratch_operands = 0 : i64, tpu.core_type = #tpu.core_type<tc>} {
    %get3A = arith.constant 0 : index
    %get3A_0 = arith.constant 0 : index
    %get3A_1 = vector.load %arg0[%get3A, %get3A_0] : memref<2048x768xf32, #tpu.memory_space<vmem>>, vector<2048x768xf32>
    %get3A_2 = arith.constant 0 : index
    %get3A_3 = arith.constant 0 : index
    %get3A_4 = vector.load %arg1[%get3A_2, %get3A_3] : memref<768x8xf32, #tpu.memory_space<vmem>>, vector<768x8xf32>
    %dot_general3A = arith.constant dense<0.000000e+00> : vector<2048x8xf32>
    %dot_general3A_5 = tpu.matmul %get3A_1, %get3A_4, %dot_general3A {dimension_numbers = #tpu.dot_dimension_numbers<[1], [0], [0], [1], [0, 0, 1, 1], [], []>, transpose_lhs_hint = false} : vector<2048x768xf32>, vector<768x8xf32>, vector<2048x8xf32> -> vector<2048x8xf32>
    %iota3A = tpu.iota {dimensions = array<i32: 1>} : vector<2048x8xi32>
    %reduce_max3A = arith.constant dense<0xFF800000> : vector<2048xf32>
    %reduce_max3A_6 = vector.multi_reduction <maximumf>, %dot_general3A_5, %reduce_max3A [1] : vector<2048x8xf32> to vector<2048xf32>
    %broadcast_in_dim3A = vector.shape_cast %reduce_max3A_6 : vector<2048xf32> to vector<2048x1xf32>
    %eq3A = vector.broadcast %broadcast_in_dim3A : vector<2048x1xf32> to vector<2048x8xf32>
    %eq3A_7 = arith.cmpf oeq, %dot_general3A_5, %eq3A : vector<2048x8xf32>
    %jit3A = arith.constant 8 : i32
    %broadcast_in_dim3A_8 = vector.broadcast %jit3A : i32 to vector<2048x8xi32>
    %select_n3A = arith.select %eq3A_7, %iota3A, %broadcast_in_dim3A_8 : vector<2048x8xi1>, vector<2048x8xi32>
    %reduce_min3A = arith.constant dense<2147483647> : vector<2048xi32>
    %reduce_min3A_9 = vector.multi_reduction <minsi>, %select_n3A, %reduce_min3A [1] : vector<2048x8xi32> to vector<2048xi32>
    %broadcast_in_dim3A_10 = vector.shape_cast %reduce_min3A_9 : vector<2048xi32> to vector<2048x1xi32>
    %eq3A_11 = vector.broadcast %broadcast_in_dim3A_10 : vector<2048x1xi32> to vector<2048x8xi32>
    %eq3A_12 = arith.cmpi eq, %iota3A, %eq3A_11 : vector<2048x8xi32>
    %jit3A_13 = arith.constant -1.000000e+30 : f32
    %broadcast_in_dim3A_14 = vector.broadcast %jit3A_13 : f32 to vector<2048x8xf32>
    %select_n3A_15 = arith.select %eq3A_12, %broadcast_in_dim3A_14, %dot_general3A_5 : vector<2048x8xi1>, vector<2048x8xf32>
    %reduce_max3A_16 = arith.constant dense<0xFF800000> : vector<2048xf32>
    %reduce_max3A_17 = vector.multi_reduction <maximumf>, %select_n3A_15, %reduce_max3A_16 [1] : vector<2048x8xf32> to vector<2048xf32>
    %broadcast_in_dim3A_18 = vector.shape_cast %reduce_max3A_17 : vector<2048xf32> to vector<2048x1xf32>
    %eq3A_19 = vector.broadcast %broadcast_in_dim3A_18 : vector<2048x1xf32> to vector<2048x8xf32>
    %eq3A_20 = arith.cmpf oeq, %select_n3A_15, %eq3A_19 : vector<2048x8xf32>
    %jit3A_21 = arith.constant 8 : i32
    %broadcast_in_dim3A_22 = vector.broadcast %jit3A_21 : i32 to vector<2048x8xi32>
    %select_n3A_23 = arith.select %eq3A_20, %iota3A, %broadcast_in_dim3A_22 : vector<2048x8xi1>, vector<2048x8xi32>
    %reduce_min3A_24 = arith.constant dense<2147483647> : vector<2048xi32>
    %reduce_min3A_25 = vector.multi_reduction <minsi>, %select_n3A_23, %reduce_min3A_24 [1] : vector<2048x8xi32> to vector<2048xi32>
    %broadcast_in_dim3A_26 = vector.shape_cast %reduce_min3A_25 : vector<2048xi32> to vector<2048x1xi32>
    %sub3A = arith.subf %broadcast_in_dim3A_18, %broadcast_in_dim3A : vector<2048x1xf32>
    %exp3A = math.exp %sub3A : vector<2048x1xf32>
    %add3A = arith.constant 1.000000e+00 : f32
    %add3A_27 = vector.broadcast %add3A : f32 to vector<2048x1xf32>
    %add3A_28 = arith.addf %add3A_27, %exp3A : vector<2048x1xf32>
    %div3A = arith.constant 1.000000e+00 : f32
    %div3A_29 = vector.broadcast %div3A : f32 to vector<2048x1xf32>
    %div3A_30 = arith.divf %div3A_29, %add3A_28 : vector<2048x1xf32>
    %div3A_31 = arith.divf %exp3A, %add3A_28 : vector<2048x1xf32>
    %eq3A_32 = vector.broadcast %broadcast_in_dim3A_10 : vector<2048x1xi32> to vector<2048x8xi32>
    %eq3A_33 = arith.cmpi eq, %iota3A, %eq3A_32 : vector<2048x8xi32>
    %convert_element_type3A = arith.extui %eq3A_33 : vector<2048x8xi1> to vector<2048x8xi32>
    %convert_element_type3A_34 = arith.sitofp %convert_element_type3A : vector<2048x8xi32> to vector<2048x8xf32>
    %eq3A_35 = vector.broadcast %broadcast_in_dim3A_26 : vector<2048x1xi32> to vector<2048x8xi32>
    %eq3A_36 = arith.cmpi eq, %iota3A, %eq3A_35 : vector<2048x8xi32>
    %convert_element_type3A_37 = arith.extui %eq3A_36 : vector<2048x8xi1> to vector<2048x8xi32>
    %convert_element_type3A_38 = arith.sitofp %convert_element_type3A_37 : vector<2048x8xi32> to vector<2048x8xf32>
    %mul3A = vector.broadcast %div3A_30 : vector<2048x1xf32> to vector<2048x8xf32>
    %mul3A_39 = arith.mulf %mul3A, %convert_element_type3A_34 : vector<2048x8xf32>
    %mul3A_40 = vector.broadcast %div3A_31 : vector<2048x1xf32> to vector<2048x8xf32>
    %mul3A_41 = arith.mulf %mul3A_40, %convert_element_type3A_38 : vector<2048x8xf32>
    %add3A_42 = arith.addf %mul3A_39, %mul3A_41 : vector<2048x8xf32>
    %swap3A = arith.constant 0 : index
    %swap3A_43 = arith.constant 0 : index
    %swap3A_44 = vector.load %arg3[%swap3A, %swap3A_43] : memref<2048x8xf32, #tpu.memory_space<vmem>>, vector<2048x8xf32>
    tpu.vector_store %arg3[%swap3A, %swap3A_43], %add3A_42 {strides = array<i32>} : memref<2048x8xf32, #tpu.memory_space<vmem>>, vector<2048x8xf32>,
    %swap3A_45 = arith.constant 0 : index
    %swap3A_46 = arith.constant 0 : index
    %swap3A_47 = vector.load %arg4[%swap3A_45, %swap3A_46] : memref<2048x1xf32, #tpu.memory_space<vmem>>, vector<2048x1xf32>
    tpu.vector_store %arg4[%swap3A_45, %swap3A_46], %div3A_30 {strides = array<i32>} : memref<2048x1xf32, #tpu.memory_space<vmem>>, vector<2048x1xf32>,
    %swap3A_48 = arith.constant 0 : index
    %swap3A_49 = arith.constant 0 : index
    %swap3A_50 = vector.load %arg5[%swap3A_48, %swap3A_49] : memref<2048x1xf32, #tpu.memory_space<vmem>>, vector<2048x1xf32>
    tpu.vector_store %arg5[%swap3A_48, %swap3A_49], %div3A_31 {strides = array<i32>} : memref<2048x1xf32, #tpu.memory_space<vmem>>, vector<2048x1xf32>,
    %get3A_51 = arith.constant 0 : index
    %get3A_52 = arith.constant 0 : index
    %get3A_53 = vector.load %arg2[%get3A_51, %get3A_52] : memref<128x128xbf16, #tpu.memory_space<vmem>>, vector<128x128xbf16>
    %broadcast_in_dim3A_54 = arith.constant 0.000000e+00 : f32
    %broadcast_in_dim3A_55 = vector.broadcast %broadcast_in_dim3A_54 : f32 to vector<1x8xf32>
    %slice3A = vector.extract_strided_slice %convert_element_type3A_34 {offsets = [0, 0], sizes = [128, 8], strides = [1, 1]} : vector<2048x8xf32> to vector<128x8xf32>
    %convert_element_type3A_56 = arith.truncf %slice3A : vector<128x8xf32> to vector<128x8xbf16>
    %dot_general3A_57 = arith.constant dense<0.000000e+00> : vector<128x8xf32>
    %dot_general3A_58 = tpu.matmul %get3A_53, %convert_element_type3A_56, %dot_general3A_57 {dimension_numbers = #tpu.dot_dimension_numbers<[1], [0], [0], [1], [0, 0, 1, 1], [], []>, transpose_lhs_hint = false} : vector<128x128xbf16>, vector<128x8xbf16>, vector<128x8xf32> -> vector<128x8xf32>
    %add3A_59 = vector.broadcast %broadcast_in_dim3A_55 : vector<1x8xf32> to vector<128x8xf32>
    %add3A_60 = arith.addf %dot_general3A_58, %add3A_59 : vector<128x8xf32>
    %mul3A_61 = arith.mulf %add3A_60, %slice3A : vector<128x8xf32>
    %reduce_sum3A = arith.constant dense<0.000000e+00> : vector<128xf32>
    %reduce_sum3A_62 = vector.multi_reduction <add>, %mul3A_61, %reduce_sum3A [1] : vector<128x8xf32> to vector<128xf32>
    %broadcast_in_dim3A_63 = vector.shape_cast %reduce_sum3A_62 : vector<128xf32> to vector<128x1xf32>
    %reduce_sum3A_64 = arith.constant dense<0.000000e+00> : vector<8xf32>
    %reduce_sum3A_65 = vector.multi_reduction <add>, %slice3A, %reduce_sum3A_64 [0] : vector<128x8xf32> to vector<8xf32>
    %broadcast_in_dim3A_66 = vector.shape_cast %reduce_sum3A_65 : vector<8xf32> to vector<1x8xf32>
    %add3A_67 = arith.addf %broadcast_in_dim3A_55, %broadcast_in_dim3A_66 : vector<1x8xf32>
    %slice3A_68 = vector.extract_strided_slice %convert_element_type3A_34 {offsets = [128, 0], sizes = [128, 8], strides = [1, 1]} : vector<2048x8xf32> to vector<128x8xf32>
    %convert_element_type3A_69 = arith.truncf %slice3A_68 : vector<128x8xf32> to vector<128x8xbf16>
    %dot_general3A_70 = arith.constant dense<0.000000e+00> : vector<128x8xf32>
    %dot_general3A_71 = tpu.matmul %get3A_53, %convert_element_type3A_69, %dot_general3A_70 {dimension_numbers = #tpu.dot_dimension_numbers<[1], [0], [0], [1], [0, 0, 1, 1], [], []>, transpose_lhs_hint = false} : vector<128x128xbf16>, vector<128x8xbf16>, vector<128x8xf32> -> vector<128x8xf32>
    %add3A_72 = vector.broadcast %add3A_67 : vector<1x8xf32> to vector<128x8xf32>
    %add3A_73 = arith.addf %dot_general3A_71, %add3A_72 : vector<128x8xf32>
    %mul3A_74 = arith.mulf %add3A_73, %slice3A_68 : vector<128x8xf32>
    %reduce_sum3A_75 = arith.constant dense<0.000000e+00> : vector<128xf32>
    %reduce_sum3A_76 = vector.multi_reduction <add>, %mul3A_74, %reduce_sum3A_75 [1] : vector<128x8xf32> to vector<128xf32>
    %broadcast_in_dim3A_77 = vector.shape_cast %reduce_sum3A_76 : vector<128xf32> to vector<128x1xf32>
    %reduce_sum3A_78 = arith.constant dense<0.000000e+00> : vector<8xf32>
    %reduce_sum3A_79 = vector.multi_reduction <add>, %slice3A_68, %reduce_sum3A_78 [0] : vector<128x8xf32> to vector<8xf32>
    %broadcast_in_dim3A_80 = vector.shape_cast %reduce_sum3A_79 : vector<8xf32> to vector<1x8xf32>
    %add3A_81 = arith.addf %add3A_67, %broadcast_in_dim3A_80 : vector<1x8xf32>
    %slice3A_82 = vector.extract_strided_slice %convert_element_type3A_34 {offsets = [256, 0], sizes = [128, 8], strides = [1, 1]} : vector<2048x8xf32> to vector<128x8xf32>
    %convert_element_type3A_83 = arith.truncf %slice3A_82 : vector<128x8xf32> to vector<128x8xbf16>
    %dot_general3A_84 = arith.constant dense<0.000000e+00> : vector<128x8xf32>
    %dot_general3A_85 = tpu.matmul %get3A_53, %convert_element_type3A_83, %dot_general3A_84 {dimension_numbers = #tpu.dot_dimension_numbers<[1], [0], [0], [1], [0, 0, 1, 1], [], []>, transpose_lhs_hint = false} : vector<128x128xbf16>, vector<128x8xbf16>, vector<128x8xf32> -> vector<128x8xf32>
    %add3A_86 = vector.broadcast %add3A_81 : vector<1x8xf32> to vector<128x8xf32>
    %add3A_87 = arith.addf %dot_general3A_85, %add3A_86 : vector<128x8xf32>
    %mul3A_88 = arith.mulf %add3A_87, %slice3A_82 : vector<128x8xf32>
    %reduce_sum3A_89 = arith.constant dense<0.000000e+00> : vector<128xf32>
    %reduce_sum3A_90 = vector.multi_reduction <add>, %mul3A_88, %reduce_sum3A_89 [1] : vector<128x8xf32> to vector<128xf32>
    %broadcast_in_dim3A_91 = vector.shape_cast %reduce_sum3A_90 : vector<128xf32> to vector<128x1xf32>
    %reduce_sum3A_92 = arith.constant dense<0.000000e+00> : vector<8xf32>
    %reduce_sum3A_93 = vector.multi_reduction <add>, %slice3A_82, %reduce_sum3A_92 [0] : vector<128x8xf32> to vector<8xf32>
    %broadcast_in_dim3A_94 = vector.shape_cast %reduce_sum3A_93 : vector<8xf32> to vector<1x8xf32>
    %add3A_95 = arith.addf %add3A_81, %broadcast_in_dim3A_94 : vector<1x8xf32>
    %slice3A_96 = vector.extract_strided_slice %convert_element_type3A_34 {offsets = [384, 0], sizes = [128, 8], strides = [1, 1]} : vector<2048x8xf32> to vector<128x8xf32>
    %convert_element_type3A_97 = arith.truncf %slice3A_96 : vector<128x8xf32> to vector<128x8xbf16>
    %dot_general3A_98 = arith.constant dense<0.000000e+00> : vector<128x8xf32>
    %dot_general3A_99 = tpu.matmul %get3A_53, %convert_element_type3A_97, %dot_general3A_98 {dimension_numbers = #tpu.dot_dimension_numbers<[1], [0], [0], [1], [0, 0, 1, 1], [], []>, transpose_lhs_hint = false} : vector<128x128xbf16>, vector<128x8xbf16>, vector<128x8xf32> -> vector<128x8xf32>
    %add3A_100 = vector.broadcast %add3A_95 : vector<1x8xf32> to vector<128x8xf32>
    %add3A_101 = arith.addf %dot_general3A_99, %add3A_100 : vector<128x8xf32>
    %mul3A_102 = arith.mulf %add3A_101, %slice3A_96 : vector<128x8xf32>
    %reduce_sum3A_103 = arith.constant dense<0.000000e+00> : vector<128xf32>
    %reduce_sum3A_104 = vector.multi_reduction <add>, %mul3A_102, %reduce_sum3A_103 [1] : vector<128x8xf32> to vector<128xf32>
    %broadcast_in_dim3A_105 = vector.shape_cast %reduce_sum3A_104 : vector<128xf32> to vector<128x1xf32>
    %reduce_sum3A_106 = arith.constant dense<0.000000e+00> : vector<8xf32>
    %reduce_sum3A_107 = vector.multi_reduction <add>, %slice3A_96, %reduce_sum3A_106 [0] : vector<128x8xf32> to vector<8xf32>
    %broadcast_in_dim3A_108 = vector.shape_cast %reduce_sum3A_107 : vector<8xf32> to vector<1x8xf32>
    %add3A_109 = arith.addf %add3A_95, %broadcast_in_dim3A_108 : vector<1x8xf32>
    %slice3A_110 = vector.extract_strided_slice %convert_element_type3A_34 {offsets = [512, 0], sizes = [128, 8], strides = [1, 1]} : vector<2048x8xf32> to vector<128x8xf32>
    %convert_element_type3A_111 = arith.truncf %slice3A_110 : vector<128x8xf32> to vector<128x8xbf16>
    %dot_general3A_112 = arith.constant dense<0.000000e+00> : vector<128x8xf32>
    %dot_general3A_113 = tpu.matmul %get3A_53, %convert_element_type3A_111, %dot_general3A_112 {dimension_numbers = #tpu.dot_dimension_numbers<[1], [0], [0], [1], [0, 0, 1, 1], [], []>, transpose_lhs_hint = false} : vector<128x128xbf16>, vector<128x8xbf16>, vector<128x8xf32> -> vector<128x8xf32>
    %add3A_114 = vector.broadcast %add3A_109 : vector<1x8xf32> to vector<128x8xf32>
    %add3A_115 = arith.addf %dot_general3A_113, %add3A_114 : vector<128x8xf32>
    %mul3A_116 = arith.mulf %add3A_115, %slice3A_110 : vector<128x8xf32>
    %reduce_sum3A_117 = arith.constant dense<0.000000e+00> : vector<128xf32>
    %reduce_sum3A_118 = vector.multi_reduction <add>, %mul3A_116, %reduce_sum3A_117 [1] : vector<128x8xf32> to vector<128xf32>
    %broadcast_in_dim3A_119 = vector.shape_cast %reduce_sum3A_118 : vector<128xf32> to vector<128x1xf32>
    %reduce_sum3A_120 = arith.constant dense<0.000000e+00> : vector<8xf32>
    %reduce_sum3A_121 = vector.multi_reduction <add>, %slice3A_110, %reduce_sum3A_120 [0] : vector<128x8xf32> to vector<8xf32>
    %broadcast_in_dim3A_122 = vector.shape_cast %reduce_sum3A_121 : vector<8xf32> to vector<1x8xf32>
    %add3A_123 = arith.addf %add3A_109, %broadcast_in_dim3A_122 : vector<1x8xf32>
    %slice3A_124 = vector.extract_strided_slice %convert_element_type3A_34 {offsets = [640, 0], sizes = [128, 8], strides = [1, 1]} : vector<2048x8xf32> to vector<128x8xf32>
    %convert_element_type3A_125 = arith.truncf %slice3A_124 : vector<128x8xf32> to vector<128x8xbf16>
    %dot_general3A_126 = arith.constant dense<0.000000e+00> : vector<128x8xf32>
    %dot_general3A_127 = tpu.matmul %get3A_53, %convert_element_type3A_125, %dot_general3A_126 {dimension_numbers = #tpu.dot_dimension_numbers<[1], [0], [0], [1], [0, 0, 1, 1], [], []>, transpose_lhs_hint = false} : vector<128x128xbf16>, vector<128x8xbf16>, vector<128x8xf32> -> vector<128x8xf32>
    %add3A_128 = vector.broadcast %add3A_123 : vector<1x8xf32> to vector<128x8xf32>
    %add3A_129 = arith.addf %dot_general3A_127, %add3A_128 : vector<128x8xf32>
    %mul3A_130 = arith.mulf %add3A_129, %slice3A_124 : vector<128x8xf32>
    %reduce_sum3A_131 = arith.constant dense<0.000000e+00> : vector<128xf32>
    %reduce_sum3A_132 = vector.multi_reduction <add>, %mul3A_130, %reduce_sum3A_131 [1] : vector<128x8xf32> to vector<128xf32>
    %broadcast_in_dim3A_133 = vector.shape_cast %reduce_sum3A_132 : vector<128xf32> to vector<128x1xf32>
    %reduce_sum3A_134 = arith.constant dense<0.000000e+00> : vector<8xf32>
    %reduce_sum3A_135 = vector.multi_reduction <add>, %slice3A_124, %reduce_sum3A_134 [0] : vector<128x8xf32> to vector<8xf32>
    %broadcast_in_dim3A_136 = vector.shape_cast %reduce_sum3A_135 : vector<8xf32> to vector<1x8xf32>
    %add3A_137 = arith.addf %add3A_123, %broadcast_in_dim3A_136 : vector<1x8xf32>
    %slice3A_138 = vector.extract_strided_slice %convert_element_type3A_34 {offsets = [768, 0], sizes = [128, 8], strides = [1, 1]} : vector<2048x8xf32> to vector<128x8xf32>
    %convert_element_type3A_139 = arith.truncf %slice3A_138 : vector<128x8xf32> to vector<128x8xbf16>
    %dot_general3A_140 = arith.constant dense<0.000000e+00> : vector<128x8xf32>
    %dot_general3A_141 = tpu.matmul %get3A_53, %convert_element_type3A_139, %dot_general3A_140 {dimension_numbers = #tpu.dot_dimension_numbers<[1], [0], [0], [1], [0, 0, 1, 1], [], []>, transpose_lhs_hint = false} : vector<128x128xbf16>, vector<128x8xbf16>, vector<128x8xf32> -> vector<128x8xf32>
    %add3A_142 = vector.broadcast %add3A_137 : vector<1x8xf32> to vector<128x8xf32>
    %add3A_143 = arith.addf %dot_general3A_141, %add3A_142 : vector<128x8xf32>
    %mul3A_144 = arith.mulf %add3A_143, %slice3A_138 : vector<128x8xf32>
    %reduce_sum3A_145 = arith.constant dense<0.000000e+00> : vector<128xf32>
    %reduce_sum3A_146 = vector.multi_reduction <add>, %mul3A_144, %reduce_sum3A_145 [1] : vector<128x8xf32> to vector<128xf32>
    %broadcast_in_dim3A_147 = vector.shape_cast %reduce_sum3A_146 : vector<128xf32> to vector<128x1xf32>
    %reduce_sum3A_148 = arith.constant dense<0.000000e+00> : vector<8xf32>
    %reduce_sum3A_149 = vector.multi_reduction <add>, %slice3A_138, %reduce_sum3A_148 [0] : vector<128x8xf32> to vector<8xf32>
    %broadcast_in_dim3A_150 = vector.shape_cast %reduce_sum3A_149 : vector<8xf32> to vector<1x8xf32>
    %add3A_151 = arith.addf %add3A_137, %broadcast_in_dim3A_150 : vector<1x8xf32>
    %slice3A_152 = vector.extract_strided_slice %convert_element_type3A_34 {offsets = [896, 0], sizes = [128, 8], strides = [1, 1]} : vector<2048x8xf32> to vector<128x8xf32>
    %convert_element_type3A_153 = arith.truncf %slice3A_152 : vector<128x8xf32> to vector<128x8xbf16>
    %dot_general3A_154 = arith.constant dense<0.000000e+00> : vector<128x8xf32>
    %dot_general3A_155 = tpu.matmul %get3A_53, %convert_element_type3A_153, %dot_general3A_154 {dimension_numbers = #tpu.dot_dimension_numbers<[1], [0], [0], [1], [0, 0, 1, 1], [], []>, transpose_lhs_hint = false} : vector<128x128xbf16>, vector<128x8xbf16>, vector<128x8xf32> -> vector<128x8xf32>
    %add3A_156 = vector.broadcast %add3A_151 : vector<1x8xf32> to vector<128x8xf32>
    %add3A_157 = arith.addf %dot_general3A_155, %add3A_156 : vector<128x8xf32>
    %mul3A_158 = arith.mulf %add3A_157, %slice3A_152 : vector<128x8xf32>
    %reduce_sum3A_159 = arith.constant dense<0.000000e+00> : vector<128xf32>
    %reduce_sum3A_160 = vector.multi_reduction <add>, %mul3A_158, %reduce_sum3A_159 [1] : vector<128x8xf32> to vector<128xf32>
    %broadcast_in_dim3A_161 = vector.shape_cast %reduce_sum3A_160 : vector<128xf32> to vector<128x1xf32>
    %reduce_sum3A_162 = arith.constant dense<0.000000e+00> : vector<8xf32>
    %reduce_sum3A_163 = vector.multi_reduction <add>, %slice3A_152, %reduce_sum3A_162 [0] : vector<128x8xf32> to vector<8xf32>
    %broadcast_in_dim3A_164 = vector.shape_cast %reduce_sum3A_163 : vector<8xf32> to vector<1x8xf32>
    %add3A_165 = arith.addf %add3A_151, %broadcast_in_dim3A_164 : vector<1x8xf32>
    %slice3A_166 = vector.extract_strided_slice %convert_element_type3A_34 {offsets = [1024, 0], sizes = [128, 8], strides = [1, 1]} : vector<2048x8xf32> to vector<128x8xf32>
    %convert_element_type3A_167 = arith.truncf %slice3A_166 : vector<128x8xf32> to vector<128x8xbf16>
    %dot_general3A_168 = arith.constant dense<0.000000e+00> : vector<128x8xf32>
    %dot_general3A_169 = tpu.matmul %get3A_53, %convert_element_type3A_167, %dot_general3A_168 {dimension_numbers = #tpu.dot_dimension_numbers<[1], [0], [0], [1], [0, 0, 1, 1], [], []>, transpose_lhs_hint = false} : vector<128x128xbf16>, vector<128x8xbf16>, vector<128x8xf32> -> vector<128x8xf32>
    %add3A_170 = vector.broadcast %add3A_165 : vector<1x8xf32> to vector<128x8xf32>
    %add3A_171 = arith.addf %dot_general3A_169, %add3A_170 : vector<128x8xf32>
    %mul3A_172 = arith.mulf %add3A_171, %slice3A_166 : vector<128x8xf32>
    %reduce_sum3A_173 = arith.constant dense<0.000000e+00> : vector<128xf32>
    %reduce_sum3A_174 = vector.multi_reduction <add>, %mul3A_172, %reduce_sum3A_173 [1] : vector<128x8xf32> to vector<128xf32>
    %broadcast_in_dim3A_175 = vector.shape_cast %reduce_sum3A_174 : vector<128xf32> to vector<128x1xf32>
    %reduce_sum3A_176 = arith.constant dense<0.000000e+00> : vector<8xf32>
    %reduce_sum3A_177 = vector.multi_reduction <add>, %slice3A_166, %reduce_sum3A_176 [0] : vector<128x8xf32> to vector<8xf32>
    %broadcast_in_dim3A_178 = vector.shape_cast %reduce_sum3A_177 : vector<8xf32> to vector<1x8xf32>
    %add3A_179 = arith.addf %add3A_165, %broadcast_in_dim3A_178 : vector<1x8xf32>
    %slice3A_180 = vector.extract_strided_slice %convert_element_type3A_34 {offsets = [1152, 0], sizes = [128, 8], strides = [1, 1]} : vector<2048x8xf32> to vector<128x8xf32>
    %convert_element_type3A_181 = arith.truncf %slice3A_180 : vector<128x8xf32> to vector<128x8xbf16>
    %dot_general3A_182 = arith.constant dense<0.000000e+00> : vector<128x8xf32>
    %dot_general3A_183 = tpu.matmul %get3A_53, %convert_element_type3A_181, %dot_general3A_182 {dimension_numbers = #tpu.dot_dimension_numbers<[1], [0], [0], [1], [0, 0, 1, 1], [], []>, transpose_lhs_hint = false} : vector<128x128xbf16>, vector<128x8xbf16>, vector<128x8xf32> -> vector<128x8xf32>
    %add3A_184 = vector.broadcast %add3A_179 : vector<1x8xf32> to vector<128x8xf32>
    %add3A_185 = arith.addf %dot_general3A_183, %add3A_184 : vector<128x8xf32>
    %mul3A_186 = arith.mulf %add3A_185, %slice3A_180 : vector<128x8xf32>
    %reduce_sum3A_187 = arith.constant dense<0.000000e+00> : vector<128xf32>
    %reduce_sum3A_188 = vector.multi_reduction <add>, %mul3A_186, %reduce_sum3A_187 [1] : vector<128x8xf32> to vector<128xf32>
    %broadcast_in_dim3A_189 = vector.shape_cast %reduce_sum3A_188 : vector<128xf32> to vector<128x1xf32>
    %reduce_sum3A_190 = arith.constant dense<0.000000e+00> : vector<8xf32>
    %reduce_sum3A_191 = vector.multi_reduction <add>, %slice3A_180, %reduce_sum3A_190 [0] : vector<128x8xf32> to vector<8xf32>
    %broadcast_in_dim3A_192 = vector.shape_cast %reduce_sum3A_191 : vector<8xf32> to vector<1x8xf32>
    %add3A_193 = arith.addf %add3A_179, %broadcast_in_dim3A_192 : vector<1x8xf32>
    %slice3A_194 = vector.extract_strided_slice %convert_element_type3A_34 {offsets = [1280, 0], sizes = [128, 8], strides = [1, 1]} : vector<2048x8xf32> to vector<128x8xf32>
    %convert_element_type3A_195 = arith.truncf %slice3A_194 : vector<128x8xf32> to vector<128x8xbf16>
    %dot_general3A_196 = arith.constant dense<0.000000e+00> : vector<128x8xf32>
    %dot_general3A_197 = tpu.matmul %get3A_53, %convert_element_type3A_195, %dot_general3A_196 {dimension_numbers = #tpu.dot_dimension_numbers<[1], [0], [0], [1], [0, 0, 1, 1], [], []>, transpose_lhs_hint = false} : vector<128x128xbf16>, vector<128x8xbf16>, vector<128x8xf32> -> vector<128x8xf32>
    %add3A_198 = vector.broadcast %add3A_193 : vector<1x8xf32> to vector<128x8xf32>
    %add3A_199 = arith.addf %dot_general3A_197, %add3A_198 : vector<128x8xf32>
    %mul3A_200 = arith.mulf %add3A_199, %slice3A_194 : vector<128x8xf32>
    %reduce_sum3A_201 = arith.constant dense<0.000000e+00> : vector<128xf32>
    %reduce_sum3A_202 = vector.multi_reduction <add>, %mul3A_200, %reduce_sum3A_201 [1] : vector<128x8xf32> to vector<128xf32>
    %broadcast_in_dim3A_203 = vector.shape_cast %reduce_sum3A_202 : vector<128xf32> to vector<128x1xf32>
    %reduce_sum3A_204 = arith.constant dense<0.000000e+00> : vector<8xf32>
    %reduce_sum3A_205 = vector.multi_reduction <add>, %slice3A_194, %reduce_sum3A_204 [0] : vector<128x8xf32> to vector<8xf32>
    %broadcast_in_dim3A_206 = vector.shape_cast %reduce_sum3A_205 : vector<8xf32> to vector<1x8xf32>
    %add3A_207 = arith.addf %add3A_193, %broadcast_in_dim3A_206 : vector<1x8xf32>
    %slice3A_208 = vector.extract_strided_slice %convert_element_type3A_34 {offsets = [1408, 0], sizes = [128, 8], strides = [1, 1]} : vector<2048x8xf32> to vector<128x8xf32>
    %convert_element_type3A_209 = arith.truncf %slice3A_208 : vector<128x8xf32> to vector<128x8xbf16>
    %dot_general3A_210 = arith.constant dense<0.000000e+00> : vector<128x8xf32>
    %dot_general3A_211 = tpu.matmul %get3A_53, %convert_element_type3A_209, %dot_general3A_210 {dimension_numbers = #tpu.dot_dimension_numbers<[1], [0], [0], [1], [0, 0, 1, 1], [], []>, transpose_lhs_hint = false} : vector<128x128xbf16>, vector<128x8xbf16>, vector<128x8xf32> -> vector<128x8xf32>
    %add3A_212 = vector.broadcast %add3A_207 : vector<1x8xf32> to vector<128x8xf32>
    %add3A_213 = arith.addf %dot_general3A_211, %add3A_212 : vector<128x8xf32>
    %mul3A_214 = arith.mulf %add3A_213, %slice3A_208 : vector<128x8xf32>
    %reduce_sum3A_215 = arith.constant dense<0.000000e+00> : vector<128xf32>
    %reduce_sum3A_216 = vector.multi_reduction <add>, %mul3A_214, %reduce_sum3A_215 [1] : vector<128x8xf32> to vector<128xf32>
    %broadcast_in_dim3A_217 = vector.shape_cast %reduce_sum3A_216 : vector<128xf32> to vector<128x1xf32>
    %reduce_sum3A_218 = arith.constant dense<0.000000e+00> : vector<8xf32>
    %reduce_sum3A_219 = vector.multi_reduction <add>, %slice3A_208, %reduce_sum3A_218 [0] : vector<128x8xf32> to vector<8xf32>
    %broadcast_in_dim3A_220 = vector.shape_cast %reduce_sum3A_219 : vector<8xf32> to vector<1x8xf32>
    %add3A_221 = arith.addf %add3A_207, %broadcast_in_dim3A_220 : vector<1x8xf32>
    %slice3A_222 = vector.extract_strided_slice %convert_element_type3A_34 {offsets = [1536, 0], sizes = [128, 8], strides = [1, 1]} : vector<2048x8xf32> to vector<128x8xf32>
    %convert_element_type3A_223 = arith.truncf %slice3A_222 : vector<128x8xf32> to vector<128x8xbf16>
    %dot_general3A_224 = arith.constant dense<0.000000e+00> : vector<128x8xf32>
    %dot_general3A_225 = tpu.matmul %get3A_53, %convert_element_type3A_223, %dot_general3A_224 {dimension_numbers = #tpu.dot_dimension_numbers<[1], [0], [0], [1], [0, 0, 1, 1], [], []>, transpose_lhs_hint = false} : vector<128x128xbf16>, vector<128x8xbf16>, vector<128x8xf32> -> vector<128x8xf32>
    %add3A_226 = vector.broadcast %add3A_221 : vector<1x8xf32> to vector<128x8xf32>
    %add3A_227 = arith.addf %dot_general3A_225, %add3A_226 : vector<128x8xf32>
    %mul3A_228 = arith.mulf %add3A_227, %slice3A_222 : vector<128x8xf32>
    %reduce_sum3A_229 = arith.constant dense<0.000000e+00> : vector<128xf32>
    %reduce_sum3A_230 = vector.multi_reduction <add>, %mul3A_228, %reduce_sum3A_229 [1] : vector<128x8xf32> to vector<128xf32>
    %broadcast_in_dim3A_231 = vector.shape_cast %reduce_sum3A_230 : vector<128xf32> to vector<128x1xf32>
    %reduce_sum3A_232 = arith.constant dense<0.000000e+00> : vector<8xf32>
    %reduce_sum3A_233 = vector.multi_reduction <add>, %slice3A_222, %reduce_sum3A_232 [0] : vector<128x8xf32> to vector<8xf32>
    %broadcast_in_dim3A_234 = vector.shape_cast %reduce_sum3A_233 : vector<8xf32> to vector<1x8xf32>
    %add3A_235 = arith.addf %add3A_221, %broadcast_in_dim3A_234 : vector<1x8xf32>
    %slice3A_236 = vector.extract_strided_slice %convert_element_type3A_34 {offsets = [1664, 0], sizes = [128, 8], strides = [1, 1]} : vector<2048x8xf32> to vector<128x8xf32>
    %convert_element_type3A_237 = arith.truncf %slice3A_236 : vector<128x8xf32> to vector<128x8xbf16>
    %dot_general3A_238 = arith.constant dense<0.000000e+00> : vector<128x8xf32>
    %dot_general3A_239 = tpu.matmul %get3A_53, %convert_element_type3A_237, %dot_general3A_238 {dimension_numbers = #tpu.dot_dimension_numbers<[1], [0], [0], [1], [0, 0, 1, 1], [], []>, transpose_lhs_hint = false} : vector<128x128xbf16>, vector<128x8xbf16>, vector<128x8xf32> -> vector<128x8xf32>
    %add3A_240 = vector.broadcast %add3A_235 : vector<1x8xf32> to vector<128x8xf32>
    %add3A_241 = arith.addf %dot_general3A_239, %add3A_240 : vector<128x8xf32>
    %mul3A_242 = arith.mulf %add3A_241, %slice3A_236 : vector<128x8xf32>
    %reduce_sum3A_243 = arith.constant dense<0.000000e+00> : vector<128xf32>
    %reduce_sum3A_244 = vector.multi_reduction <add>, %mul3A_242, %reduce_sum3A_243 [1] : vector<128x8xf32> to vector<128xf32>
    %broadcast_in_dim3A_245 = vector.shape_cast %reduce_sum3A_244 : vector<128xf32> to vector<128x1xf32>
    %reduce_sum3A_246 = arith.constant dense<0.000000e+00> : vector<8xf32>
    %reduce_sum3A_247 = vector.multi_reduction <add>, %slice3A_236, %reduce_sum3A_246 [0] : vector<128x8xf32> to vector<8xf32>
    %broadcast_in_dim3A_248 = vector.shape_cast %reduce_sum3A_247 : vector<8xf32> to vector<1x8xf32>
    %add3A_249 = arith.addf %add3A_235, %broadcast_in_dim3A_248 : vector<1x8xf32>
    %slice3A_250 = vector.extract_strided_slice %convert_element_type3A_34 {offsets = [1792, 0], sizes = [128, 8], strides = [1, 1]} : vector<2048x8xf32> to vector<128x8xf32>
    %convert_element_type3A_251 = arith.truncf %slice3A_250 : vector<128x8xf32> to vector<128x8xbf16>
    %dot_general3A_252 = arith.constant dense<0.000000e+00> : vector<128x8xf32>
    %dot_general3A_253 = tpu.matmul %get3A_53, %convert_element_type3A_251, %dot_general3A_252 {dimension_numbers = #tpu.dot_dimension_numbers<[1], [0], [0], [1], [0, 0, 1, 1], [], []>, transpose_lhs_hint = false} : vector<128x128xbf16>, vector<128x8xbf16>, vector<128x8xf32> -> vector<128x8xf32>
    %add3A_254 = vector.broadcast %add3A_249 : vector<1x8xf32> to vector<128x8xf32>
    %add3A_255 = arith.addf %dot_general3A_253, %add3A_254 : vector<128x8xf32>
    %mul3A_256 = arith.mulf %add3A_255, %slice3A_250 : vector<128x8xf32>
    %reduce_sum3A_257 = arith.constant dense<0.000000e+00> : vector<128xf32>
    %reduce_sum3A_258 = vector.multi_reduction <add>, %mul3A_256, %reduce_sum3A_257 [1] : vector<128x8xf32> to vector<128xf32>
    %broadcast_in_dim3A_259 = vector.shape_cast %reduce_sum3A_258 : vector<128xf32> to vector<128x1xf32>
    %reduce_sum3A_260 = arith.constant dense<0.000000e+00> : vector<8xf32>
    %reduce_sum3A_261 = vector.multi_reduction <add>, %slice3A_250, %reduce_sum3A_260 [0] : vector<128x8xf32> to vector<8xf32>
    %broadcast_in_dim3A_262 = vector.shape_cast %reduce_sum3A_261 : vector<8xf32> to vector<1x8xf32>
    %add3A_263 = arith.addf %add3A_249, %broadcast_in_dim3A_262 : vector<1x8xf32>
    %slice3A_264 = vector.extract_strided_slice %convert_element_type3A_34 {offsets = [1920, 0], sizes = [128, 8], strides = [1, 1]} : vector<2048x8xf32> to vector<128x8xf32>
    %convert_element_type3A_265 = arith.truncf %slice3A_264 : vector<128x8xf32> to vector<128x8xbf16>
    %dot_general3A_266 = arith.constant dense<0.000000e+00> : vector<128x8xf32>
    %dot_general3A_267 = tpu.matmul %get3A_53, %convert_element_type3A_265, %dot_general3A_266 {dimension_numbers = #tpu.dot_dimension_numbers<[1], [0], [0], [1], [0, 0, 1, 1], [], []>, transpose_lhs_hint = false} : vector<128x128xbf16>, vector<128x8xbf16>, vector<128x8xf32> -> vector<128x8xf32>
    %add3A_268 = vector.broadcast %add3A_263 : vector<1x8xf32> to vector<128x8xf32>
    %add3A_269 = arith.addf %dot_general3A_267, %add3A_268 : vector<128x8xf32>
    %mul3A_270 = arith.mulf %add3A_269, %slice3A_264 : vector<128x8xf32>
    %reduce_sum3A_271 = arith.constant dense<0.000000e+00> : vector<128xf32>
    %reduce_sum3A_272 = vector.multi_reduction <add>, %mul3A_270, %reduce_sum3A_271 [1] : vector<128x8xf32> to vector<128xf32>
    %broadcast_in_dim3A_273 = vector.shape_cast %reduce_sum3A_272 : vector<128xf32> to vector<128x1xf32>
    %reduce_sum3A_274 = arith.constant dense<0.000000e+00> : vector<8xf32>
    %reduce_sum3A_275 = vector.multi_reduction <add>, %slice3A_264, %reduce_sum3A_274 [0] : vector<128x8xf32> to vector<8xf32>
    %broadcast_in_dim3A_276 = vector.shape_cast %reduce_sum3A_275 : vector<8xf32> to vector<1x8xf32>
    %add3A_277 = arith.addf %add3A_263, %broadcast_in_dim3A_276 : vector<1x8xf32>
    %slice3A_278 = vector.extract_strided_slice %convert_element_type3A_38 {offsets = [0, 0], sizes = [128, 8], strides = [1, 1]} : vector<2048x8xf32> to vector<128x8xf32>
    %convert_element_type3A_279 = arith.truncf %slice3A_278 : vector<128x8xf32> to vector<128x8xbf16>
    %dot_general3A_280 = arith.constant dense<0.000000e+00> : vector<128x8xf32>
    %dot_general3A_281 = tpu.matmul %get3A_53, %convert_element_type3A_279, %dot_general3A_280 {dimension_numbers = #tpu.dot_dimension_numbers<[1], [0], [0], [1], [0, 0, 1, 1], [], []>, transpose_lhs_hint = false} : vector<128x128xbf16>, vector<128x8xbf16>, vector<128x8xf32> -> vector<128x8xf32>
    %add3A_282 = vector.broadcast %add3A_277 : vector<1x8xf32> to vector<128x8xf32>
    %add3A_283 = arith.addf %dot_general3A_281, %add3A_282 : vector<128x8xf32>
    %mul3A_284 = arith.mulf %add3A_283, %slice3A_278 : vector<128x8xf32>
    %reduce_sum3A_285 = arith.constant dense<0.000000e+00> : vector<128xf32>
    %reduce_sum3A_286 = vector.multi_reduction <add>, %mul3A_284, %reduce_sum3A_285 [1] : vector<128x8xf32> to vector<128xf32>
    %broadcast_in_dim3A_287 = vector.shape_cast %reduce_sum3A_286 : vector<128xf32> to vector<128x1xf32>
    %reduce_sum3A_288 = arith.constant dense<0.000000e+00> : vector<8xf32>
    %reduce_sum3A_289 = vector.multi_reduction <add>, %slice3A_278, %reduce_sum3A_288 [0] : vector<128x8xf32> to vector<8xf32>
    %broadcast_in_dim3A_290 = vector.shape_cast %reduce_sum3A_289 : vector<8xf32> to vector<1x8xf32>
    %add3A_291 = arith.addf %add3A_277, %broadcast_in_dim3A_290 : vector<1x8xf32>
    %slice3A_292 = vector.extract_strided_slice %convert_element_type3A_38 {offsets = [128, 0], sizes = [128, 8], strides = [1, 1]} : vector<2048x8xf32> to vector<128x8xf32>
    %convert_element_type3A_293 = arith.truncf %slice3A_292 : vector<128x8xf32> to vector<128x8xbf16>
    %dot_general3A_294 = arith.constant dense<0.000000e+00> : vector<128x8xf32>
    %dot_general3A_295 = tpu.matmul %get3A_53, %convert_element_type3A_293, %dot_general3A_294 {dimension_numbers = #tpu.dot_dimension_numbers<[1], [0], [0], [1], [0, 0, 1, 1], [], []>, transpose_lhs_hint = false} : vector<128x128xbf16>, vector<128x8xbf16>, vector<128x8xf32> -> vector<128x8xf32>
    %add3A_296 = vector.broadcast %add3A_291 : vector<1x8xf32> to vector<128x8xf32>
    %add3A_297 = arith.addf %dot_general3A_295, %add3A_296 : vector<128x8xf32>
    %mul3A_298 = arith.mulf %add3A_297, %slice3A_292 : vector<128x8xf32>
    %reduce_sum3A_299 = arith.constant dense<0.000000e+00> : vector<128xf32>
    %reduce_sum3A_300 = vector.multi_reduction <add>, %mul3A_298, %reduce_sum3A_299 [1] : vector<128x8xf32> to vector<128xf32>
    %broadcast_in_dim3A_301 = vector.shape_cast %reduce_sum3A_300 : vector<128xf32> to vector<128x1xf32>
    %reduce_sum3A_302 = arith.constant dense<0.000000e+00> : vector<8xf32>
    %reduce_sum3A_303 = vector.multi_reduction <add>, %slice3A_292, %reduce_sum3A_302 [0] : vector<128x8xf32> to vector<8xf32>
    %broadcast_in_dim3A_304 = vector.shape_cast %reduce_sum3A_303 : vector<8xf32> to vector<1x8xf32>
    %add3A_305 = arith.addf %add3A_291, %broadcast_in_dim3A_304 : vector<1x8xf32>
    %slice3A_306 = vector.extract_strided_slice %convert_element_type3A_38 {offsets = [256, 0], sizes = [128, 8], strides = [1, 1]} : vector<2048x8xf32> to vector<128x8xf32>
    %convert_element_type3A_307 = arith.truncf %slice3A_306 : vector<128x8xf32> to vector<128x8xbf16>
    %dot_general3A_308 = arith.constant dense<0.000000e+00> : vector<128x8xf32>
    %dot_general3A_309 = tpu.matmul %get3A_53, %convert_element_type3A_307, %dot_general3A_308 {dimension_numbers = #tpu.dot_dimension_numbers<[1], [0], [0], [1], [0, 0, 1, 1], [], []>, transpose_lhs_hint = false} : vector<128x128xbf16>, vector<128x8xbf16>, vector<128x8xf32> -> vector<128x8xf32>
    %add3A_310 = vector.broadcast %add3A_305 : vector<1x8xf32> to vector<128x8xf32>
    %add3A_311 = arith.addf %dot_general3A_309, %add3A_310 : vector<128x8xf32>
    %mul3A_312 = arith.mulf %add3A_311, %slice3A_306 : vector<128x8xf32>
    %reduce_sum3A_313 = arith.constant dense<0.000000e+00> : vector<128xf32>
    %reduce_sum3A_314 = vector.multi_reduction <add>, %mul3A_312, %reduce_sum3A_313 [1] : vector<128x8xf32> to vector<128xf32>
    %broadcast_in_dim3A_315 = vector.shape_cast %reduce_sum3A_314 : vector<128xf32> to vector<128x1xf32>
    %reduce_sum3A_316 = arith.constant dense<0.000000e+00> : vector<8xf32>
    %reduce_sum3A_317 = vector.multi_reduction <add>, %slice3A_306, %reduce_sum3A_316 [0] : vector<128x8xf32> to vector<8xf32>
    %broadcast_in_dim3A_318 = vector.shape_cast %reduce_sum3A_317 : vector<8xf32> to vector<1x8xf32>
    %add3A_319 = arith.addf %add3A_305, %broadcast_in_dim3A_318 : vector<1x8xf32>
    %slice3A_320 = vector.extract_strided_slice %convert_element_type3A_38 {offsets = [384, 0], sizes = [128, 8], strides = [1, 1]} : vector<2048x8xf32> to vector<128x8xf32>
    %convert_element_type3A_321 = arith.truncf %slice3A_320 : vector<128x8xf32> to vector<128x8xbf16>
    %dot_general3A_322 = arith.constant dense<0.000000e+00> : vector<128x8xf32>
    %dot_general3A_323 = tpu.matmul %get3A_53, %convert_element_type3A_321, %dot_general3A_322 {dimension_numbers = #tpu.dot_dimension_numbers<[1], [0], [0], [1], [0, 0, 1, 1], [], []>, transpose_lhs_hint = false} : vector<128x128xbf16>, vector<128x8xbf16>, vector<128x8xf32> -> vector<128x8xf32>
    %add3A_324 = vector.broadcast %add3A_319 : vector<1x8xf32> to vector<128x8xf32>
    %add3A_325 = arith.addf %dot_general3A_323, %add3A_324 : vector<128x8xf32>
    %mul3A_326 = arith.mulf %add3A_325, %slice3A_320 : vector<128x8xf32>
    %reduce_sum3A_327 = arith.constant dense<0.000000e+00> : vector<128xf32>
    %reduce_sum3A_328 = vector.multi_reduction <add>, %mul3A_326, %reduce_sum3A_327 [1] : vector<128x8xf32> to vector<128xf32>
    %broadcast_in_dim3A_329 = vector.shape_cast %reduce_sum3A_328 : vector<128xf32> to vector<128x1xf32>
    %reduce_sum3A_330 = arith.constant dense<0.000000e+00> : vector<8xf32>
    %reduce_sum3A_331 = vector.multi_reduction <add>, %slice3A_320, %reduce_sum3A_330 [0] : vector<128x8xf32> to vector<8xf32>
    %broadcast_in_dim3A_332 = vector.shape_cast %reduce_sum3A_331 : vector<8xf32> to vector<1x8xf32>
    %add3A_333 = arith.addf %add3A_319, %broadcast_in_dim3A_332 : vector<1x8xf32>
    %slice3A_334 = vector.extract_strided_slice %convert_element_type3A_38 {offsets = [512, 0], sizes = [128, 8], strides = [1, 1]} : vector<2048x8xf32> to vector<128x8xf32>
    %convert_element_type3A_335 = arith.truncf %slice3A_334 : vector<128x8xf32> to vector<128x8xbf16>
    %dot_general3A_336 = arith.constant dense<0.000000e+00> : vector<128x8xf32>
    %dot_general3A_337 = tpu.matmul %get3A_53, %convert_element_type3A_335, %dot_general3A_336 {dimension_numbers = #tpu.dot_dimension_numbers<[1], [0], [0], [1], [0, 0, 1, 1], [], []>, transpose_lhs_hint = false} : vector<128x128xbf16>, vector<128x8xbf16>, vector<128x8xf32> -> vector<128x8xf32>
    %add3A_338 = vector.broadcast %add3A_333 : vector<1x8xf32> to vector<128x8xf32>
    %add3A_339 = arith.addf %dot_general3A_337, %add3A_338 : vector<128x8xf32>
    %mul3A_340 = arith.mulf %add3A_339, %slice3A_334 : vector<128x8xf32>
    %reduce_sum3A_341 = arith.constant dense<0.000000e+00> : vector<128xf32>
    %reduce_sum3A_342 = vector.multi_reduction <add>, %mul3A_340, %reduce_sum3A_341 [1] : vector<128x8xf32> to vector<128xf32>
    %broadcast_in_dim3A_343 = vector.shape_cast %reduce_sum3A_342 : vector<128xf32> to vector<128x1xf32>
    %reduce_sum3A_344 = arith.constant dense<0.000000e+00> : vector<8xf32>
    %reduce_sum3A_345 = vector.multi_reduction <add>, %slice3A_334, %reduce_sum3A_344 [0] : vector<128x8xf32> to vector<8xf32>
    %broadcast_in_dim3A_346 = vector.shape_cast %reduce_sum3A_345 : vector<8xf32> to vector<1x8xf32>
    %add3A_347 = arith.addf %add3A_333, %broadcast_in_dim3A_346 : vector<1x8xf32>
    %slice3A_348 = vector.extract_strided_slice %convert_element_type3A_38 {offsets = [640, 0], sizes = [128, 8], strides = [1, 1]} : vector<2048x8xf32> to vector<128x8xf32>
    %convert_element_type3A_349 = arith.truncf %slice3A_348 : vector<128x8xf32> to vector<128x8xbf16>
    %dot_general3A_350 = arith.constant dense<0.000000e+00> : vector<128x8xf32>
    %dot_general3A_351 = tpu.matmul %get3A_53, %convert_element_type3A_349, %dot_general3A_350 {dimension_numbers = #tpu.dot_dimension_numbers<[1], [0], [0], [1], [0, 0, 1, 1], [], []>, transpose_lhs_hint = false} : vector<128x128xbf16>, vector<128x8xbf16>, vector<128x8xf32> -> vector<128x8xf32>
    %add3A_352 = vector.broadcast %add3A_347 : vector<1x8xf32> to vector<128x8xf32>
    %add3A_353 = arith.addf %dot_general3A_351, %add3A_352 : vector<128x8xf32>
    %mul3A_354 = arith.mulf %add3A_353, %slice3A_348 : vector<128x8xf32>
    %reduce_sum3A_355 = arith.constant dense<0.000000e+00> : vector<128xf32>
    %reduce_sum3A_356 = vector.multi_reduction <add>, %mul3A_354, %reduce_sum3A_355 [1] : vector<128x8xf32> to vector<128xf32>
    %broadcast_in_dim3A_357 = vector.shape_cast %reduce_sum3A_356 : vector<128xf32> to vector<128x1xf32>
    %reduce_sum3A_358 = arith.constant dense<0.000000e+00> : vector<8xf32>
    %reduce_sum3A_359 = vector.multi_reduction <add>, %slice3A_348, %reduce_sum3A_358 [0] : vector<128x8xf32> to vector<8xf32>
    %broadcast_in_dim3A_360 = vector.shape_cast %reduce_sum3A_359 : vector<8xf32> to vector<1x8xf32>
    %add3A_361 = arith.addf %add3A_347, %broadcast_in_dim3A_360 : vector<1x8xf32>
    %slice3A_362 = vector.extract_strided_slice %convert_element_type3A_38 {offsets = [768, 0], sizes = [128, 8], strides = [1, 1]} : vector<2048x8xf32> to vector<128x8xf32>
    %convert_element_type3A_363 = arith.truncf %slice3A_362 : vector<128x8xf32> to vector<128x8xbf16>
    %dot_general3A_364 = arith.constant dense<0.000000e+00> : vector<128x8xf32>
    %dot_general3A_365 = tpu.matmul %get3A_53, %convert_element_type3A_363, %dot_general3A_364 {dimension_numbers = #tpu.dot_dimension_numbers<[1], [0], [0], [1], [0, 0, 1, 1], [], []>, transpose_lhs_hint = false} : vector<128x128xbf16>, vector<128x8xbf16>, vector<128x8xf32> -> vector<128x8xf32>
    %add3A_366 = vector.broadcast %add3A_361 : vector<1x8xf32> to vector<128x8xf32>
    %add3A_367 = arith.addf %dot_general3A_365, %add3A_366 : vector<128x8xf32>
    %mul3A_368 = arith.mulf %add3A_367, %slice3A_362 : vector<128x8xf32>
    %reduce_sum3A_369 = arith.constant dense<0.000000e+00> : vector<128xf32>
    %reduce_sum3A_370 = vector.multi_reduction <add>, %mul3A_368, %reduce_sum3A_369 [1] : vector<128x8xf32> to vector<128xf32>
    %broadcast_in_dim3A_371 = vector.shape_cast %reduce_sum3A_370 : vector<128xf32> to vector<128x1xf32>
    %reduce_sum3A_372 = arith.constant dense<0.000000e+00> : vector<8xf32>
    %reduce_sum3A_373 = vector.multi_reduction <add>, %slice3A_362, %reduce_sum3A_372 [0] : vector<128x8xf32> to vector<8xf32>
    %broadcast_in_dim3A_374 = vector.shape_cast %reduce_sum3A_373 : vector<8xf32> to vector<1x8xf32>
    %add3A_375 = arith.addf %add3A_361, %broadcast_in_dim3A_374 : vector<1x8xf32>
    %slice3A_376 = vector.extract_strided_slice %convert_element_type3A_38 {offsets = [896, 0], sizes = [128, 8], strides = [1, 1]} : vector<2048x8xf32> to vector<128x8xf32>
    %convert_element_type3A_377 = arith.truncf %slice3A_376 : vector<128x8xf32> to vector<128x8xbf16>
    %dot_general3A_378 = arith.constant dense<0.000000e+00> : vector<128x8xf32>
    %dot_general3A_379 = tpu.matmul %get3A_53, %convert_element_type3A_377, %dot_general3A_378 {dimension_numbers = #tpu.dot_dimension_numbers<[1], [0], [0], [1], [0, 0, 1, 1], [], []>, transpose_lhs_hint = false} : vector<128x128xbf16>, vector<128x8xbf16>, vector<128x8xf32> -> vector<128x8xf32>
    %add3A_380 = vector.broadcast %add3A_375 : vector<1x8xf32> to vector<128x8xf32>
    %add3A_381 = arith.addf %dot_general3A_379, %add3A_380 : vector<128x8xf32>
    %mul3A_382 = arith.mulf %add3A_381, %slice3A_376 : vector<128x8xf32>
    %reduce_sum3A_383 = arith.constant dense<0.000000e+00> : vector<128xf32>
    %reduce_sum3A_384 = vector.multi_reduction <add>, %mul3A_382, %reduce_sum3A_383 [1] : vector<128x8xf32> to vector<128xf32>
    %broadcast_in_dim3A_385 = vector.shape_cast %reduce_sum3A_384 : vector<128xf32> to vector<128x1xf32>
    %reduce_sum3A_386 = arith.constant dense<0.000000e+00> : vector<8xf32>
    %reduce_sum3A_387 = vector.multi_reduction <add>, %slice3A_376, %reduce_sum3A_386 [0] : vector<128x8xf32> to vector<8xf32>
    %broadcast_in_dim3A_388 = vector.shape_cast %reduce_sum3A_387 : vector<8xf32> to vector<1x8xf32>
    %add3A_389 = arith.addf %add3A_375, %broadcast_in_dim3A_388 : vector<1x8xf32>
    %slice3A_390 = vector.extract_strided_slice %convert_element_type3A_38 {offsets = [1024, 0], sizes = [128, 8], strides = [1, 1]} : vector<2048x8xf32> to vector<128x8xf32>
    %convert_element_type3A_391 = arith.truncf %slice3A_390 : vector<128x8xf32> to vector<128x8xbf16>
    %dot_general3A_392 = arith.constant dense<0.000000e+00> : vector<128x8xf32>
    %dot_general3A_393 = tpu.matmul %get3A_53, %convert_element_type3A_391, %dot_general3A_392 {dimension_numbers = #tpu.dot_dimension_numbers<[1], [0], [0], [1], [0, 0, 1, 1], [], []>, transpose_lhs_hint = false} : vector<128x128xbf16>, vector<128x8xbf16>, vector<128x8xf32> -> vector<128x8xf32>
    %add3A_394 = vector.broadcast %add3A_389 : vector<1x8xf32> to vector<128x8xf32>
    %add3A_395 = arith.addf %dot_general3A_393, %add3A_394 : vector<128x8xf32>
    %mul3A_396 = arith.mulf %add3A_395, %slice3A_390 : vector<128x8xf32>
    %reduce_sum3A_397 = arith.constant dense<0.000000e+00> : vector<128xf32>
    %reduce_sum3A_398 = vector.multi_reduction <add>, %mul3A_396, %reduce_sum3A_397 [1] : vector<128x8xf32> to vector<128xf32>
    %broadcast_in_dim3A_399 = vector.shape_cast %reduce_sum3A_398 : vector<128xf32> to vector<128x1xf32>
    %reduce_sum3A_400 = arith.constant dense<0.000000e+00> : vector<8xf32>
    %reduce_sum3A_401 = vector.multi_reduction <add>, %slice3A_390, %reduce_sum3A_400 [0] : vector<128x8xf32> to vector<8xf32>
    %broadcast_in_dim3A_402 = vector.shape_cast %reduce_sum3A_401 : vector<8xf32> to vector<1x8xf32>
    %add3A_403 = arith.addf %add3A_389, %broadcast_in_dim3A_402 : vector<1x8xf32>
    %slice3A_404 = vector.extract_strided_slice %convert_element_type3A_38 {offsets = [1152, 0], sizes = [128, 8], strides = [1, 1]} : vector<2048x8xf32> to vector<128x8xf32>
    %convert_element_type3A_405 = arith.truncf %slice3A_404 : vector<128x8xf32> to vector<128x8xbf16>
    %dot_general3A_406 = arith.constant dense<0.000000e+00> : vector<128x8xf32>
    %dot_general3A_407 = tpu.matmul %get3A_53, %convert_element_type3A_405, %dot_general3A_406 {dimension_numbers = #tpu.dot_dimension_numbers<[1], [0], [0], [1], [0, 0, 1, 1], [], []>, transpose_lhs_hint = false} : vector<128x128xbf16>, vector<128x8xbf16>, vector<128x8xf32> -> vector<128x8xf32>
    %add3A_408 = vector.broadcast %add3A_403 : vector<1x8xf32> to vector<128x8xf32>
    %add3A_409 = arith.addf %dot_general3A_407, %add3A_408 : vector<128x8xf32>
    %mul3A_410 = arith.mulf %add3A_409, %slice3A_404 : vector<128x8xf32>
    %reduce_sum3A_411 = arith.constant dense<0.000000e+00> : vector<128xf32>
    %reduce_sum3A_412 = vector.multi_reduction <add>, %mul3A_410, %reduce_sum3A_411 [1] : vector<128x8xf32> to vector<128xf32>
    %broadcast_in_dim3A_413 = vector.shape_cast %reduce_sum3A_412 : vector<128xf32> to vector<128x1xf32>
    %reduce_sum3A_414 = arith.constant dense<0.000000e+00> : vector<8xf32>
    %reduce_sum3A_415 = vector.multi_reduction <add>, %slice3A_404, %reduce_sum3A_414 [0] : vector<128x8xf32> to vector<8xf32>
    %broadcast_in_dim3A_416 = vector.shape_cast %reduce_sum3A_415 : vector<8xf32> to vector<1x8xf32>
    %add3A_417 = arith.addf %add3A_403, %broadcast_in_dim3A_416 : vector<1x8xf32>
    %slice3A_418 = vector.extract_strided_slice %convert_element_type3A_38 {offsets = [1280, 0], sizes = [128, 8], strides = [1, 1]} : vector<2048x8xf32> to vector<128x8xf32>
    %convert_element_type3A_419 = arith.truncf %slice3A_418 : vector<128x8xf32> to vector<128x8xbf16>
    %dot_general3A_420 = arith.constant dense<0.000000e+00> : vector<128x8xf32>
    %dot_general3A_421 = tpu.matmul %get3A_53, %convert_element_type3A_419, %dot_general3A_420 {dimension_numbers = #tpu.dot_dimension_numbers<[1], [0], [0], [1], [0, 0, 1, 1], [], []>, transpose_lhs_hint = false} : vector<128x128xbf16>, vector<128x8xbf16>, vector<128x8xf32> -> vector<128x8xf32>
    %add3A_422 = vector.broadcast %add3A_417 : vector<1x8xf32> to vector<128x8xf32>
    %add3A_423 = arith.addf %dot_general3A_421, %add3A_422 : vector<128x8xf32>
    %mul3A_424 = arith.mulf %add3A_423, %slice3A_418 : vector<128x8xf32>
    %reduce_sum3A_425 = arith.constant dense<0.000000e+00> : vector<128xf32>
    %reduce_sum3A_426 = vector.multi_reduction <add>, %mul3A_424, %reduce_sum3A_425 [1] : vector<128x8xf32> to vector<128xf32>
    %broadcast_in_dim3A_427 = vector.shape_cast %reduce_sum3A_426 : vector<128xf32> to vector<128x1xf32>
    %reduce_sum3A_428 = arith.constant dense<0.000000e+00> : vector<8xf32>
    %reduce_sum3A_429 = vector.multi_reduction <add>, %slice3A_418, %reduce_sum3A_428 [0] : vector<128x8xf32> to vector<8xf32>
    %broadcast_in_dim3A_430 = vector.shape_cast %reduce_sum3A_429 : vector<8xf32> to vector<1x8xf32>
    %add3A_431 = arith.addf %add3A_417, %broadcast_in_dim3A_430 : vector<1x8xf32>
    %slice3A_432 = vector.extract_strided_slice %convert_element_type3A_38 {offsets = [1408, 0], sizes = [128, 8], strides = [1, 1]} : vector<2048x8xf32> to vector<128x8xf32>
    %convert_element_type3A_433 = arith.truncf %slice3A_432 : vector<128x8xf32> to vector<128x8xbf16>
    %dot_general3A_434 = arith.constant dense<0.000000e+00> : vector<128x8xf32>
    %dot_general3A_435 = tpu.matmul %get3A_53, %convert_element_type3A_433, %dot_general3A_434 {dimension_numbers = #tpu.dot_dimension_numbers<[1], [0], [0], [1], [0, 0, 1, 1], [], []>, transpose_lhs_hint = false} : vector<128x128xbf16>, vector<128x8xbf16>, vector<128x8xf32> -> vector<128x8xf32>
    %add3A_436 = vector.broadcast %add3A_431 : vector<1x8xf32> to vector<128x8xf32>
    %add3A_437 = arith.addf %dot_general3A_435, %add3A_436 : vector<128x8xf32>
    %mul3A_438 = arith.mulf %add3A_437, %slice3A_432 : vector<128x8xf32>
    %reduce_sum3A_439 = arith.constant dense<0.000000e+00> : vector<128xf32>
    %reduce_sum3A_440 = vector.multi_reduction <add>, %mul3A_438, %reduce_sum3A_439 [1] : vector<128x8xf32> to vector<128xf32>
    %broadcast_in_dim3A_441 = vector.shape_cast %reduce_sum3A_440 : vector<128xf32> to vector<128x1xf32>
    %reduce_sum3A_442 = arith.constant dense<0.000000e+00> : vector<8xf32>
    %reduce_sum3A_443 = vector.multi_reduction <add>, %slice3A_432, %reduce_sum3A_442 [0] : vector<128x8xf32> to vector<8xf32>
    %broadcast_in_dim3A_444 = vector.shape_cast %reduce_sum3A_443 : vector<8xf32> to vector<1x8xf32>
    %add3A_445 = arith.addf %add3A_431, %broadcast_in_dim3A_444 : vector<1x8xf32>
    %slice3A_446 = vector.extract_strided_slice %convert_element_type3A_38 {offsets = [1536, 0], sizes = [128, 8], strides = [1, 1]} : vector<2048x8xf32> to vector<128x8xf32>
    %convert_element_type3A_447 = arith.truncf %slice3A_446 : vector<128x8xf32> to vector<128x8xbf16>
    %dot_general3A_448 = arith.constant dense<0.000000e+00> : vector<128x8xf32>
    %dot_general3A_449 = tpu.matmul %get3A_53, %convert_element_type3A_447, %dot_general3A_448 {dimension_numbers = #tpu.dot_dimension_numbers<[1], [0], [0], [1], [0, 0, 1, 1], [], []>, transpose_lhs_hint = false} : vector<128x128xbf16>, vector<128x8xbf16>, vector<128x8xf32> -> vector<128x8xf32>
    %add3A_450 = vector.broadcast %add3A_445 : vector<1x8xf32> to vector<128x8xf32>
    %add3A_451 = arith.addf %dot_general3A_449, %add3A_450 : vector<128x8xf32>
    %mul3A_452 = arith.mulf %add3A_451, %slice3A_446 : vector<128x8xf32>
    %reduce_sum3A_453 = arith.constant dense<0.000000e+00> : vector<128xf32>
    %reduce_sum3A_454 = vector.multi_reduction <add>, %mul3A_452, %reduce_sum3A_453 [1] : vector<128x8xf32> to vector<128xf32>
    %broadcast_in_dim3A_455 = vector.shape_cast %reduce_sum3A_454 : vector<128xf32> to vector<128x1xf32>
    %reduce_sum3A_456 = arith.constant dense<0.000000e+00> : vector<8xf32>
    %reduce_sum3A_457 = vector.multi_reduction <add>, %slice3A_446, %reduce_sum3A_456 [0] : vector<128x8xf32> to vector<8xf32>
    %broadcast_in_dim3A_458 = vector.shape_cast %reduce_sum3A_457 : vector<8xf32> to vector<1x8xf32>
    %add3A_459 = arith.addf %add3A_445, %broadcast_in_dim3A_458 : vector<1x8xf32>
    %slice3A_460 = vector.extract_strided_slice %convert_element_type3A_38 {offsets = [1664, 0], sizes = [128, 8], strides = [1, 1]} : vector<2048x8xf32> to vector<128x8xf32>
    %convert_element_type3A_461 = arith.truncf %slice3A_460 : vector<128x8xf32> to vector<128x8xbf16>
    %dot_general3A_462 = arith.constant dense<0.000000e+00> : vector<128x8xf32>
    %dot_general3A_463 = tpu.matmul %get3A_53, %convert_element_type3A_461, %dot_general3A_462 {dimension_numbers = #tpu.dot_dimension_numbers<[1], [0], [0], [1], [0, 0, 1, 1], [], []>, transpose_lhs_hint = false} : vector<128x128xbf16>, vector<128x8xbf16>, vector<128x8xf32> -> vector<128x8xf32>
    %add3A_464 = vector.broadcast %add3A_459 : vector<1x8xf32> to vector<128x8xf32>
    %add3A_465 = arith.addf %dot_general3A_463, %add3A_464 : vector<128x8xf32>
    %mul3A_466 = arith.mulf %add3A_465, %slice3A_460 : vector<128x8xf32>
    %reduce_sum3A_467 = arith.constant dense<0.000000e+00> : vector<128xf32>
    %reduce_sum3A_468 = vector.multi_reduction <add>, %mul3A_466, %reduce_sum3A_467 [1] : vector<128x8xf32> to vector<128xf32>
    %broadcast_in_dim3A_469 = vector.shape_cast %reduce_sum3A_468 : vector<128xf32> to vector<128x1xf32>
    %reduce_sum3A_470 = arith.constant dense<0.000000e+00> : vector<8xf32>
    %reduce_sum3A_471 = vector.multi_reduction <add>, %slice3A_460, %reduce_sum3A_470 [0] : vector<128x8xf32> to vector<8xf32>
    %broadcast_in_dim3A_472 = vector.shape_cast %reduce_sum3A_471 : vector<8xf32> to vector<1x8xf32>
    %add3A_473 = arith.addf %add3A_459, %broadcast_in_dim3A_472 : vector<1x8xf32>
    %slice3A_474 = vector.extract_strided_slice %convert_element_type3A_38 {offsets = [1792, 0], sizes = [128, 8], strides = [1, 1]} : vector<2048x8xf32> to vector<128x8xf32>
    %convert_element_type3A_475 = arith.truncf %slice3A_474 : vector<128x8xf32> to vector<128x8xbf16>
    %dot_general3A_476 = arith.constant dense<0.000000e+00> : vector<128x8xf32>
    %dot_general3A_477 = tpu.matmul %get3A_53, %convert_element_type3A_475, %dot_general3A_476 {dimension_numbers = #tpu.dot_dimension_numbers<[1], [0], [0], [1], [0, 0, 1, 1], [], []>, transpose_lhs_hint = false} : vector<128x128xbf16>, vector<128x8xbf16>, vector<128x8xf32> -> vector<128x8xf32>
    %add3A_478 = vector.broadcast %add3A_473 : vector<1x8xf32> to vector<128x8xf32>
    %add3A_479 = arith.addf %dot_general3A_477, %add3A_478 : vector<128x8xf32>
    %mul3A_480 = arith.mulf %add3A_479, %slice3A_474 : vector<128x8xf32>
    %reduce_sum3A_481 = arith.constant dense<0.000000e+00> : vector<128xf32>
    %reduce_sum3A_482 = vector.multi_reduction <add>, %mul3A_480, %reduce_sum3A_481 [1] : vector<128x8xf32> to vector<128xf32>
    %broadcast_in_dim3A_483 = vector.shape_cast %reduce_sum3A_482 : vector<128xf32> to vector<128x1xf32>
    %reduce_sum3A_484 = arith.constant dense<0.000000e+00> : vector<8xf32>
    %reduce_sum3A_485 = vector.multi_reduction <add>, %slice3A_474, %reduce_sum3A_484 [0] : vector<128x8xf32> to vector<8xf32>
    %broadcast_in_dim3A_486 = vector.shape_cast %reduce_sum3A_485 : vector<8xf32> to vector<1x8xf32>
    %add3A_487 = arith.addf %add3A_473, %broadcast_in_dim3A_486 : vector<1x8xf32>
    %slice3A_488 = vector.extract_strided_slice %convert_element_type3A_38 {offsets = [1920, 0], sizes = [128, 8], strides = [1, 1]} : vector<2048x8xf32> to vector<128x8xf32>
    %convert_element_type3A_489 = arith.truncf %slice3A_488 : vector<128x8xf32> to vector<128x8xbf16>
    %dot_general3A_490 = arith.constant dense<0.000000e+00> : vector<128x8xf32>
    %dot_general3A_491 = tpu.matmul %get3A_53, %convert_element_type3A_489, %dot_general3A_490 {dimension_numbers = #tpu.dot_dimension_numbers<[1], [0], [0], [1], [0, 0, 1, 1], [], []>, transpose_lhs_hint = false} : vector<128x128xbf16>, vector<128x8xbf16>, vector<128x8xf32> -> vector<128x8xf32>
    %add3A_492 = vector.broadcast %add3A_487 : vector<1x8xf32> to vector<128x8xf32>
    %add3A_493 = arith.addf %dot_general3A_491, %add3A_492 : vector<128x8xf32>
    %mul3A_494 = arith.mulf %add3A_493, %slice3A_488 : vector<128x8xf32>
    %reduce_sum3A_495 = arith.constant dense<0.000000e+00> : vector<128xf32>
    %reduce_sum3A_496 = vector.multi_reduction <add>, %mul3A_494, %reduce_sum3A_495 [1] : vector<128x8xf32> to vector<128xf32>
    %broadcast_in_dim3A_497 = vector.shape_cast %reduce_sum3A_496 : vector<128xf32> to vector<128x1xf32>
    %reduce_sum3A_498 = arith.constant dense<0.000000e+00> : vector<8xf32>
    %reduce_sum3A_499 = vector.multi_reduction <add>, %slice3A_488, %reduce_sum3A_498 [0] : vector<128x8xf32> to vector<8xf32>
    %broadcast_in_dim3A_500 = vector.shape_cast %reduce_sum3A_499 : vector<8xf32> to vector<1x8xf32>
    %add3A_501 = arith.addf %add3A_487, %broadcast_in_dim3A_500 : vector<1x8xf32>
    %add3A_502 = arith.constant 2.550000e+02 : f32
    %add3A_503 = vector.broadcast %add3A_502 : f32 to vector<1x8xf32>
    %add3A_504 = arith.addf %add3A_501, %add3A_503 : vector<1x8xf32>
    %mul3A_505 = arith.constant 3.906250e-03 : f32
    %mul3A_506 = vector.broadcast %mul3A_505 : f32 to vector<1x8xf32>
    %mul3A_507 = arith.mulf %add3A_504, %mul3A_506 : vector<1x8xf32>
    %floor3A = math.floor %mul3A_507 : vector<1x8xf32>
    %iota3A_508 = tpu.iota {dimensions = array<i32: 1>} : vector<8x8xi32>
    %iota3A_509 = tpu.iota {dimensions = array<i32: 0>} : vector<8x8xi32>
    %lt3A = arith.cmpi slt, %iota3A_509, %iota3A_508 : vector<8x8xi32>
    %convert_element_type3A_510 = arith.extui %lt3A : vector<8x8xi1> to vector<8x8xi32>
    %convert_element_type3A_511 = arith.sitofp %convert_element_type3A_510 : vector<8x8xi32> to vector<8x8xf32>
    %dot_general3A_512 = arith.constant dense<0.000000e+00> : vector<1x8xf32>
    %dot_general3A_513 = tpu.matmul %floor3A, %convert_element_type3A_511, %dot_general3A_512 {dimension_numbers = #tpu.dot_dimension_numbers<[1], [0], [0], [1], [0, 0, 1, 1], [], []>, transpose_lhs_hint = false} : vector<1x8xf32>, vector<8x8xf32>, vector<1x8xf32> -> vector<1x8xf32>
    %mul3A_514 = arith.constant 2.560000e+02 : f32
    %mul3A_515 = vector.broadcast %mul3A_514 : f32 to vector<1x8xf32>
    %mul3A_516 = arith.mulf %dot_general3A_513, %mul3A_515 : vector<1x8xf32>
    %iota3A_517 = tpu.iota {dimensions = array<i32: 1>} : vector<128x3xi32>
    %convert_element_type3A_518 = arith.sitofp %iota3A_517 : vector<128x3xi32> to vector<128x3xf32>
    %mul3A_519 = vector.broadcast %mul3A_516 : vector<1x8xf32> to vector<128x8xf32>
    %mul3A_520 = arith.mulf %slice3A, %mul3A_519 : vector<128x8xf32>
    %reduce_sum3A_521 = arith.constant dense<0.000000e+00> : vector<128xf32>
    %reduce_sum3A_522 = vector.multi_reduction <add>, %mul3A_520, %reduce_sum3A_521 [1] : vector<128x8xf32> to vector<128xf32>
    %broadcast_in_dim3A_523 = vector.shape_cast %reduce_sum3A_522 : vector<128xf32> to vector<128x1xf32>
    %add3A_524 = arith.addf %broadcast_in_dim3A_523, %broadcast_in_dim3A_63 : vector<128x1xf32>
    %mul3A_525 = arith.constant 3.000000e+00 : f32
    %mul3A_526 = vector.broadcast %mul3A_525 : f32 to vector<128x1xf32>
    %mul3A_527 = arith.mulf %add3A_524, %mul3A_526 : vector<128x1xf32>
    %add3A_528 = vector.broadcast %mul3A_527 : vector<128x1xf32> to vector<128x3xf32>
    %add3A_529 = arith.addf %add3A_528, %convert_element_type3A_518 : vector<128x3xf32>
    %convert_element_type3A_530 = arith.fptosi %add3A_529 : vector<128x3xf32> to vector<128x3xi32>
    %swap3A_531 = arith.constant 0 : index
    %swap3A_532 = arith.constant 0 : index
    %swap3A_533 = arith.constant 0 : index
    %swap3A_534 = vector.load %arg6[%swap3A_531, %swap3A_532, %swap3A_533] : memref<32x128x3xi32, #tpu.memory_space<vmem>>, vector<1x128x3xi32>
    %swap3A_535 = vector.shape_cast %swap3A_534 : vector<1x128x3xi32> to vector<128x3xi32>
    %swap3A_536 = vector.shape_cast %convert_element_type3A_530 : vector<128x3xi32> to vector<1x128x3xi32>
    tpu.vector_store %arg6[%swap3A_531, %swap3A_532, %swap3A_533], %swap3A_536 {strides = array<i32>} : memref<32x128x3xi32, #tpu.memory_space<vmem>>, vector<1x128x3xi32>,
    %mul3A_537 = vector.broadcast %mul3A_516 : vector<1x8xf32> to vector<128x8xf32>
    %mul3A_538 = arith.mulf %slice3A_68, %mul3A_537 : vector<128x8xf32>
    %reduce_sum3A_539 = arith.constant dense<0.000000e+00> : vector<128xf32>
    %reduce_sum3A_540 = vector.multi_reduction <add>, %mul3A_538, %reduce_sum3A_539 [1] : vector<128x8xf32> to vector<128xf32>
    %broadcast_in_dim3A_541 = vector.shape_cast %reduce_sum3A_540 : vector<128xf32> to vector<128x1xf32>
    %add3A_542 = arith.addf %broadcast_in_dim3A_541, %broadcast_in_dim3A_77 : vector<128x1xf32>
    %mul3A_543 = arith.constant 3.000000e+00 : f32
    %mul3A_544 = vector.broadcast %mul3A_543 : f32 to vector<128x1xf32>
    %mul3A_545 = arith.mulf %add3A_542, %mul3A_544 : vector<128x1xf32>
    %add3A_546 = vector.broadcast %mul3A_545 : vector<128x1xf32> to vector<128x3xf32>
    %add3A_547 = arith.addf %add3A_546, %convert_element_type3A_518 : vector<128x3xf32>
    %convert_element_type3A_548 = arith.fptosi %add3A_547 : vector<128x3xf32> to vector<128x3xi32>
    %swap3A_549 = arith.constant 1 : index
    %swap3A_550 = arith.constant 0 : index
    %swap3A_551 = arith.constant 0 : index
    %swap3A_552 = vector.load %arg6[%swap3A_549, %swap3A_550, %swap3A_551] : memref<32x128x3xi32, #tpu.memory_space<vmem>>, vector<1x128x3xi32>
    %swap3A_553 = vector.shape_cast %swap3A_552 : vector<1x128x3xi32> to vector<128x3xi32>
    %swap3A_554 = vector.shape_cast %convert_element_type3A_548 : vector<128x3xi32> to vector<1x128x3xi32>
    tpu.vector_store %arg6[%swap3A_549, %swap3A_550, %swap3A_551], %swap3A_554 {strides = array<i32>} : memref<32x128x3xi32, #tpu.memory_space<vmem>>, vector<1x128x3xi32>,
    %mul3A_555 = vector.broadcast %mul3A_516 : vector<1x8xf32> to vector<128x8xf32>
    %mul3A_556 = arith.mulf %slice3A_82, %mul3A_555 : vector<128x8xf32>
    %reduce_sum3A_557 = arith.constant dense<0.000000e+00> : vector<128xf32>
    %reduce_sum3A_558 = vector.multi_reduction <add>, %mul3A_556, %reduce_sum3A_557 [1] : vector<128x8xf32> to vector<128xf32>
    %broadcast_in_dim3A_559 = vector.shape_cast %reduce_sum3A_558 : vector<128xf32> to vector<128x1xf32>
    %add3A_560 = arith.addf %broadcast_in_dim3A_559, %broadcast_in_dim3A_91 : vector<128x1xf32>
    %mul3A_561 = arith.constant 3.000000e+00 : f32
    %mul3A_562 = vector.broadcast %mul3A_561 : f32 to vector<128x1xf32>
    %mul3A_563 = arith.mulf %add3A_560, %mul3A_562 : vector<128x1xf32>
    %add3A_564 = vector.broadcast %mul3A_563 : vector<128x1xf32> to vector<128x3xf32>
    %add3A_565 = arith.addf %add3A_564, %convert_element_type3A_518 : vector<128x3xf32>
    %convert_element_type3A_566 = arith.fptosi %add3A_565 : vector<128x3xf32> to vector<128x3xi32>
    %swap3A_567 = arith.constant 2 : index
    %swap3A_568 = arith.constant 0 : index
    %swap3A_569 = arith.constant 0 : index
    %swap3A_570 = vector.load %arg6[%swap3A_567, %swap3A_568, %swap3A_569] : memref<32x128x3xi32, #tpu.memory_space<vmem>>, vector<1x128x3xi32>
    %swap3A_571 = vector.shape_cast %swap3A_570 : vector<1x128x3xi32> to vector<128x3xi32>
    %swap3A_572 = vector.shape_cast %convert_element_type3A_566 : vector<128x3xi32> to vector<1x128x3xi32>
    tpu.vector_store %arg6[%swap3A_567, %swap3A_568, %swap3A_569], %swap3A_572 {strides = array<i32>} : memref<32x128x3xi32, #tpu.memory_space<vmem>>, vector<1x128x3xi32>,
    %mul3A_573 = vector.broadcast %mul3A_516 : vector<1x8xf32> to vector<128x8xf32>
    %mul3A_574 = arith.mulf %slice3A_96, %mul3A_573 : vector<128x8xf32>
    %reduce_sum3A_575 = arith.constant dense<0.000000e+00> : vector<128xf32>
    %reduce_sum3A_576 = vector.multi_reduction <add>, %mul3A_574, %reduce_sum3A_575 [1] : vector<128x8xf32> to vector<128xf32>
    %broadcast_in_dim3A_577 = vector.shape_cast %reduce_sum3A_576 : vector<128xf32> to vector<128x1xf32>
    %add3A_578 = arith.addf %broadcast_in_dim3A_577, %broadcast_in_dim3A_105 : vector<128x1xf32>
    %mul3A_579 = arith.constant 3.000000e+00 : f32
    %mul3A_580 = vector.broadcast %mul3A_579 : f32 to vector<128x1xf32>
    %mul3A_581 = arith.mulf %add3A_578, %mul3A_580 : vector<128x1xf32>
    %add3A_582 = vector.broadcast %mul3A_581 : vector<128x1xf32> to vector<128x3xf32>
    %add3A_583 = arith.addf %add3A_582, %convert_element_type3A_518 : vector<128x3xf32>
    %convert_element_type3A_584 = arith.fptosi %add3A_583 : vector<128x3xf32> to vector<128x3xi32>
    %swap3A_585 = arith.constant 3 : index
    %swap3A_586 = arith.constant 0 : index
    %swap3A_587 = arith.constant 0 : index
    %swap3A_588 = vector.load %arg6[%swap3A_585, %swap3A_586, %swap3A_587] : memref<32x128x3xi32, #tpu.memory_space<vmem>>, vector<1x128x3xi32>
    %swap3A_589 = vector.shape_cast %swap3A_588 : vector<1x128x3xi32> to vector<128x3xi32>
    %swap3A_590 = vector.shape_cast %convert_element_type3A_584 : vector<128x3xi32> to vector<1x128x3xi32>
    tpu.vector_store %arg6[%swap3A_585, %swap3A_586, %swap3A_587], %swap3A_590 {strides = array<i32>} : memref<32x128x3xi32, #tpu.memory_space<vmem>>, vector<1x128x3xi32>,
    %mul3A_591 = vector.broadcast %mul3A_516 : vector<1x8xf32> to vector<128x8xf32>
    %mul3A_592 = arith.mulf %slice3A_110, %mul3A_591 : vector<128x8xf32>
    %reduce_sum3A_593 = arith.constant dense<0.000000e+00> : vector<128xf32>
    %reduce_sum3A_594 = vector.multi_reduction <add>, %mul3A_592, %reduce_sum3A_593 [1] : vector<128x8xf32> to vector<128xf32>
    %broadcast_in_dim3A_595 = vector.shape_cast %reduce_sum3A_594 : vector<128xf32> to vector<128x1xf32>
    %add3A_596 = arith.addf %broadcast_in_dim3A_595, %broadcast_in_dim3A_119 : vector<128x1xf32>
    %mul3A_597 = arith.constant 3.000000e+00 : f32
    %mul3A_598 = vector.broadcast %mul3A_597 : f32 to vector<128x1xf32>
    %mul3A_599 = arith.mulf %add3A_596, %mul3A_598 : vector<128x1xf32>
    %add3A_600 = vector.broadcast %mul3A_599 : vector<128x1xf32> to vector<128x3xf32>
    %add3A_601 = arith.addf %add3A_600, %convert_element_type3A_518 : vector<128x3xf32>
    %convert_element_type3A_602 = arith.fptosi %add3A_601 : vector<128x3xf32> to vector<128x3xi32>
    %swap3A_603 = arith.constant 4 : index
    %swap3A_604 = arith.constant 0 : index
    %swap3A_605 = arith.constant 0 : index
    %swap3A_606 = vector.load %arg6[%swap3A_603, %swap3A_604, %swap3A_605] : memref<32x128x3xi32, #tpu.memory_space<vmem>>, vector<1x128x3xi32>
    %swap3A_607 = vector.shape_cast %swap3A_606 : vector<1x128x3xi32> to vector<128x3xi32>
    %swap3A_608 = vector.shape_cast %convert_element_type3A_602 : vector<128x3xi32> to vector<1x128x3xi32>
    tpu.vector_store %arg6[%swap3A_603, %swap3A_604, %swap3A_605], %swap3A_608 {strides = array<i32>} : memref<32x128x3xi32, #tpu.memory_space<vmem>>, vector<1x128x3xi32>,
    %mul3A_609 = vector.broadcast %mul3A_516 : vector<1x8xf32> to vector<128x8xf32>
    %mul3A_610 = arith.mulf %slice3A_124, %mul3A_609 : vector<128x8xf32>
    %reduce_sum3A_611 = arith.constant dense<0.000000e+00> : vector<128xf32>
    %reduce_sum3A_612 = vector.multi_reduction <add>, %mul3A_610, %reduce_sum3A_611 [1] : vector<128x8xf32> to vector<128xf32>
    %broadcast_in_dim3A_613 = vector.shape_cast %reduce_sum3A_612 : vector<128xf32> to vector<128x1xf32>
    %add3A_614 = arith.addf %broadcast_in_dim3A_613, %broadcast_in_dim3A_133 : vector<128x1xf32>
    %mul3A_615 = arith.constant 3.000000e+00 : f32
    %mul3A_616 = vector.broadcast %mul3A_615 : f32 to vector<128x1xf32>
    %mul3A_617 = arith.mulf %add3A_614, %mul3A_616 : vector<128x1xf32>
    %add3A_618 = vector.broadcast %mul3A_617 : vector<128x1xf32> to vector<128x3xf32>
    %add3A_619 = arith.addf %add3A_618, %convert_element_type3A_518 : vector<128x3xf32>
    %convert_element_type3A_620 = arith.fptosi %add3A_619 : vector<128x3xf32> to vector<128x3xi32>
    %swap3A_621 = arith.constant 5 : index
    %swap3A_622 = arith.constant 0 : index
    %swap3A_623 = arith.constant 0 : index
    %swap3A_624 = vector.load %arg6[%swap3A_621, %swap3A_622, %swap3A_623] : memref<32x128x3xi32, #tpu.memory_space<vmem>>, vector<1x128x3xi32>
    %swap3A_625 = vector.shape_cast %swap3A_624 : vector<1x128x3xi32> to vector<128x3xi32>
    %swap3A_626 = vector.shape_cast %convert_element_type3A_620 : vector<128x3xi32> to vector<1x128x3xi32>
    tpu.vector_store %arg6[%swap3A_621, %swap3A_622, %swap3A_623], %swap3A_626 {strides = array<i32>} : memref<32x128x3xi32, #tpu.memory_space<vmem>>, vector<1x128x3xi32>,
    %mul3A_627 = vector.broadcast %mul3A_516 : vector<1x8xf32> to vector<128x8xf32>
    %mul3A_628 = arith.mulf %slice3A_138, %mul3A_627 : vector<128x8xf32>
    %reduce_sum3A_629 = arith.constant dense<0.000000e+00> : vector<128xf32>
    %reduce_sum3A_630 = vector.multi_reduction <add>, %mul3A_628, %reduce_sum3A_629 [1] : vector<128x8xf32> to vector<128xf32>
    %broadcast_in_dim3A_631 = vector.shape_cast %reduce_sum3A_630 : vector<128xf32> to vector<128x1xf32>
    %add3A_632 = arith.addf %broadcast_in_dim3A_631, %broadcast_in_dim3A_147 : vector<128x1xf32>
    %mul3A_633 = arith.constant 3.000000e+00 : f32
    %mul3A_634 = vector.broadcast %mul3A_633 : f32 to vector<128x1xf32>
    %mul3A_635 = arith.mulf %add3A_632, %mul3A_634 : vector<128x1xf32>
    %add3A_636 = vector.broadcast %mul3A_635 : vector<128x1xf32> to vector<128x3xf32>
    %add3A_637 = arith.addf %add3A_636, %convert_element_type3A_518 : vector<128x3xf32>
    %convert_element_type3A_638 = arith.fptosi %add3A_637 : vector<128x3xf32> to vector<128x3xi32>
    %swap3A_639 = arith.constant 6 : index
    %swap3A_640 = arith.constant 0 : index
    %swap3A_641 = arith.constant 0 : index
    %swap3A_642 = vector.load %arg6[%swap3A_639, %swap3A_640, %swap3A_641] : memref<32x128x3xi32, #tpu.memory_space<vmem>>, vector<1x128x3xi32>
    %swap3A_643 = vector.shape_cast %swap3A_642 : vector<1x128x3xi32> to vector<128x3xi32>
    %swap3A_644 = vector.shape_cast %convert_element_type3A_638 : vector<128x3xi32> to vector<1x128x3xi32>
    tpu.vector_store %arg6[%swap3A_639, %swap3A_640, %swap3A_641], %swap3A_644 {strides = array<i32>} : memref<32x128x3xi32, #tpu.memory_space<vmem>>, vector<1x128x3xi32>,
    %mul3A_645 = vector.broadcast %mul3A_516 : vector<1x8xf32> to vector<128x8xf32>
    %mul3A_646 = arith.mulf %slice3A_152, %mul3A_645 : vector<128x8xf32>
    %reduce_sum3A_647 = arith.constant dense<0.000000e+00> : vector<128xf32>
    %reduce_sum3A_648 = vector.multi_reduction <add>, %mul3A_646, %reduce_sum3A_647 [1] : vector<128x8xf32> to vector<128xf32>
    %broadcast_in_dim3A_649 = vector.shape_cast %reduce_sum3A_648 : vector<128xf32> to vector<128x1xf32>
    %add3A_650 = arith.addf %broadcast_in_dim3A_649, %broadcast_in_dim3A_161 : vector<128x1xf32>
    %mul3A_651 = arith.constant 3.000000e+00 : f32
    %mul3A_652 = vector.broadcast %mul3A_651 : f32 to vector<128x1xf32>
    %mul3A_653 = arith.mulf %add3A_650, %mul3A_652 : vector<128x1xf32>
    %add3A_654 = vector.broadcast %mul3A_653 : vector<128x1xf32> to vector<128x3xf32>
    %add3A_655 = arith.addf %add3A_654, %convert_element_type3A_518 : vector<128x3xf32>
    %convert_element_type3A_656 = arith.fptosi %add3A_655 : vector<128x3xf32> to vector<128x3xi32>
    %swap3A_657 = arith.constant 7 : index
    %swap3A_658 = arith.constant 0 : index
    %swap3A_659 = arith.constant 0 : index
    %swap3A_660 = vector.load %arg6[%swap3A_657, %swap3A_658, %swap3A_659] : memref<32x128x3xi32, #tpu.memory_space<vmem>>, vector<1x128x3xi32>
    %swap3A_661 = vector.shape_cast %swap3A_660 : vector<1x128x3xi32> to vector<128x3xi32>
    %swap3A_662 = vector.shape_cast %convert_element_type3A_656 : vector<128x3xi32> to vector<1x128x3xi32>
    tpu.vector_store %arg6[%swap3A_657, %swap3A_658, %swap3A_659], %swap3A_662 {strides = array<i32>} : memref<32x128x3xi32, #tpu.memory_space<vmem>>, vector<1x128x3xi32>,
    %mul3A_663 = vector.broadcast %mul3A_516 : vector<1x8xf32> to vector<128x8xf32>
    %mul3A_664 = arith.mulf %slice3A_166, %mul3A_663 : vector<128x8xf32>
    %reduce_sum3A_665 = arith.constant dense<0.000000e+00> : vector<128xf32>
    %reduce_sum3A_666 = vector.multi_reduction <add>, %mul3A_664, %reduce_sum3A_665 [1] : vector<128x8xf32> to vector<128xf32>
    %broadcast_in_dim3A_667 = vector.shape_cast %reduce_sum3A_666 : vector<128xf32> to vector<128x1xf32>
    %add3A_668 = arith.addf %broadcast_in_dim3A_667, %broadcast_in_dim3A_175 : vector<128x1xf32>
    %mul3A_669 = arith.constant 3.000000e+00 : f32
    %mul3A_670 = vector.broadcast %mul3A_669 : f32 to vector<128x1xf32>
    %mul3A_671 = arith.mulf %add3A_668, %mul3A_670 : vector<128x1xf32>
    %add3A_672 = vector.broadcast %mul3A_671 : vector<128x1xf32> to vector<128x3xf32>
    %add3A_673 = arith.addf %add3A_672, %convert_element_type3A_518 : vector<128x3xf32>
    %convert_element_type3A_674 = arith.fptosi %add3A_673 : vector<128x3xf32> to vector<128x3xi32>
    %swap3A_675 = arith.constant 8 : index
    %swap3A_676 = arith.constant 0 : index
    %swap3A_677 = arith.constant 0 : index
    %swap3A_678 = vector.load %arg6[%swap3A_675, %swap3A_676, %swap3A_677] : memref<32x128x3xi32, #tpu.memory_space<vmem>>, vector<1x128x3xi32>
    %swap3A_679 = vector.shape_cast %swap3A_678 : vector<1x128x3xi32> to vector<128x3xi32>
    %swap3A_680 = vector.shape_cast %convert_element_type3A_674 : vector<128x3xi32> to vector<1x128x3xi32>
    tpu.vector_store %arg6[%swap3A_675, %swap3A_676, %swap3A_677], %swap3A_680 {strides = array<i32>} : memref<32x128x3xi32, #tpu.memory_space<vmem>>, vector<1x128x3xi32>,
    %mul3A_681 = vector.broadcast %mul3A_516 : vector<1x8xf32> to vector<128x8xf32>
    %mul3A_682 = arith.mulf %slice3A_180, %mul3A_681 : vector<128x8xf32>
    %reduce_sum3A_683 = arith.constant dense<0.000000e+00> : vector<128xf32>
    %reduce_sum3A_684 = vector.multi_reduction <add>, %mul3A_682, %reduce_sum3A_683 [1] : vector<128x8xf32> to vector<128xf32>
    %broadcast_in_dim3A_685 = vector.shape_cast %reduce_sum3A_684 : vector<128xf32> to vector<128x1xf32>
    %add3A_686 = arith.addf %broadcast_in_dim3A_685, %broadcast_in_dim3A_189 : vector<128x1xf32>
    %mul3A_687 = arith.constant 3.000000e+00 : f32
    %mul3A_688 = vector.broadcast %mul3A_687 : f32 to vector<128x1xf32>
    %mul3A_689 = arith.mulf %add3A_686, %mul3A_688 : vector<128x1xf32>
    %add3A_690 = vector.broadcast %mul3A_689 : vector<128x1xf32> to vector<128x3xf32>
    %add3A_691 = arith.addf %add3A_690, %convert_element_type3A_518 : vector<128x3xf32>
    %convert_element_type3A_692 = arith.fptosi %add3A_691 : vector<128x3xf32> to vector<128x3xi32>
    %swap3A_693 = arith.constant 9 : index
    %swap3A_694 = arith.constant 0 : index
    %swap3A_695 = arith.constant 0 : index
    %swap3A_696 = vector.load %arg6[%swap3A_693, %swap3A_694, %swap3A_695] : memref<32x128x3xi32, #tpu.memory_space<vmem>>, vector<1x128x3xi32>
    %swap3A_697 = vector.shape_cast %swap3A_696 : vector<1x128x3xi32> to vector<128x3xi32>
    %swap3A_698 = vector.shape_cast %convert_element_type3A_692 : vector<128x3xi32> to vector<1x128x3xi32>
    tpu.vector_store %arg6[%swap3A_693, %swap3A_694, %swap3A_695], %swap3A_698 {strides = array<i32>} : memref<32x128x3xi32, #tpu.memory_space<vmem>>, vector<1x128x3xi32>,
    %mul3A_699 = vector.broadcast %mul3A_516 : vector<1x8xf32> to vector<128x8xf32>
    %mul3A_700 = arith.mulf %slice3A_194, %mul3A_699 : vector<128x8xf32>
    %reduce_sum3A_701 = arith.constant dense<0.000000e+00> : vector<128xf32>
    %reduce_sum3A_702 = vector.multi_reduction <add>, %mul3A_700, %reduce_sum3A_701 [1] : vector<128x8xf32> to vector<128xf32>
    %broadcast_in_dim3A_703 = vector.shape_cast %reduce_sum3A_702 : vector<128xf32> to vector<128x1xf32>
    %add3A_704 = arith.addf %broadcast_in_dim3A_703, %broadcast_in_dim3A_203 : vector<128x1xf32>
    %mul3A_705 = arith.constant 3.000000e+00 : f32
    %mul3A_706 = vector.broadcast %mul3A_705 : f32 to vector<128x1xf32>
    %mul3A_707 = arith.mulf %add3A_704, %mul3A_706 : vector<128x1xf32>
    %add3A_708 = vector.broadcast %mul3A_707 : vector<128x1xf32> to vector<128x3xf32>
    %add3A_709 = arith.addf %add3A_708, %convert_element_type3A_518 : vector<128x3xf32>
    %convert_element_type3A_710 = arith.fptosi %add3A_709 : vector<128x3xf32> to vector<128x3xi32>
    %swap3A_711 = arith.constant 10 : index
    %swap3A_712 = arith.constant 0 : index
    %swap3A_713 = arith.constant 0 : index
    %swap3A_714 = vector.load %arg6[%swap3A_711, %swap3A_712, %swap3A_713] : memref<32x128x3xi32, #tpu.memory_space<vmem>>, vector<1x128x3xi32>
    %swap3A_715 = vector.shape_cast %swap3A_714 : vector<1x128x3xi32> to vector<128x3xi32>
    %swap3A_716 = vector.shape_cast %convert_element_type3A_710 : vector<128x3xi32> to vector<1x128x3xi32>
    tpu.vector_store %arg6[%swap3A_711, %swap3A_712, %swap3A_713], %swap3A_716 {strides = array<i32>} : memref<32x128x3xi32, #tpu.memory_space<vmem>>, vector<1x128x3xi32>,
    %mul3A_717 = vector.broadcast %mul3A_516 : vector<1x8xf32> to vector<128x8xf32>
    %mul3A_718 = arith.mulf %slice3A_208, %mul3A_717 : vector<128x8xf32>
    %reduce_sum3A_719 = arith.constant dense<0.000000e+00> : vector<128xf32>
    %reduce_sum3A_720 = vector.multi_reduction <add>, %mul3A_718, %reduce_sum3A_719 [1] : vector<128x8xf32> to vector<128xf32>
    %broadcast_in_dim3A_721 = vector.shape_cast %reduce_sum3A_720 : vector<128xf32> to vector<128x1xf32>
    %add3A_722 = arith.addf %broadcast_in_dim3A_721, %broadcast_in_dim3A_217 : vector<128x1xf32>
    %mul3A_723 = arith.constant 3.000000e+00 : f32
    %mul3A_724 = vector.broadcast %mul3A_723 : f32 to vector<128x1xf32>
    %mul3A_725 = arith.mulf %add3A_722, %mul3A_724 : vector<128x1xf32>
    %add3A_726 = vector.broadcast %mul3A_725 : vector<128x1xf32> to vector<128x3xf32>
    %add3A_727 = arith.addf %add3A_726, %convert_element_type3A_518 : vector<128x3xf32>
    %convert_element_type3A_728 = arith.fptosi %add3A_727 : vector<128x3xf32> to vector<128x3xi32>
    %swap3A_729 = arith.constant 11 : index
    %swap3A_730 = arith.constant 0 : index
    %swap3A_731 = arith.constant 0 : index
    %swap3A_732 = vector.load %arg6[%swap3A_729, %swap3A_730, %swap3A_731] : memref<32x128x3xi32, #tpu.memory_space<vmem>>, vector<1x128x3xi32>
    %swap3A_733 = vector.shape_cast %swap3A_732 : vector<1x128x3xi32> to vector<128x3xi32>
    %swap3A_734 = vector.shape_cast %convert_element_type3A_728 : vector<128x3xi32> to vector<1x128x3xi32>
    tpu.vector_store %arg6[%swap3A_729, %swap3A_730, %swap3A_731], %swap3A_734 {strides = array<i32>} : memref<32x128x3xi32, #tpu.memory_space<vmem>>, vector<1x128x3xi32>,
    %mul3A_735 = vector.broadcast %mul3A_516 : vector<1x8xf32> to vector<128x8xf32>
    %mul3A_736 = arith.mulf %slice3A_222, %mul3A_735 : vector<128x8xf32>
    %reduce_sum3A_737 = arith.constant dense<0.000000e+00> : vector<128xf32>
    %reduce_sum3A_738 = vector.multi_reduction <add>, %mul3A_736, %reduce_sum3A_737 [1] : vector<128x8xf32> to vector<128xf32>
    %broadcast_in_dim3A_739 = vector.shape_cast %reduce_sum3A_738 : vector<128xf32> to vector<128x1xf32>
    %add3A_740 = arith.addf %broadcast_in_dim3A_739, %broadcast_in_dim3A_231 : vector<128x1xf32>
    %mul3A_741 = arith.constant 3.000000e+00 : f32
    %mul3A_742 = vector.broadcast %mul3A_741 : f32 to vector<128x1xf32>
    %mul3A_743 = arith.mulf %add3A_740, %mul3A_742 : vector<128x1xf32>
    %add3A_744 = vector.broadcast %mul3A_743 : vector<128x1xf32> to vector<128x3xf32>
    %add3A_745 = arith.addf %add3A_744, %convert_element_type3A_518 : vector<128x3xf32>
    %convert_element_type3A_746 = arith.fptosi %add3A_745 : vector<128x3xf32> to vector<128x3xi32>
    %swap3A_747 = arith.constant 12 : index
    %swap3A_748 = arith.constant 0 : index
    %swap3A_749 = arith.constant 0 : index
    %swap3A_750 = vector.load %arg6[%swap3A_747, %swap3A_748, %swap3A_749] : memref<32x128x3xi32, #tpu.memory_space<vmem>>, vector<1x128x3xi32>
    %swap3A_751 = vector.shape_cast %swap3A_750 : vector<1x128x3xi32> to vector<128x3xi32>
    %swap3A_752 = vector.shape_cast %convert_element_type3A_746 : vector<128x3xi32> to vector<1x128x3xi32>
    tpu.vector_store %arg6[%swap3A_747, %swap3A_748, %swap3A_749], %swap3A_752 {strides = array<i32>} : memref<32x128x3xi32, #tpu.memory_space<vmem>>, vector<1x128x3xi32>,
    %mul3A_753 = vector.broadcast %mul3A_516 : vector<1x8xf32> to vector<128x8xf32>
    %mul3A_754 = arith.mulf %slice3A_236, %mul3A_753 : vector<128x8xf32>
    %reduce_sum3A_755 = arith.constant dense<0.000000e+00> : vector<128xf32>
    %reduce_sum3A_756 = vector.multi_reduction <add>, %mul3A_754, %reduce_sum3A_755 [1] : vector<128x8xf32> to vector<128xf32>
    %broadcast_in_dim3A_757 = vector.shape_cast %reduce_sum3A_756 : vector<128xf32> to vector<128x1xf32>
    %add3A_758 = arith.addf %broadcast_in_dim3A_757, %broadcast_in_dim3A_245 : vector<128x1xf32>
    %mul3A_759 = arith.constant 3.000000e+00 : f32
    %mul3A_760 = vector.broadcast %mul3A_759 : f32 to vector<128x1xf32>
    %mul3A_761 = arith.mulf %add3A_758, %mul3A_760 : vector<128x1xf32>
    %add3A_762 = vector.broadcast %mul3A_761 : vector<128x1xf32> to vector<128x3xf32>
    %add3A_763 = arith.addf %add3A_762, %convert_element_type3A_518 : vector<128x3xf32>
    %convert_element_type3A_764 = arith.fptosi %add3A_763 : vector<128x3xf32> to vector<128x3xi32>
    %swap3A_765 = arith.constant 13 : index
    %swap3A_766 = arith.constant 0 : index
    %swap3A_767 = arith.constant 0 : index
    %swap3A_768 = vector.load %arg6[%swap3A_765, %swap3A_766, %swap3A_767] : memref<32x128x3xi32, #tpu.memory_space<vmem>>, vector<1x128x3xi32>
    %swap3A_769 = vector.shape_cast %swap3A_768 : vector<1x128x3xi32> to vector<128x3xi32>
    %swap3A_770 = vector.shape_cast %convert_element_type3A_764 : vector<128x3xi32> to vector<1x128x3xi32>
    tpu.vector_store %arg6[%swap3A_765, %swap3A_766, %swap3A_767], %swap3A_770 {strides = array<i32>} : memref<32x128x3xi32, #tpu.memory_space<vmem>>, vector<1x128x3xi32>,
    %mul3A_771 = vector.broadcast %mul3A_516 : vector<1x8xf32> to vector<128x8xf32>
    %mul3A_772 = arith.mulf %slice3A_250, %mul3A_771 : vector<128x8xf32>
    %reduce_sum3A_773 = arith.constant dense<0.000000e+00> : vector<128xf32>
    %reduce_sum3A_774 = vector.multi_reduction <add>, %mul3A_772, %reduce_sum3A_773 [1] : vector<128x8xf32> to vector<128xf32>
    %broadcast_in_dim3A_775 = vector.shape_cast %reduce_sum3A_774 : vector<128xf32> to vector<128x1xf32>
    %add3A_776 = arith.addf %broadcast_in_dim3A_775, %broadcast_in_dim3A_259 : vector<128x1xf32>
    %mul3A_777 = arith.constant 3.000000e+00 : f32
    %mul3A_778 = vector.broadcast %mul3A_777 : f32 to vector<128x1xf32>
    %mul3A_779 = arith.mulf %add3A_776, %mul3A_778 : vector<128x1xf32>
    %add3A_780 = vector.broadcast %mul3A_779 : vector<128x1xf32> to vector<128x3xf32>
    %add3A_781 = arith.addf %add3A_780, %convert_element_type3A_518 : vector<128x3xf32>
    %convert_element_type3A_782 = arith.fptosi %add3A_781 : vector<128x3xf32> to vector<128x3xi32>
    %swap3A_783 = arith.constant 14 : index
    %swap3A_784 = arith.constant 0 : index
    %swap3A_785 = arith.constant 0 : index
    %swap3A_786 = vector.load %arg6[%swap3A_783, %swap3A_784, %swap3A_785] : memref<32x128x3xi32, #tpu.memory_space<vmem>>, vector<1x128x3xi32>
    %swap3A_787 = vector.shape_cast %swap3A_786 : vector<1x128x3xi32> to vector<128x3xi32>
    %swap3A_788 = vector.shape_cast %convert_element_type3A_782 : vector<128x3xi32> to vector<1x128x3xi32>
    tpu.vector_store %arg6[%swap3A_783, %swap3A_784, %swap3A_785], %swap3A_788 {strides = array<i32>} : memref<32x128x3xi32, #tpu.memory_space<vmem>>, vector<1x128x3xi32>,
    %mul3A_789 = vector.broadcast %mul3A_516 : vector<1x8xf32> to vector<128x8xf32>
    %mul3A_790 = arith.mulf %slice3A_264, %mul3A_789 : vector<128x8xf32>
    %reduce_sum3A_791 = arith.constant dense<0.000000e+00> : vector<128xf32>
    %reduce_sum3A_792 = vector.multi_reduction <add>, %mul3A_790, %reduce_sum3A_791 [1] : vector<128x8xf32> to vector<128xf32>
    %broadcast_in_dim3A_793 = vector.shape_cast %reduce_sum3A_792 : vector<128xf32> to vector<128x1xf32>
    %add3A_794 = arith.addf %broadcast_in_dim3A_793, %broadcast_in_dim3A_273 : vector<128x1xf32>
    %mul3A_795 = arith.constant 3.000000e+00 : f32
    %mul3A_796 = vector.broadcast %mul3A_795 : f32 to vector<128x1xf32>
    %mul3A_797 = arith.mulf %add3A_794, %mul3A_796 : vector<128x1xf32>
    %add3A_798 = vector.broadcast %mul3A_797 : vector<128x1xf32> to vector<128x3xf32>
    %add3A_799 = arith.addf %add3A_798, %convert_element_type3A_518 : vector<128x3xf32>
    %convert_element_type3A_800 = arith.fptosi %add3A_799 : vector<128x3xf32> to vector<128x3xi32>
    %swap3A_801 = arith.constant 15 : index
    %swap3A_802 = arith.constant 0 : index
    %swap3A_803 = arith.constant 0 : index
    %swap3A_804 = vector.load %arg6[%swap3A_801, %swap3A_802, %swap3A_803] : memref<32x128x3xi32, #tpu.memory_space<vmem>>, vector<1x128x3xi32>
    %swap3A_805 = vector.shape_cast %swap3A_804 : vector<1x128x3xi32> to vector<128x3xi32>
    %swap3A_806 = vector.shape_cast %convert_element_type3A_800 : vector<128x3xi32> to vector<1x128x3xi32>
    tpu.vector_store %arg6[%swap3A_801, %swap3A_802, %swap3A_803], %swap3A_806 {strides = array<i32>} : memref<32x128x3xi32, #tpu.memory_space<vmem>>, vector<1x128x3xi32>,
    %mul3A_807 = vector.broadcast %mul3A_516 : vector<1x8xf32> to vector<128x8xf32>
    %mul3A_808 = arith.mulf %slice3A_278, %mul3A_807 : vector<128x8xf32>
    %reduce_sum3A_809 = arith.constant dense<0.000000e+00> : vector<128xf32>
    %reduce_sum3A_810 = vector.multi_reduction <add>, %mul3A_808, %reduce_sum3A_809 [1] : vector<128x8xf32> to vector<128xf32>
    %broadcast_in_dim3A_811 = vector.shape_cast %reduce_sum3A_810 : vector<128xf32> to vector<128x1xf32>
    %add3A_812 = arith.addf %broadcast_in_dim3A_811, %broadcast_in_dim3A_287 : vector<128x1xf32>
    %mul3A_813 = arith.constant 3.000000e+00 : f32
    %mul3A_814 = vector.broadcast %mul3A_813 : f32 to vector<128x1xf32>
    %mul3A_815 = arith.mulf %add3A_812, %mul3A_814 : vector<128x1xf32>
    %add3A_816 = vector.broadcast %mul3A_815 : vector<128x1xf32> to vector<128x3xf32>
    %add3A_817 = arith.addf %add3A_816, %convert_element_type3A_518 : vector<128x3xf32>
    %convert_element_type3A_818 = arith.fptosi %add3A_817 : vector<128x3xf32> to vector<128x3xi32>
    %swap3A_819 = arith.constant 16 : index
    %swap3A_820 = arith.constant 0 : index
    %swap3A_821 = arith.constant 0 : index
    %swap3A_822 = vector.load %arg6[%swap3A_819, %swap3A_820, %swap3A_821] : memref<32x128x3xi32, #tpu.memory_space<vmem>>, vector<1x128x3xi32>
    %swap3A_823 = vector.shape_cast %swap3A_822 : vector<1x128x3xi32> to vector<128x3xi32>
    %swap3A_824 = vector.shape_cast %convert_element_type3A_818 : vector<128x3xi32> to vector<1x128x3xi32>
    tpu.vector_store %arg6[%swap3A_819, %swap3A_820, %swap3A_821], %swap3A_824 {strides = array<i32>} : memref<32x128x3xi32, #tpu.memory_space<vmem>>, vector<1x128x3xi32>,
    %mul3A_825 = vector.broadcast %mul3A_516 : vector<1x8xf32> to vector<128x8xf32>
    %mul3A_826 = arith.mulf %slice3A_292, %mul3A_825 : vector<128x8xf32>
    %reduce_sum3A_827 = arith.constant dense<0.000000e+00> : vector<128xf32>
    %reduce_sum3A_828 = vector.multi_reduction <add>, %mul3A_826, %reduce_sum3A_827 [1] : vector<128x8xf32> to vector<128xf32>
    %broadcast_in_dim3A_829 = vector.shape_cast %reduce_sum3A_828 : vector<128xf32> to vector<128x1xf32>
    %add3A_830 = arith.addf %broadcast_in_dim3A_829, %broadcast_in_dim3A_301 : vector<128x1xf32>
    %mul3A_831 = arith.constant 3.000000e+00 : f32
    %mul3A_832 = vector.broadcast %mul3A_831 : f32 to vector<128x1xf32>
    %mul3A_833 = arith.mulf %add3A_830, %mul3A_832 : vector<128x1xf32>
    %add3A_834 = vector.broadcast %mul3A_833 : vector<128x1xf32> to vector<128x3xf32>
    %add3A_835 = arith.addf %add3A_834, %convert_element_type3A_518 : vector<128x3xf32>
    %convert_element_type3A_836 = arith.fptosi %add3A_835 : vector<128x3xf32> to vector<128x3xi32>
    %swap3A_837 = arith.constant 17 : index
    %swap3A_838 = arith.constant 0 : index
    %swap3A_839 = arith.constant 0 : index
    %swap3A_840 = vector.load %arg6[%swap3A_837, %swap3A_838, %swap3A_839] : memref<32x128x3xi32, #tpu.memory_space<vmem>>, vector<1x128x3xi32>
    %swap3A_841 = vector.shape_cast %swap3A_840 : vector<1x128x3xi32> to vector<128x3xi32>
    %swap3A_842 = vector.shape_cast %convert_element_type3A_836 : vector<128x3xi32> to vector<1x128x3xi32>
    tpu.vector_store %arg6[%swap3A_837, %swap3A_838, %swap3A_839], %swap3A_842 {strides = array<i32>} : memref<32x128x3xi32, #tpu.memory_space<vmem>>, vector<1x128x3xi32>,
    %mul3A_843 = vector.broadcast %mul3A_516 : vector<1x8xf32> to vector<128x8xf32>
    %mul3A_844 = arith.mulf %slice3A_306, %mul3A_843 : vector<128x8xf32>
    %reduce_sum3A_845 = arith.constant dense<0.000000e+00> : vector<128xf32>
    %reduce_sum3A_846 = vector.multi_reduction <add>, %mul3A_844, %reduce_sum3A_845 [1] : vector<128x8xf32> to vector<128xf32>
    %broadcast_in_dim3A_847 = vector.shape_cast %reduce_sum3A_846 : vector<128xf32> to vector<128x1xf32>
    %add3A_848 = arith.addf %broadcast_in_dim3A_847, %broadcast_in_dim3A_315 : vector<128x1xf32>
    %mul3A_849 = arith.constant 3.000000e+00 : f32
    %mul3A_850 = vector.broadcast %mul3A_849 : f32 to vector<128x1xf32>
    %mul3A_851 = arith.mulf %add3A_848, %mul3A_850 : vector<128x1xf32>
    %add3A_852 = vector.broadcast %mul3A_851 : vector<128x1xf32> to vector<128x3xf32>
    %add3A_853 = arith.addf %add3A_852, %convert_element_type3A_518 : vector<128x3xf32>
    %convert_element_type3A_854 = arith.fptosi %add3A_853 : vector<128x3xf32> to vector<128x3xi32>
    %swap3A_855 = arith.constant 18 : index
    %swap3A_856 = arith.constant 0 : index
    %swap3A_857 = arith.constant 0 : index
    %swap3A_858 = vector.load %arg6[%swap3A_855, %swap3A_856, %swap3A_857] : memref<32x128x3xi32, #tpu.memory_space<vmem>>, vector<1x128x3xi32>
    %swap3A_859 = vector.shape_cast %swap3A_858 : vector<1x128x3xi32> to vector<128x3xi32>
    %swap3A_860 = vector.shape_cast %convert_element_type3A_854 : vector<128x3xi32> to vector<1x128x3xi32>
    tpu.vector_store %arg6[%swap3A_855, %swap3A_856, %swap3A_857], %swap3A_860 {strides = array<i32>} : memref<32x128x3xi32, #tpu.memory_space<vmem>>, vector<1x128x3xi32>,
    %mul3A_861 = vector.broadcast %mul3A_516 : vector<1x8xf32> to vector<128x8xf32>
    %mul3A_862 = arith.mulf %slice3A_320, %mul3A_861 : vector<128x8xf32>
    %reduce_sum3A_863 = arith.constant dense<0.000000e+00> : vector<128xf32>
    %reduce_sum3A_864 = vector.multi_reduction <add>, %mul3A_862, %reduce_sum3A_863 [1] : vector<128x8xf32> to vector<128xf32>
    %broadcast_in_dim3A_865 = vector.shape_cast %reduce_sum3A_864 : vector<128xf32> to vector<128x1xf32>
    %add3A_866 = arith.addf %broadcast_in_dim3A_865, %broadcast_in_dim3A_329 : vector<128x1xf32>
    %mul3A_867 = arith.constant 3.000000e+00 : f32
    %mul3A_868 = vector.broadcast %mul3A_867 : f32 to vector<128x1xf32>
    %mul3A_869 = arith.mulf %add3A_866, %mul3A_868 : vector<128x1xf32>
    %add3A_870 = vector.broadcast %mul3A_869 : vector<128x1xf32> to vector<128x3xf32>
    %add3A_871 = arith.addf %add3A_870, %convert_element_type3A_518 : vector<128x3xf32>
    %convert_element_type3A_872 = arith.fptosi %add3A_871 : vector<128x3xf32> to vector<128x3xi32>
    %swap3A_873 = arith.constant 19 : index
    %swap3A_874 = arith.constant 0 : index
    %swap3A_875 = arith.constant 0 : index
    %swap3A_876 = vector.load %arg6[%swap3A_873, %swap3A_874, %swap3A_875] : memref<32x128x3xi32, #tpu.memory_space<vmem>>, vector<1x128x3xi32>
    %swap3A_877 = vector.shape_cast %swap3A_876 : vector<1x128x3xi32> to vector<128x3xi32>
    %swap3A_878 = vector.shape_cast %convert_element_type3A_872 : vector<128x3xi32> to vector<1x128x3xi32>
    tpu.vector_store %arg6[%swap3A_873, %swap3A_874, %swap3A_875], %swap3A_878 {strides = array<i32>} : memref<32x128x3xi32, #tpu.memory_space<vmem>>, vector<1x128x3xi32>,
    %mul3A_879 = vector.broadcast %mul3A_516 : vector<1x8xf32> to vector<128x8xf32>
    %mul3A_880 = arith.mulf %slice3A_334, %mul3A_879 : vector<128x8xf32>
    %reduce_sum3A_881 = arith.constant dense<0.000000e+00> : vector<128xf32>
    %reduce_sum3A_882 = vector.multi_reduction <add>, %mul3A_880, %reduce_sum3A_881 [1] : vector<128x8xf32> to vector<128xf32>
    %broadcast_in_dim3A_883 = vector.shape_cast %reduce_sum3A_882 : vector<128xf32> to vector<128x1xf32>
    %add3A_884 = arith.addf %broadcast_in_dim3A_883, %broadcast_in_dim3A_343 : vector<128x1xf32>
    %mul3A_885 = arith.constant 3.000000e+00 : f32
    %mul3A_886 = vector.broadcast %mul3A_885 : f32 to vector<128x1xf32>
    %mul3A_887 = arith.mulf %add3A_884, %mul3A_886 : vector<128x1xf32>
    %add3A_888 = vector.broadcast %mul3A_887 : vector<128x1xf32> to vector<128x3xf32>
    %add3A_889 = arith.addf %add3A_888, %convert_element_type3A_518 : vector<128x3xf32>
    %convert_element_type3A_890 = arith.fptosi %add3A_889 : vector<128x3xf32> to vector<128x3xi32>
    %swap3A_891 = arith.constant 20 : index
    %swap3A_892 = arith.constant 0 : index
    %swap3A_893 = arith.constant 0 : index
    %swap3A_894 = vector.load %arg6[%swap3A_891, %swap3A_892, %swap3A_893] : memref<32x128x3xi32, #tpu.memory_space<vmem>>, vector<1x128x3xi32>
    %swap3A_895 = vector.shape_cast %swap3A_894 : vector<1x128x3xi32> to vector<128x3xi32>
    %swap3A_896 = vector.shape_cast %convert_element_type3A_890 : vector<128x3xi32> to vector<1x128x3xi32>
    tpu.vector_store %arg6[%swap3A_891, %swap3A_892, %swap3A_893], %swap3A_896 {strides = array<i32>} : memref<32x128x3xi32, #tpu.memory_space<vmem>>, vector<1x128x3xi32>,
    %mul3A_897 = vector.broadcast %mul3A_516 : vector<1x8xf32> to vector<128x8xf32>
    %mul3A_898 = arith.mulf %slice3A_348, %mul3A_897 : vector<128x8xf32>
    %reduce_sum3A_899 = arith.constant dense<0.000000e+00> : vector<128xf32>
    %reduce_sum3A_900 = vector.multi_reduction <add>, %mul3A_898, %reduce_sum3A_899 [1] : vector<128x8xf32> to vector<128xf32>
    %broadcast_in_dim3A_901 = vector.shape_cast %reduce_sum3A_900 : vector<128xf32> to vector<128x1xf32>
    %add3A_902 = arith.addf %broadcast_in_dim3A_901, %broadcast_in_dim3A_357 : vector<128x1xf32>
    %mul3A_903 = arith.constant 3.000000e+00 : f32
    %mul3A_904 = vector.broadcast %mul3A_903 : f32 to vector<128x1xf32>
    %mul3A_905 = arith.mulf %add3A_902, %mul3A_904 : vector<128x1xf32>
    %add3A_906 = vector.broadcast %mul3A_905 : vector<128x1xf32> to vector<128x3xf32>
    %add3A_907 = arith.addf %add3A_906, %convert_element_type3A_518 : vector<128x3xf32>
    %convert_element_type3A_908 = arith.fptosi %add3A_907 : vector<128x3xf32> to vector<128x3xi32>
    %swap3A_909 = arith.constant 21 : index
    %swap3A_910 = arith.constant 0 : index
    %swap3A_911 = arith.constant 0 : index
    %swap3A_912 = vector.load %arg6[%swap3A_909, %swap3A_910, %swap3A_911] : memref<32x128x3xi32, #tpu.memory_space<vmem>>, vector<1x128x3xi32>
    %swap3A_913 = vector.shape_cast %swap3A_912 : vector<1x128x3xi32> to vector<128x3xi32>
    %swap3A_914 = vector.shape_cast %convert_element_type3A_908 : vector<128x3xi32> to vector<1x128x3xi32>
    tpu.vector_store %arg6[%swap3A_909, %swap3A_910, %swap3A_911], %swap3A_914 {strides = array<i32>} : memref<32x128x3xi32, #tpu.memory_space<vmem>>, vector<1x128x3xi32>,
    %mul3A_915 = vector.broadcast %mul3A_516 : vector<1x8xf32> to vector<128x8xf32>
    %mul3A_916 = arith.mulf %slice3A_362, %mul3A_915 : vector<128x8xf32>
    %reduce_sum3A_917 = arith.constant dense<0.000000e+00> : vector<128xf32>
    %reduce_sum3A_918 = vector.multi_reduction <add>, %mul3A_916, %reduce_sum3A_917 [1] : vector<128x8xf32> to vector<128xf32>
    %broadcast_in_dim3A_919 = vector.shape_cast %reduce_sum3A_918 : vector<128xf32> to vector<128x1xf32>
    %add3A_920 = arith.addf %broadcast_in_dim3A_919, %broadcast_in_dim3A_371 : vector<128x1xf32>
    %mul3A_921 = arith.constant 3.000000e+00 : f32
    %mul3A_922 = vector.broadcast %mul3A_921 : f32 to vector<128x1xf32>
    %mul3A_923 = arith.mulf %add3A_920, %mul3A_922 : vector<128x1xf32>
    %add3A_924 = vector.broadcast %mul3A_923 : vector<128x1xf32> to vector<128x3xf32>
    %add3A_925 = arith.addf %add3A_924, %convert_element_type3A_518 : vector<128x3xf32>
    %convert_element_type3A_926 = arith.fptosi %add3A_925 : vector<128x3xf32> to vector<128x3xi32>
    %swap3A_927 = arith.constant 22 : index
    %swap3A_928 = arith.constant 0 : index
    %swap3A_929 = arith.constant 0 : index
    %swap3A_930 = vector.load %arg6[%swap3A_927, %swap3A_928, %swap3A_929] : memref<32x128x3xi32, #tpu.memory_space<vmem>>, vector<1x128x3xi32>
    %swap3A_931 = vector.shape_cast %swap3A_930 : vector<1x128x3xi32> to vector<128x3xi32>
    %swap3A_932 = vector.shape_cast %convert_element_type3A_926 : vector<128x3xi32> to vector<1x128x3xi32>
    tpu.vector_store %arg6[%swap3A_927, %swap3A_928, %swap3A_929], %swap3A_932 {strides = array<i32>} : memref<32x128x3xi32, #tpu.memory_space<vmem>>, vector<1x128x3xi32>,
    %mul3A_933 = vector.broadcast %mul3A_516 : vector<1x8xf32> to vector<128x8xf32>
    %mul3A_934 = arith.mulf %slice3A_376, %mul3A_933 : vector<128x8xf32>
    %reduce_sum3A_935 = arith.constant dense<0.000000e+00> : vector<128xf32>
    %reduce_sum3A_936 = vector.multi_reduction <add>, %mul3A_934, %reduce_sum3A_935 [1] : vector<128x8xf32> to vector<128xf32>
    %broadcast_in_dim3A_937 = vector.shape_cast %reduce_sum3A_936 : vector<128xf32> to vector<128x1xf32>
    %add3A_938 = arith.addf %broadcast_in_dim3A_937, %broadcast_in_dim3A_385 : vector<128x1xf32>
    %mul3A_939 = arith.constant 3.000000e+00 : f32
    %mul3A_940 = vector.broadcast %mul3A_939 : f32 to vector<128x1xf32>
    %mul3A_941 = arith.mulf %add3A_938, %mul3A_940 : vector<128x1xf32>
    %add3A_942 = vector.broadcast %mul3A_941 : vector<128x1xf32> to vector<128x3xf32>
    %add3A_943 = arith.addf %add3A_942, %convert_element_type3A_518 : vector<128x3xf32>
    %convert_element_type3A_944 = arith.fptosi %add3A_943 : vector<128x3xf32> to vector<128x3xi32>
    %swap3A_945 = arith.constant 23 : index
    %swap3A_946 = arith.constant 0 : index
    %swap3A_947 = arith.constant 0 : index
    %swap3A_948 = vector.load %arg6[%swap3A_945, %swap3A_946, %swap3A_947] : memref<32x128x3xi32, #tpu.memory_space<vmem>>, vector<1x128x3xi32>
    %swap3A_949 = vector.shape_cast %swap3A_948 : vector<1x128x3xi32> to vector<128x3xi32>
    %swap3A_950 = vector.shape_cast %convert_element_type3A_944 : vector<128x3xi32> to vector<1x128x3xi32>
    tpu.vector_store %arg6[%swap3A_945, %swap3A_946, %swap3A_947], %swap3A_950 {strides = array<i32>} : memref<32x128x3xi32, #tpu.memory_space<vmem>>, vector<1x128x3xi32>,
    %mul3A_951 = vector.broadcast %mul3A_516 : vector<1x8xf32> to vector<128x8xf32>
    %mul3A_952 = arith.mulf %slice3A_390, %mul3A_951 : vector<128x8xf32>
    %reduce_sum3A_953 = arith.constant dense<0.000000e+00> : vector<128xf32>
    %reduce_sum3A_954 = vector.multi_reduction <add>, %mul3A_952, %reduce_sum3A_953 [1] : vector<128x8xf32> to vector<128xf32>
    %broadcast_in_dim3A_955 = vector.shape_cast %reduce_sum3A_954 : vector<128xf32> to vector<128x1xf32>
    %add3A_956 = arith.addf %broadcast_in_dim3A_955, %broadcast_in_dim3A_399 : vector<128x1xf32>
    %mul3A_957 = arith.constant 3.000000e+00 : f32
    %mul3A_958 = vector.broadcast %mul3A_957 : f32 to vector<128x1xf32>
    %mul3A_959 = arith.mulf %add3A_956, %mul3A_958 : vector<128x1xf32>
    %add3A_960 = vector.broadcast %mul3A_959 : vector<128x1xf32> to vector<128x3xf32>
    %add3A_961 = arith.addf %add3A_960, %convert_element_type3A_518 : vector<128x3xf32>
    %convert_element_type3A_962 = arith.fptosi %add3A_961 : vector<128x3xf32> to vector<128x3xi32>
    %swap3A_963 = arith.constant 24 : index
    %swap3A_964 = arith.constant 0 : index
    %swap3A_965 = arith.constant 0 : index
    %swap3A_966 = vector.load %arg6[%swap3A_963, %swap3A_964, %swap3A_965] : memref<32x128x3xi32, #tpu.memory_space<vmem>>, vector<1x128x3xi32>
    %swap3A_967 = vector.shape_cast %swap3A_966 : vector<1x128x3xi32> to vector<128x3xi32>
    %swap3A_968 = vector.shape_cast %convert_element_type3A_962 : vector<128x3xi32> to vector<1x128x3xi32>
    tpu.vector_store %arg6[%swap3A_963, %swap3A_964, %swap3A_965], %swap3A_968 {strides = array<i32>} : memref<32x128x3xi32, #tpu.memory_space<vmem>>, vector<1x128x3xi32>,
    %mul3A_969 = vector.broadcast %mul3A_516 : vector<1x8xf32> to vector<128x8xf32>
    %mul3A_970 = arith.mulf %slice3A_404, %mul3A_969 : vector<128x8xf32>
    %reduce_sum3A_971 = arith.constant dense<0.000000e+00> : vector<128xf32>
    %reduce_sum3A_972 = vector.multi_reduction <add>, %mul3A_970, %reduce_sum3A_971 [1] : vector<128x8xf32> to vector<128xf32>
    %broadcast_in_dim3A_973 = vector.shape_cast %reduce_sum3A_972 : vector<128xf32> to vector<128x1xf32>
    %add3A_974 = arith.addf %broadcast_in_dim3A_973, %broadcast_in_dim3A_413 : vector<128x1xf32>
    %mul3A_975 = arith.constant 3.000000e+00 : f32
    %mul3A_976 = vector.broadcast %mul3A_975 : f32 to vector<128x1xf32>
    %mul3A_977 = arith.mulf %add3A_974, %mul3A_976 : vector<128x1xf32>
    %add3A_978 = vector.broadcast %mul3A_977 : vector<128x1xf32> to vector<128x3xf32>
    %add3A_979 = arith.addf %add3A_978, %convert_element_type3A_518 : vector<128x3xf32>
    %convert_element_type3A_980 = arith.fptosi %add3A_979 : vector<128x3xf32> to vector<128x3xi32>
    %swap3A_981 = arith.constant 25 : index
    %swap3A_982 = arith.constant 0 : index
    %swap3A_983 = arith.constant 0 : index
    %swap3A_984 = vector.load %arg6[%swap3A_981, %swap3A_982, %swap3A_983] : memref<32x128x3xi32, #tpu.memory_space<vmem>>, vector<1x128x3xi32>
    %swap3A_985 = vector.shape_cast %swap3A_984 : vector<1x128x3xi32> to vector<128x3xi32>
    %swap3A_986 = vector.shape_cast %convert_element_type3A_980 : vector<128x3xi32> to vector<1x128x3xi32>
    tpu.vector_store %arg6[%swap3A_981, %swap3A_982, %swap3A_983], %swap3A_986 {strides = array<i32>} : memref<32x128x3xi32, #tpu.memory_space<vmem>>, vector<1x128x3xi32>,
    %mul3A_987 = vector.broadcast %mul3A_516 : vector<1x8xf32> to vector<128x8xf32>
    %mul3A_988 = arith.mulf %slice3A_418, %mul3A_987 : vector<128x8xf32>
    %reduce_sum3A_989 = arith.constant dense<0.000000e+00> : vector<128xf32>
    %reduce_sum3A_990 = vector.multi_reduction <add>, %mul3A_988, %reduce_sum3A_989 [1] : vector<128x8xf32> to vector<128xf32>
    %broadcast_in_dim3A_991 = vector.shape_cast %reduce_sum3A_990 : vector<128xf32> to vector<128x1xf32>
    %add3A_992 = arith.addf %broadcast_in_dim3A_991, %broadcast_in_dim3A_427 : vector<128x1xf32>
    %mul3A_993 = arith.constant 3.000000e+00 : f32
    %mul3A_994 = vector.broadcast %mul3A_993 : f32 to vector<128x1xf32>
    %mul3A_995 = arith.mulf %add3A_992, %mul3A_994 : vector<128x1xf32>
    %add3A_996 = vector.broadcast %mul3A_995 : vector<128x1xf32> to vector<128x3xf32>
    %add3A_997 = arith.addf %add3A_996, %convert_element_type3A_518 : vector<128x3xf32>
    %convert_element_type3A_998 = arith.fptosi %add3A_997 : vector<128x3xf32> to vector<128x3xi32>
    %swap3A_999 = arith.constant 26 : index
    %swap3A_1000 = arith.constant 0 : index
    %swap3A_1001 = arith.constant 0 : index
    %swap3A_1002 = vector.load %arg6[%swap3A_999, %swap3A_1000, %swap3A_1001] : memref<32x128x3xi32, #tpu.memory_space<vmem>>, vector<1x128x3xi32>
    %swap3A_1003 = vector.shape_cast %swap3A_1002 : vector<1x128x3xi32> to vector<128x3xi32>
    %swap3A_1004 = vector.shape_cast %convert_element_type3A_998 : vector<128x3xi32> to vector<1x128x3xi32>
    tpu.vector_store %arg6[%swap3A_999, %swap3A_1000, %swap3A_1001], %swap3A_1004 {strides = array<i32>} : memref<32x128x3xi32, #tpu.memory_space<vmem>>, vector<1x128x3xi32>,
    %mul3A_1005 = vector.broadcast %mul3A_516 : vector<1x8xf32> to vector<128x8xf32>
    %mul3A_1006 = arith.mulf %slice3A_432, %mul3A_1005 : vector<128x8xf32>
    %reduce_sum3A_1007 = arith.constant dense<0.000000e+00> : vector<128xf32>
    %reduce_sum3A_1008 = vector.multi_reduction <add>, %mul3A_1006, %reduce_sum3A_1007 [1] : vector<128x8xf32> to vector<128xf32>
    %broadcast_in_dim3A_1009 = vector.shape_cast %reduce_sum3A_1008 : vector<128xf32> to vector<128x1xf32>
    %add3A_1010 = arith.addf %broadcast_in_dim3A_1009, %broadcast_in_dim3A_441 : vector<128x1xf32>
    %mul3A_1011 = arith.constant 3.000000e+00 : f32
    %mul3A_1012 = vector.broadcast %mul3A_1011 : f32 to vector<128x1xf32>
    %mul3A_1013 = arith.mulf %add3A_1010, %mul3A_1012 : vector<128x1xf32>
    %add3A_1014 = vector.broadcast %mul3A_1013 : vector<128x1xf32> to vector<128x3xf32>
    %add3A_1015 = arith.addf %add3A_1014, %convert_element_type3A_518 : vector<128x3xf32>
    %convert_element_type3A_1016 = arith.fptosi %add3A_1015 : vector<128x3xf32> to vector<128x3xi32>
    %swap3A_1017 = arith.constant 27 : index
    %swap3A_1018 = arith.constant 0 : index
    %swap3A_1019 = arith.constant 0 : index
    %swap3A_1020 = vector.load %arg6[%swap3A_1017, %swap3A_1018, %swap3A_1019] : memref<32x128x3xi32, #tpu.memory_space<vmem>>, vector<1x128x3xi32>
    %swap3A_1021 = vector.shape_cast %swap3A_1020 : vector<1x128x3xi32> to vector<128x3xi32>
    %swap3A_1022 = vector.shape_cast %convert_element_type3A_1016 : vector<128x3xi32> to vector<1x128x3xi32>
    tpu.vector_store %arg6[%swap3A_1017, %swap3A_1018, %swap3A_1019], %swap3A_1022 {strides = array<i32>} : memref<32x128x3xi32, #tpu.memory_space<vmem>>, vector<1x128x3xi32>,
    %mul3A_1023 = vector.broadcast %mul3A_516 : vector<1x8xf32> to vector<128x8xf32>
    %mul3A_1024 = arith.mulf %slice3A_446, %mul3A_1023 : vector<128x8xf32>
    %reduce_sum3A_1025 = arith.constant dense<0.000000e+00> : vector<128xf32>
    %reduce_sum3A_1026 = vector.multi_reduction <add>, %mul3A_1024, %reduce_sum3A_1025 [1] : vector<128x8xf32> to vector<128xf32>
    %broadcast_in_dim3A_1027 = vector.shape_cast %reduce_sum3A_1026 : vector<128xf32> to vector<128x1xf32>
    %add3A_1028 = arith.addf %broadcast_in_dim3A_1027, %broadcast_in_dim3A_455 : vector<128x1xf32>
    %mul3A_1029 = arith.constant 3.000000e+00 : f32
    %mul3A_1030 = vector.broadcast %mul3A_1029 : f32 to vector<128x1xf32>
    %mul3A_1031 = arith.mulf %add3A_1028, %mul3A_1030 : vector<128x1xf32>
    %add3A_1032 = vector.broadcast %mul3A_1031 : vector<128x1xf32> to vector<128x3xf32>
    %add3A_1033 = arith.addf %add3A_1032, %convert_element_type3A_518 : vector<128x3xf32>
    %convert_element_type3A_1034 = arith.fptosi %add3A_1033 : vector<128x3xf32> to vector<128x3xi32>
    %swap3A_1035 = arith.constant 28 : index
    %swap3A_1036 = arith.constant 0 : index
    %swap3A_1037 = arith.constant 0 : index
    %swap3A_1038 = vector.load %arg6[%swap3A_1035, %swap3A_1036, %swap3A_1037] : memref<32x128x3xi32, #tpu.memory_space<vmem>>, vector<1x128x3xi32>
    %swap3A_1039 = vector.shape_cast %swap3A_1038 : vector<1x128x3xi32> to vector<128x3xi32>
    %swap3A_1040 = vector.shape_cast %convert_element_type3A_1034 : vector<128x3xi32> to vector<1x128x3xi32>
    tpu.vector_store %arg6[%swap3A_1035, %swap3A_1036, %swap3A_1037], %swap3A_1040 {strides = array<i32>} : memref<32x128x3xi32, #tpu.memory_space<vmem>>, vector<1x128x3xi32>,
    %mul3A_1041 = vector.broadcast %mul3A_516 : vector<1x8xf32> to vector<128x8xf32>
    %mul3A_1042 = arith.mulf %slice3A_460, %mul3A_1041 : vector<128x8xf32>
    %reduce_sum3A_1043 = arith.constant dense<0.000000e+00> : vector<128xf32>
    %reduce_sum3A_1044 = vector.multi_reduction <add>, %mul3A_1042, %reduce_sum3A_1043 [1] : vector<128x8xf32> to vector<128xf32>
    %broadcast_in_dim3A_1045 = vector.shape_cast %reduce_sum3A_1044 : vector<128xf32> to vector<128x1xf32>
    %add3A_1046 = arith.addf %broadcast_in_dim3A_1045, %broadcast_in_dim3A_469 : vector<128x1xf32>
    %mul3A_1047 = arith.constant 3.000000e+00 : f32
    %mul3A_1048 = vector.broadcast %mul3A_1047 : f32 to vector<128x1xf32>
    %mul3A_1049 = arith.mulf %add3A_1046, %mul3A_1048 : vector<128x1xf32>
    %add3A_1050 = vector.broadcast %mul3A_1049 : vector<128x1xf32> to vector<128x3xf32>
    %add3A_1051 = arith.addf %add3A_1050, %convert_element_type3A_518 : vector<128x3xf32>
    %convert_element_type3A_1052 = arith.fptosi %add3A_1051 : vector<128x3xf32> to vector<128x3xi32>
    %swap3A_1053 = arith.constant 29 : index
    %swap3A_1054 = arith.constant 0 : index
    %swap3A_1055 = arith.constant 0 : index
    %swap3A_1056 = vector.load %arg6[%swap3A_1053, %swap3A_1054, %swap3A_1055] : memref<32x128x3xi32, #tpu.memory_space<vmem>>, vector<1x128x3xi32>
    %swap3A_1057 = vector.shape_cast %swap3A_1056 : vector<1x128x3xi32> to vector<128x3xi32>
    %swap3A_1058 = vector.shape_cast %convert_element_type3A_1052 : vector<128x3xi32> to vector<1x128x3xi32>
    tpu.vector_store %arg6[%swap3A_1053, %swap3A_1054, %swap3A_1055], %swap3A_1058 {strides = array<i32>} : memref<32x128x3xi32, #tpu.memory_space<vmem>>, vector<1x128x3xi32>,
    %mul3A_1059 = vector.broadcast %mul3A_516 : vector<1x8xf32> to vector<128x8xf32>
    %mul3A_1060 = arith.mulf %slice3A_474, %mul3A_1059 : vector<128x8xf32>
    %reduce_sum3A_1061 = arith.constant dense<0.000000e+00> : vector<128xf32>
    %reduce_sum3A_1062 = vector.multi_reduction <add>, %mul3A_1060, %reduce_sum3A_1061 [1] : vector<128x8xf32> to vector<128xf32>
    %broadcast_in_dim3A_1063 = vector.shape_cast %reduce_sum3A_1062 : vector<128xf32> to vector<128x1xf32>
    %add3A_1064 = arith.addf %broadcast_in_dim3A_1063, %broadcast_in_dim3A_483 : vector<128x1xf32>
    %mul3A_1065 = arith.constant 3.000000e+00 : f32
    %mul3A_1066 = vector.broadcast %mul3A_1065 : f32 to vector<128x1xf32>
    %mul3A_1067 = arith.mulf %add3A_1064, %mul3A_1066 : vector<128x1xf32>
    %add3A_1068 = vector.broadcast %mul3A_1067 : vector<128x1xf32> to vector<128x3xf32>
    %add3A_1069 = arith.addf %add3A_1068, %convert_element_type3A_518 : vector<128x3xf32>
    %convert_element_type3A_1070 = arith.fptosi %add3A_1069 : vector<128x3xf32> to vector<128x3xi32>
    %swap3A_1071 = arith.constant 30 : index
    %swap3A_1072 = arith.constant 0 : index
    %swap3A_1073 = arith.constant 0 : index
    %swap3A_1074 = vector.load %arg6[%swap3A_1071, %swap3A_1072, %swap3A_1073] : memref<32x128x3xi32, #tpu.memory_space<vmem>>, vector<1x128x3xi32>
    %swap3A_1075 = vector.shape_cast %swap3A_1074 : vector<1x128x3xi32> to vector<128x3xi32>
    %swap3A_1076 = vector.shape_cast %convert_element_type3A_1070 : vector<128x3xi32> to vector<1x128x3xi32>
    tpu.vector_store %arg6[%swap3A_1071, %swap3A_1072, %swap3A_1073], %swap3A_1076 {strides = array<i32>} : memref<32x128x3xi32, #tpu.memory_space<vmem>>, vector<1x128x3xi32>,
    %mul3A_1077 = vector.broadcast %mul3A_516 : vector<1x8xf32> to vector<128x8xf32>
    %mul3A_1078 = arith.mulf %slice3A_488, %mul3A_1077 : vector<128x8xf32>
    %reduce_sum3A_1079 = arith.constant dense<0.000000e+00> : vector<128xf32>
    %reduce_sum3A_1080 = vector.multi_reduction <add>, %mul3A_1078, %reduce_sum3A_1079 [1] : vector<128x8xf32> to vector<128xf32>
    %broadcast_in_dim3A_1081 = vector.shape_cast %reduce_sum3A_1080 : vector<128xf32> to vector<128x1xf32>
    %add3A_1082 = arith.addf %broadcast_in_dim3A_1081, %broadcast_in_dim3A_497 : vector<128x1xf32>
    %mul3A_1083 = arith.constant 3.000000e+00 : f32
    %mul3A_1084 = vector.broadcast %mul3A_1083 : f32 to vector<128x1xf32>
    %mul3A_1085 = arith.mulf %add3A_1082, %mul3A_1084 : vector<128x1xf32>
    %add3A_1086 = vector.broadcast %mul3A_1085 : vector<128x1xf32> to vector<128x3xf32>
    %add3A_1087 = arith.addf %add3A_1086, %convert_element_type3A_518 : vector<128x3xf32>
    %convert_element_type3A_1088 = arith.fptosi %add3A_1087 : vector<128x3xf32> to vector<128x3xi32>
    %swap3A_1089 = arith.constant 31 : index
    %swap3A_1090 = arith.constant 0 : index
    %swap3A_1091 = arith.constant 0 : index
    %swap3A_1092 = vector.load %arg6[%swap3A_1089, %swap3A_1090, %swap3A_1091] : memref<32x128x3xi32, #tpu.memory_space<vmem>>, vector<1x128x3xi32>
    %swap3A_1093 = vector.shape_cast %swap3A_1092 : vector<1x128x3xi32> to vector<128x3xi32>
    %swap3A_1094 = vector.shape_cast %convert_element_type3A_1088 : vector<128x3xi32> to vector<1x128x3xi32>
    tpu.vector_store %arg6[%swap3A_1089, %swap3A_1090, %swap3A_1091], %swap3A_1094 {strides = array<i32>} : memref<32x128x3xi32, #tpu.memory_space<vmem>>, vector<1x128x3xi32>,
    %iota3A_1095 = tpu.iota {dimensions = array<i32: 0>} : vector<24x8xi32>
    %convert_element_type3A_1096 = arith.sitofp %iota3A_1095 : vector<24x8xi32> to vector<24x8xf32>
    %ge3A = vector.broadcast %dot_general3A_513 : vector<1x8xf32> to vector<24x8xf32>
    %ge3A_1097 = arith.cmpf oge, %convert_element_type3A_1096, %ge3A : vector<24x8xf32>
    %convert_element_type3A_1098 = arith.extui %ge3A_1097 : vector<24x8xi1> to vector<24x8xi32>
    %convert_element_type3A_1099 = arith.sitofp %convert_element_type3A_1098 : vector<24x8xi32> to vector<24x8xf32>
    %reduce_sum3A_1100 = arith.constant dense<0.000000e+00> : vector<24xf32>
    %reduce_sum3A_1101 = vector.multi_reduction <add>, %convert_element_type3A_1099, %reduce_sum3A_1100 [1] : vector<24x8xf32> to vector<24xf32>
    %broadcast_in_dim3A_1102 = vector.shape_cast %reduce_sum3A_1101 : vector<24xf32> to vector<24x1xf32>
    %sub3A_1103 = arith.constant 1.000000e+00 : f32
    %sub3A_1104 = vector.broadcast %sub3A_1103 : f32 to vector<24x1xf32>
    %sub3A_1105 = arith.subf %broadcast_in_dim3A_1102, %sub3A_1104 : vector<24x1xf32>
    %reduce_sum3A_1106 = arith.constant dense<0.000000e+00> : vector<1xf32>
    %reduce_sum3A_1107 = vector.multi_reduction <add>, %floor3A, %reduce_sum3A_1106 [1] : vector<1x8xf32> to vector<1xf32>
    %broadcast_in_dim3A_1108 = vector.shape_cast %reduce_sum3A_1107 : vector<1xf32> to vector<1x1xf32>
    %iota3A_1109 = tpu.iota {dimensions = array<i32: 0>} : vector<24x1xi32>
    %convert_element_type3A_1110 = arith.sitofp %iota3A_1109 : vector<24x1xi32> to vector<24x1xf32>
    %jit3A_1111 = arith.constant 0.000000e+00 : f32
    %jit3A_1112 = arith.constant 7 : i32
    %max3A = vector.broadcast %jit3A_1111 : f32 to vector<24x1xf32>
    %max3A_1113 = arith.maximumf %max3A, %sub3A_1105 : vector<24x1xf32>
    %convert_element_type3A_1114 = arith.sitofp %jit3A_1112 : i32 to f32
    %min3A = vector.broadcast %convert_element_type3A_1114 : f32 to vector<24x1xf32>
    %min3A_1115 = arith.minimumf %min3A, %max3A_1113 : vector<24x1xf32>
    %convert_element_type3A_1116 = arith.fptosi %min3A_1115 : vector<24x1xf32> to vector<24x1xi32>
    %swap3A_1117 = arith.constant 0 : index
    %swap3A_1118 = arith.constant 0 : index
    %swap3A_1119 = vector.load %arg7[%swap3A_1117, %swap3A_1118] : memref<24x1xi32, #tpu.memory_space<vmem>>, vector<24x1xi32>
    tpu.vector_store %arg7[%swap3A_1117, %swap3A_1118], %convert_element_type3A_1116 {strides = array<i32>} : memref<24x1xi32, #tpu.memory_space<vmem>>, vector<24x1xi32>,
    %lt3A_1120 = vector.broadcast %broadcast_in_dim3A_1108 : vector<1x1xf32> to vector<24x1xf32>
    %lt3A_1121 = arith.cmpf olt, %convert_element_type3A_1110, %lt3A_1120 : vector<24x1xf32>
    %convert_element_type3A_1122 = arith.extui %lt3A_1121 : vector<24x1xi1> to vector<24x1xi32>
    %swap3A_1123 = arith.constant 0 : index
    %swap3A_1124 = arith.constant 0 : index
    %swap3A_1125 = vector.load %arg8[%swap3A_1123, %swap3A_1124] : memref<24x1xi32, #tpu.memory_space<vmem>>, vector<24x1xi32>
    tpu.vector_store %arg8[%swap3A_1123, %swap3A_1124], %convert_element_type3A_1122 {strides = array<i32>} : memref<24x1xi32, #tpu.memory_space<vmem>>, vector<24x1xi32>,
    return
  }
}

module attributes {stable_mosaic.version = 14 : i64} {
  func.func @_ffn1_kernel(%arg0: i32, %arg1: memref<24xi32, #tpu.memory_space<smem>>, %arg2: memref<24xi32, #tpu.memory_space<smem>>, %arg3: memref<256x768xf32, #tpu.memory_space<vmem>>, %arg4: memref<1x3072x768xf32, #tpu.memory_space<vmem>>, %arg5: memref<1x1x3072xf32, #tpu.memory_space<vmem>>, %arg6: memref<256x3072xbf16, #tpu.memory_space<vmem>>, %arg7: memref<3072x768xbf16, #tpu.memory_space<vmem>>) attributes {dimension_semantics = [#tpu.dimension_semantics<arbitrary>], iteration_bounds = array<i64: 24>, scalar_prefetch = 2 : i64, scratch_operands = 1 : i64, tpu.core_type = #tpu.core_type<tc>, window_params = [{transform_indices = @transform_0, window_bounds = array<i64: 256, 768>}, {transform_indices = @transform_1, window_bounds = array<i64: 1, 3072, 768>}, {transform_indices = @transform_2, window_bounds = array<i64: 1, 1, 3072>}, {transform_indices = @transform_3, window_bounds = array<i64: 256, 3072>}]} {
    %sub3A = arith.constant 1 : i32
    %sub3A_0 = arith.subi %arg0, %sub3A : i32
    %max3A = arith.constant 0 : i32
    %max3A_1 = arith.maxsi %sub3A_0, %max3A : i32
    %get3A = arith.index_cast %max3A_1 : i32 to index
    %get3A_2 = memref.load %arg1[%get3A] : memref<24xi32, #tpu.memory_space<smem>>
    %eq3A = arith.constant 0 : i32
    %eq3A_3 = arith.cmpi eq, %arg0, %eq3A : i32
    %get3A_4 = arith.index_cast %arg0 : i32 to index
    %get3A_5 = memref.load %arg1[%get3A_4] : memref<24xi32, #tpu.memory_space<smem>>
    %ne3A = arith.cmpi ne, %get3A_5, %get3A_2 : i32
    %or3A = arith.ori %eq3A_3, %ne3A : i1
    %convert_element_type3A = arith.extui %or3A : i1 to i32
    %cond3A = arith.constant 0 : i32
    %cond3A_6 = arith.cmpi ne, %convert_element_type3A, %cond3A : i32
    scf.if %cond3A_6 {
      %get3A_14 = arith.constant 0 : index
      %get3A_15 = arith.constant 0 : index
      %get3A_16 = arith.constant 0 : index
      %get3A_17 = vector.load %arg4[%get3A_14, %get3A_15, %get3A_16] : memref<1x3072x768xf32, #tpu.memory_space<vmem>>, vector<1x3072x768xf32>
      %get3A_18 = vector.shape_cast %get3A_17 : vector<1x3072x768xf32> to vector<3072x768xf32>
      %convert_element_type3A_19 = arith.truncf %get3A_18 : vector<3072x768xf32> to vector<3072x768xbf16>
      %swap3A = arith.constant 0 : index
      %swap3A_20 = arith.constant 0 : index
      %swap3A_21 = vector.load %arg7[%swap3A, %swap3A_20] : memref<3072x768xbf16, #tpu.memory_space<vmem>>, vector<3072x768xbf16>
      tpu.vector_store %arg7[%swap3A, %swap3A_20], %convert_element_type3A_19 {strides = array<i32>} : memref<3072x768xbf16, #tpu.memory_space<vmem>>, vector<3072x768xbf16>,
    } else {
    }
    %get3A_7 = arith.index_cast %arg0 : i32 to index
    %get3A_8 = memref.load %arg2[%get3A_7] : memref<24xi32, #tpu.memory_space<smem>>
    %eq3A_9 = arith.constant 1 : i32
    %eq3A_10 = arith.cmpi eq, %get3A_8, %eq3A_9 : i32
    %convert_element_type3A_11 = arith.extui %eq3A_10 : i1 to i32
    %cond3A_12 = arith.constant 0 : i32
    %cond3A_13 = arith.cmpi ne, %convert_element_type3A_11, %cond3A_12 : i32
    scf.if %cond3A_13 {
      %get3A_14 = arith.constant 0 : index
      %get3A_15 = arith.constant 0 : index
      %get3A_16 = vector.load %arg3[%get3A_14, %get3A_15] : memref<256x768xf32, #tpu.memory_space<vmem>>, vector<256x768xf32>
      %convert_element_type3A_17 = arith.truncf %get3A_16 : vector<256x768xf32> to vector<256x768xbf16>
      %get3A_18 = arith.constant 0 : index
      %get3A_19 = arith.constant 0 : index
      %get3A_20 = vector.load %arg7[%get3A_18, %get3A_19] : memref<3072x768xbf16, #tpu.memory_space<vmem>>, vector<3072x768xbf16>
      %dot_general3A = arith.constant dense<0.000000e+00> : vector<256x3072xf32>
      %dot_general3A_21 = tpu.matmul %convert_element_type3A_17, %get3A_20, %dot_general3A {dimension_numbers = #tpu.dot_dimension_numbers<[1], [1], [0], [0], [0, 0, 1, 0], [], []>, transpose_lhs_hint = false} : vector<256x768xbf16>, vector<3072x768xbf16>, vector<256x3072xf32> -> vector<256x3072xf32>
      %get3A_22 = arith.constant 0 : index
      %get3A_23 = arith.constant 0 : index
      %get3A_24 = arith.constant 0 : index
      %get3A_25 = vector.load %arg5[%get3A_22, %get3A_23, %get3A_24] : memref<1x1x3072xf32, #tpu.memory_space<vmem>>, vector<1x1x3072xf32>
      %get3A_26 = vector.shape_cast %get3A_25 : vector<1x1x3072xf32> to vector<1x3072xf32>
      %add3A = vector.broadcast %get3A_26 : vector<1x3072xf32> to vector<256x3072xf32>
      %add3A_27 = arith.addf %dot_general3A_21, %add3A : vector<256x3072xf32>
      %mul3A = arith.constant 5.000000e-01 : f32
      %mul3A_28 = vector.broadcast %mul3A : f32 to vector<256x3072xf32>
      %mul3A_29 = arith.mulf %mul3A_28, %add3A_27 : vector<256x3072xf32>
      %mul3A_30 = arith.constant 0.707106769 : f32
      %mul3A_31 = vector.broadcast %mul3A_30 : f32 to vector<256x3072xf32>
      %mul3A_32 = arith.mulf %add3A_27, %mul3A_31 : vector<256x3072xf32>
      %erf3A = math.erf %mul3A_32 : vector<256x3072xf32>
      %add3A_33 = arith.constant 1.000000e+00 : f32
      %add3A_34 = vector.broadcast %add3A_33 : f32 to vector<256x3072xf32>
      %add3A_35 = arith.addf %add3A_34, %erf3A : vector<256x3072xf32>
      %mul3A_36 = arith.mulf %mul3A_29, %add3A_35 : vector<256x3072xf32>
      %convert_element_type3A_37 = arith.truncf %mul3A_36 : vector<256x3072xf32> to vector<256x3072xbf16>
      %swap3A = arith.constant 0 : index
      %swap3A_38 = arith.constant 0 : index
      %swap3A_39 = vector.load %arg6[%swap3A, %swap3A_38] : memref<256x3072xbf16, #tpu.memory_space<vmem>>, vector<256x3072xbf16>
      tpu.vector_store %arg6[%swap3A, %swap3A_38], %convert_element_type3A_37 {strides = array<i32>} : memref<256x3072xbf16, #tpu.memory_space<vmem>>, vector<256x3072xbf16>,
    } else {
    }
    return
  }
  func.func @transform_0(%arg0: i32, %arg1: memref<24xi32, #tpu.memory_space<smem>>, %arg2: memref<24xi32, #tpu.memory_space<smem>>) -> (i32, i32) {
    %c0_i32 = arith.constant 0 : i32
    %c0_i32_0 = arith.constant 0 : i32
    return %arg0, %c0_i32 : i32, i32
  }
  func.func @transform_1(%arg0: i32, %arg1: memref<24xi32, #tpu.memory_space<smem>>, %arg2: memref<24xi32, #tpu.memory_space<smem>>) -> (i32, i32, i32) {
    %get3A = arith.index_cast %arg0 : i32 to index
    %get3A_0 = memref.load %arg1[%get3A] : memref<24xi32, #tpu.memory_space<smem>>
    %c0_i32 = arith.constant 0 : i32
    %c0_i32_1 = arith.constant 0 : i32
    %c0_i32_2 = arith.constant 0 : i32
    return %get3A_0, %c0_i32, %c0_i32_1 : i32, i32, i32
  }
  func.func @transform_2(%arg0: i32, %arg1: memref<24xi32, #tpu.memory_space<smem>>, %arg2: memref<24xi32, #tpu.memory_space<smem>>) -> (i32, i32, i32) {
    %get3A = arith.index_cast %arg0 : i32 to index
    %get3A_0 = memref.load %arg1[%get3A] : memref<24xi32, #tpu.memory_space<smem>>
    %c0_i32 = arith.constant 0 : i32
    %c0_i32_1 = arith.constant 0 : i32
    %c0_i32_2 = arith.constant 0 : i32
    return %get3A_0, %c0_i32, %c0_i32_1 : i32, i32, i32
  }
  func.func @transform_3(%arg0: i32, %arg1: memref<24xi32, #tpu.memory_space<smem>>, %arg2: memref<24xi32, #tpu.memory_space<smem>>) -> (i32, i32) {
    %c0_i32 = arith.constant 0 : i32
    %c0_i32_0 = arith.constant 0 : i32
    return %arg0, %c0_i32 : i32, i32
  }
}

module attributes {stable_mosaic.version = 14 : i64} {
  func.func @_ffn2_kernel(%arg0: i32, %arg1: memref<24xi32, #tpu.memory_space<smem>>, %arg2: memref<24xi32, #tpu.memory_space<smem>>, %arg3: memref<256x3072xbf16, #tpu.memory_space<vmem>>, %arg4: memref<1x768x3072xf32, #tpu.memory_space<vmem>>, %arg5: memref<1x1x768xf32, #tpu.memory_space<vmem>>, %arg6: memref<256x768xf32, #tpu.memory_space<vmem>>, %arg7: memref<768x3072xbf16, #tpu.memory_space<vmem>>) attributes {dimension_semantics = [#tpu.dimension_semantics<arbitrary>], iteration_bounds = array<i64: 24>, scalar_prefetch = 2 : i64, scratch_operands = 1 : i64, tpu.core_type = #tpu.core_type<tc>, window_params = [{transform_indices = @transform_0, window_bounds = array<i64: 256, 3072>}, {transform_indices = @transform_1, window_bounds = array<i64: 1, 768, 3072>}, {transform_indices = @transform_2, window_bounds = array<i64: 1, 1, 768>}, {transform_indices = @transform_3, window_bounds = array<i64: 256, 768>}]} {
    %sub3A = arith.constant 1 : i32
    %sub3A_0 = arith.subi %arg0, %sub3A : i32
    %max3A = arith.constant 0 : i32
    %max3A_1 = arith.maxsi %sub3A_0, %max3A : i32
    %get3A = arith.index_cast %max3A_1 : i32 to index
    %get3A_2 = memref.load %arg1[%get3A] : memref<24xi32, #tpu.memory_space<smem>>
    %eq3A = arith.constant 0 : i32
    %eq3A_3 = arith.cmpi eq, %arg0, %eq3A : i32
    %get3A_4 = arith.index_cast %arg0 : i32 to index
    %get3A_5 = memref.load %arg1[%get3A_4] : memref<24xi32, #tpu.memory_space<smem>>
    %ne3A = arith.cmpi ne, %get3A_5, %get3A_2 : i32
    %or3A = arith.ori %eq3A_3, %ne3A : i1
    %convert_element_type3A = arith.extui %or3A : i1 to i32
    %cond3A = arith.constant 0 : i32
    %cond3A_6 = arith.cmpi ne, %convert_element_type3A, %cond3A : i32
    scf.if %cond3A_6 {
      %get3A_14 = arith.constant 0 : index
      %get3A_15 = arith.constant 0 : index
      %get3A_16 = arith.constant 0 : index
      %get3A_17 = vector.load %arg4[%get3A_14, %get3A_15, %get3A_16] : memref<1x768x3072xf32, #tpu.memory_space<vmem>>, vector<1x768x3072xf32>
      %get3A_18 = vector.shape_cast %get3A_17 : vector<1x768x3072xf32> to vector<768x3072xf32>
      %convert_element_type3A_19 = arith.truncf %get3A_18 : vector<768x3072xf32> to vector<768x3072xbf16>
      %swap3A = arith.constant 0 : index
      %swap3A_20 = arith.constant 0 : index
      %swap3A_21 = vector.load %arg7[%swap3A, %swap3A_20] : memref<768x3072xbf16, #tpu.memory_space<vmem>>, vector<768x3072xbf16>
      tpu.vector_store %arg7[%swap3A, %swap3A_20], %convert_element_type3A_19 {strides = array<i32>} : memref<768x3072xbf16, #tpu.memory_space<vmem>>, vector<768x3072xbf16>,
    } else {
    }
    %get3A_7 = arith.index_cast %arg0 : i32 to index
    %get3A_8 = memref.load %arg2[%get3A_7] : memref<24xi32, #tpu.memory_space<smem>>
    %eq3A_9 = arith.constant 1 : i32
    %eq3A_10 = arith.cmpi eq, %get3A_8, %eq3A_9 : i32
    %convert_element_type3A_11 = arith.extui %eq3A_10 : i1 to i32
    %cond3A_12 = arith.constant 0 : i32
    %cond3A_13 = arith.cmpi ne, %convert_element_type3A_11, %cond3A_12 : i32
    scf.if %cond3A_13 {
      %get3A_14 = arith.constant 0 : index
      %get3A_15 = arith.constant 0 : index
      %get3A_16 = vector.load %arg3[%get3A_14, %get3A_15] : memref<256x3072xbf16, #tpu.memory_space<vmem>>, vector<256x3072xbf16>
      %get3A_17 = arith.constant 0 : index
      %get3A_18 = arith.constant 0 : index
      %get3A_19 = vector.load %arg7[%get3A_17, %get3A_18] : memref<768x3072xbf16, #tpu.memory_space<vmem>>, vector<768x3072xbf16>
      %dot_general3A = arith.constant dense<0.000000e+00> : vector<256x768xf32>
      %dot_general3A_20 = tpu.matmul %get3A_16, %get3A_19, %dot_general3A {dimension_numbers = #tpu.dot_dimension_numbers<[1], [1], [0], [0], [0, 0, 1, 0], [], []>, transpose_lhs_hint = false} : vector<256x3072xbf16>, vector<768x3072xbf16>, vector<256x768xf32> -> vector<256x768xf32>
      %get3A_21 = arith.constant 0 : index
      %get3A_22 = arith.constant 0 : index
      %get3A_23 = arith.constant 0 : index
      %get3A_24 = vector.load %arg5[%get3A_21, %get3A_22, %get3A_23] : memref<1x1x768xf32, #tpu.memory_space<vmem>>, vector<1x1x768xf32>
      %get3A_25 = vector.shape_cast %get3A_24 : vector<1x1x768xf32> to vector<1x768xf32>
      %add3A = vector.broadcast %get3A_25 : vector<1x768xf32> to vector<256x768xf32>
      %add3A_26 = arith.addf %dot_general3A_20, %add3A : vector<256x768xf32>
      %swap3A = arith.constant 0 : index
      %swap3A_27 = arith.constant 0 : index
      %swap3A_28 = vector.load %arg6[%swap3A, %swap3A_27] : memref<256x768xf32, #tpu.memory_space<vmem>>, vector<256x768xf32>
      tpu.vector_store %arg6[%swap3A, %swap3A_27], %add3A_26 {strides = array<i32>} : memref<256x768xf32, #tpu.memory_space<vmem>>, vector<256x768xf32>,
    } else {
    }
    return
  }
  func.func @transform_0(%arg0: i32, %arg1: memref<24xi32, #tpu.memory_space<smem>>, %arg2: memref<24xi32, #tpu.memory_space<smem>>) -> (i32, i32) {
    %c0_i32 = arith.constant 0 : i32
    %c0_i32_0 = arith.constant 0 : i32
    return %arg0, %c0_i32 : i32, i32
  }
  func.func @transform_1(%arg0: i32, %arg1: memref<24xi32, #tpu.memory_space<smem>>, %arg2: memref<24xi32, #tpu.memory_space<smem>>) -> (i32, i32, i32) {
    %get3A = arith.index_cast %arg0 : i32 to index
    %get3A_0 = memref.load %arg1[%get3A] : memref<24xi32, #tpu.memory_space<smem>>
    %c0_i32 = arith.constant 0 : i32
    %c0_i32_1 = arith.constant 0 : i32
    %c0_i32_2 = arith.constant 0 : i32
    return %get3A_0, %c0_i32, %c0_i32_1 : i32, i32, i32
  }
  func.func @transform_2(%arg0: i32, %arg1: memref<24xi32, #tpu.memory_space<smem>>, %arg2: memref<24xi32, #tpu.memory_space<smem>>) -> (i32, i32, i32) {
    %get3A = arith.index_cast %arg0 : i32 to index
    %get3A_0 = memref.load %arg1[%get3A] : memref<24xi32, #tpu.memory_space<smem>>
    %c0_i32 = arith.constant 0 : i32
    %c0_i32_1 = arith.constant 0 : i32
    %c0_i32_2 = arith.constant 0 : i32
    return %get3A_0, %c0_i32, %c0_i32_1 : i32, i32, i32
  }
  func.func @transform_3(%arg0: i32, %arg1: memref<24xi32, #tpu.memory_space<smem>>, %arg2: memref<24xi32, #tpu.memory_space<smem>>) -> (i32, i32) {
    %c0_i32 = arith.constant 0 : i32
    %c0_i32_0 = arith.constant 0 : i32
    return %arg0, %c0_i32 : i32, i32
  }
}

module attributes {stable_mosaic.version = 14 : i64} {
  func.func @_combine_kernel(%arg0: memref<4096x768xf32, #tpu.memory_space<vmem>>, %arg1: memref<2048x1xf32, #tpu.memory_space<vmem>>, %arg2: memref<2048x1xf32, #tpu.memory_space<vmem>>, %arg3: memref<2048x768xf32, #tpu.memory_space<vmem>>) attributes {dimension_semantics = [], scalar_prefetch = 0 : i64, scratch_operands = 0 : i64, tpu.core_type = #tpu.core_type<tc>} {
    %get3A = arith.constant 0 : index
    %get3A_0 = arith.constant 0 : index
    %get3A_1 = vector.load %arg1[%get3A, %get3A_0] : memref<2048x1xf32, #tpu.memory_space<vmem>>, vector<2048x1xf32>
    %get3A_2 = arith.constant 0 : index
    %get3A_3 = arith.constant 0 : index
    %get3A_4 = vector.load %arg0[%get3A_2, %get3A_3] : memref<4096x768xf32, #tpu.memory_space<vmem>>, vector<2048x768xf32>
    %mul3A = vector.broadcast %get3A_1 : vector<2048x1xf32> to vector<2048x768xf32>
    %mul3A_5 = arith.mulf %mul3A, %get3A_4 : vector<2048x768xf32>
    %get3A_6 = arith.constant 0 : index
    %get3A_7 = arith.constant 0 : index
    %get3A_8 = vector.load %arg2[%get3A_6, %get3A_7] : memref<2048x1xf32, #tpu.memory_space<vmem>>, vector<2048x1xf32>
    %get3A_9 = arith.constant 2048 : index
    %get3A_10 = arith.constant 0 : index
    %get3A_11 = vector.load %arg0[%get3A_9, %get3A_10] : memref<4096x768xf32, #tpu.memory_space<vmem>>, vector<2048x768xf32>
    %mul3A_12 = vector.broadcast %get3A_8 : vector<2048x1xf32> to vector<2048x768xf32>
    %mul3A_13 = arith.mulf %mul3A_12, %get3A_11 : vector<2048x768xf32>
    %add3A = arith.addf %mul3A_5, %mul3A_13 : vector<2048x768xf32>
    %swap3A = arith.constant 0 : index
    %swap3A_14 = arith.constant 0 : index
    %swap3A_15 = vector.load %arg3[%swap3A, %swap3A_14] : memref<2048x768xf32, #tpu.memory_space<vmem>>, vector<2048x768xf32>
    tpu.vector_store %arg3[%swap3A, %swap3A_14], %add3A {strides = array<i32>} : memref<2048x768xf32, #tpu.memory_space<vmem>>, vector<2048x768xf32>,
    return
  }
}

</mosaic_0001>

<sc_bundles>
// kernel: kernel.11.cloned.1.call-start
scs
__scs_entry_jumppad:
0x0: {  	(pc) =	sbr.rel $0x88, $3  }
0x1: {  	(tag) =	ssettag $0x0;
	lr =	simm.s32 $0x1  }
0x2: {  	[smem:$0x3F9B] =	sst lr;
	_ =	strace $0xD0000000  }
0x3: {  	_ = 	snop  }
0x4: {  	_ = 	snop  }
0x5: {  	_ = 	snop  }
0x6: {  	_ = 	snop  }
0x7: {  	_ = 	snop  }
__scs_overlays_trampoline_lowered:
0x8: {  	[smem:$0x3FAA] =	sst s0  }
0x9: {  	[smem:$0x3FAB] =	sst s1  }
0xa: {  	[smem:$0x3FAC] =	sst s2  }
0xb: {  	[smem:$0x3FAD] =	sst s3  }
0xc: {  	[smem:$0x3FAE] =	sst s4  }
0xd: {  	[smem:$0x3FAF] =	sst s5  }
0xe: {  	[smem:$0x3FB0] =	sst s6  }
0xf: {  	[smem:$0x3FB1] =	sst s7  }
0x10: {  	[smem:$0x3FB2] =	sst s8  }
0x11: {  	[smem:$0x3FB3] =	sst s9;
	s0 =	simm.s32 @!p0 $0x0  }
0x12: {  	s1 =	sld [smem:$0x3F99];
	s0 =	simm.s32 @p0 $0x1  }
0x13: {  	[smem:$0x3FB4] =	sst s0;
	s0 =	simm.s32 @!p1 $0x0  }
0x14: {  	s2 =	sld [smem:$0x3F98];
	s0 =	simm.s32 @p1 $0x1  }
0x15: {  	[smem:$0x3FB5] =	sst s0;
	s0 =	simm.s32 @!p2 $0x0  }
0x16: {  	s3 =	sld [smem:$0x3FDB];
	s0 =	simm.s32 @p2 $0x1  }
0x17: {  	s4 =	simm.s32 $0x1BF5;
	[smem:$0x3FB7] =	sst s0  }
0x18: {  	s0 =	sld [smem:$0x3F9A];
	_ =	swait.ge [sflag:s4], $0x0  }
0x19: {  	s7 =	sld [smem:$0x3F9B]  }
0x1a: {  	s8 =	sadd.s32 $0xFFFFE003, lr  }
0x1b: {  	s9 =	sadd.s32 $0xFFFFFEF7, lr;
	s5 =	simm.s32 $0xFFFFFFFF;
	p2 =	slt.u32 s8, $0xFFFFF086  }
0x1c: {  	p1 =	slt.u32 s9, $0xF7A;
	s5 =	simm.s32 @!p2 $0x0  }
0x1d: {  	s5 =	simm.s32 @p1 $0x1;
	p0 =	seq.s32 s7, s2  }
0x1e: {  	s7 =	smul.u32 @!p0 $0xF7A, s2;
	p2 =	seq.s32 @!p0 s5, $0x0  }
0x1f: {  	s9 =	smul.u32 $0xF7A, s1;
	s8 =	simm.s32 @!p0 $0x1BF5;
	p2 =	por !p2, p0  }
0x20: {  	[sflag:s8] =	ssyncset.s32 @!p0 $0xFFFFF086;
	s6 =	sadd.s32 @!p0 s3, s7;
	s7 =	simm.s32 @!p0 $0x108  }
0x21: {  	s3 =	sadd.s32 s3, s9;
	s6 =	sadd.s32 @!p0 $0x88, s6;
	s7 =	simm.s32 @p2 $0x1082  }
0x22: {  	[simem:s7], [sflag:s8] =	dma.local @!p0 [hbm:s6], $0xF7A  }
0x23: {  	s9 =	sor.u32 $0xD0000000, s2;
	s6 =	simm.s32 $0x108;
	_ =	swait.ge @!p0 [sflag:s8], $0x0  }
0x24: {  	s3 =	sadd.s32 $0x88, s3;
	s6 =	simm.s32 @!p1 $0x1082;
	[sflag:s4] =	ssyncset.s32 $0xFFFFF086  }
0x25: {  	[simem:s6], [sflag:s4] =	dma.local [hbm:s3], $0xF7A  }
0x26: {  	[smem:$0x3F9B] =	sst s1;
	(tag) =	ssettag s2;
	_ =	strace s9  }
0x27: {  	s1 =	sld [smem:$0x3FAB]  }
0x28: {  	s2 =	sld [smem:$0x3FAC]  }
0x29: {  	s4 =	sld [smem:$0x3FAE]  }
0x2a: {  	p0 =	seq.s32 s5, $0x0;
	s5 =	sld [smem:$0x3FAF]  }
0x2b: {  	s6 =	sld [smem:$0x3FB0]  }
0x2c: {  	s7 =	sld [smem:$0x3FB1]  }
0x2d: {  	s3 =	simm.s32 $0x108;
	s8 =	sld [smem:$0x3FB2]  }
0x2e: {  	s3 =	simm.s32 @!p0 $0x1082;
	s9 =	sld [smem:$0x3FB3]  }
0x2f: {  	lr =	sadd.s32 s0, s3;
	s0 =	sld [smem:$0x3FAA]  }
0x30: {  	s3 =	sld [smem:$0x3FAD]  }
0x31: {  	[smem:$0x3FB6] =	sst s10  }
0x32: {  	s10 =	sld [smem:$0x3FB4];
	_ =	sdelay $0x3  }
0x33: {  	p0 =	seq.s32 s10, $0x1;
	s10 =	sld [smem:$0x3FB6];
	_ =	sdelay $0x3  }
0x34: {  	[smem:$0x3FB6] =	sst s10  }
0x35: {  	s10 =	sld [smem:$0x3FB5];
	_ =	sdelay $0x3  }
0x36: {  	p1 =	seq.s32 s10, $0x1;
	s10 =	sld [smem:$0x3FB6];
	_ =	sdelay $0x3  }
0x37: {  	[smem:$0x3FB6] =	sst s10  }
0x38: {  	s10 =	sld [smem:$0x3FB7]  }
0x39: {  	_ = 	snop;
	(pc) =	sbr.ind lr, $3  }
0x3a: {  	_ = 	snop  }
0x3b: {  	_ = 	snop  }
0x3c: {  	p2 =	seq.s32 s10, $0x1;
	s10 =	sld [smem:$0x3FB6]  }
0x3d: {  	_ =	shalt  }
0x3e: {  	_ =	shalt  }
0x3f: {  	_ =	shalt  }
0x40: {  	_ =	shalt  }
0x41: {  	_ =	shalt  }
0x42: {  	_ =	shalt  }
0x43: {  	_ =	shalt  }
0x44: {  	_ =	shalt  }
0x45: {  	_ =	shalt  }
0x46: {  	_ =	shalt  }
0x47: {  	_ =	shalt  }
0x48: {  	_ =	shalt  }
0x49: {  	_ =	shalt  }
0x4a: {  	_ =	shalt  }
0x4b: {  	_ =	shalt  }
0x4c: {  	_ =	shalt  }
0x4d: {  	_ =	shalt  }
0x4e: {  	_ =	shalt  }
0x4f: {  	_ =	shalt  }
0x50: {  	_ =	shalt  }
0x51: {  	_ =	shalt  }
0x52: {  	_ =	shalt  }
0x53: {  	_ =	shalt  }
0x54: {  	_ =	shalt  }
0x55: {  	_ =	shalt  }
0x56: {  	_ =	shalt  }
0x57: {  	_ =	shalt  }
0x58: {  	_ =	shalt  }
0x59: {  	_ =	shalt  }
0x5a: {  	_ =	shalt  }
0x5b: {  	_ =	shalt  }
0x5c: {  	_ =	shalt  }
0x5d: {  	_ =	shalt  }
0x5e: {  	_ =	shalt  }
0x5f: {  	_ =	shalt  }
0x60: {  	_ =	shalt  }
0x61: {  	_ =	shalt  }
0x62: {  	_ =	shalt  }
0x63: {  	_ =	shalt  }
0x64: {  	_ =	shalt  }
0x65: {  	_ =	shalt  }
0x66: {  	_ =	shalt  }
0x67: {  	_ =	shalt  }
0x68: {  	_ =	shalt  }
0x69: {  	_ =	shalt  }
0x6a: {  	_ =	shalt  }
0x6b: {  	_ =	shalt  }
0x6c: {  	_ =	shalt  }
0x6d: {  	_ =	shalt  }
0x6e: {  	_ =	shalt  }
0x6f: {  	_ =	shalt  }
0x70: {  	_ =	shalt  }
0x71: {  	_ =	shalt  }
0x72: {  	_ =	shalt  }
0x73: {  	_ =	shalt  }
0x74: {  	_ =	shalt  }
0x75: {  	_ =	shalt  }
0x76: {  	_ =	shalt  }
0x77: {  	_ =	shalt  }
0x78: {  	_ =	shalt  }
0x79: {  	_ =	shalt  }
0x7a: {  	_ =	shalt  }
0x7b: {  	_ =	shalt  }
0x7c: {  	_ =	shalt  }
0x7d: {  	_ =	shalt  }
0x7e: {  	_ =	shalt  }
0x7f: {  	_ =	shalt  }
0x80: {  	_ =	shalt  }
0x81: {  	_ =	shalt  }
0x82: {  	_ =	shalt  }
0x83: {  	_ =	shalt  }
0x84: {  	_ =	shalt  }
0x85: {  	_ =	shalt  }
0x86: {  	_ =	shalt  }
0x87: {  	_ =	shalt  }
.Lfunc_end0:
.L_simem_size_0:
called_computation.1_lowered:
.L_overlay_start_0:
0x88: {  	s2 =	sld [smem:$0x3FD9]  }
0x89: {  	s3 =	sld [smem:$0x3FFE];
	_ =	sdelay $0x1  }
0x8a: {  	s1 =	srdreg.scid  }
0x8b: {  	s0 =	sand.u32 $0x1, s1  }
0x8c: {  	s16 =	sshll.u32 s0, $0xA;
	s2 =	sadd.s32 s3, s2  }
0x8d: {  	s2 =	sadd.s32 s2, s16  }
0x8e: {  	[smem:$0x3FC2] =	sst s2  }
0x8f: {  	_ = 	snop  }
0x90: {  	(tm) =	ssettm $0x1  }
0x91: {  	s17 =	sld [smem:$0x3FFB];
	_ =	sdelay $0x3  }
0x92: {  	_ =	strace s17  }
0x93: {  	s2 =	sld [smem:$0x3FFC];
	_ =	sdelay $0x3  }
0x94: {  	_ =	strace s2  }
0x95: {  	s2 =	sld [smem:$0x3FFD];
	_ =	sdelay $0x3  }
0x96: {  	_ =	strace s2  }
0x97: {  	_ =	strace $0x8FFFFFFF  }
0x98: {  	s18 =	sld [smem:$0x3FDB];
	_ =	sdelay $0x1  }
0x99: {  	s19 =	simm.s32 $_scs_section_size  }
0x9a: {  	s4 =	simm.s32 $_size__tile_overlayer_lowered;
	s5 =	simm.s32 $_tile_overlayer_lowered  }
0x9b: {  	s22 =	simm.s32 $0x1BFF;
	s21 =	sshll.u32 s5, $0x1;
	s2 =	sadd.s32 s19, s18  }
0x9c: {  	s6 =	simm.s32 $0x0;
	s20 =	sshll.u32 s4, $0x1;
	s4 =	sadd.s32 s21, s2  }
0x9d: {  	[timem:s6], [sflag:s22] =	dma.local [hbm:s4], s20  }
0x9e: {  	_ =	swait.ge [sflag:s22], s20  }
0x9f: {  	s3 =	ssub.s32 $0x0, s20;
	[sflag:s22] =	ssyncset.done $0x0  }
0xa0: {  	[sflag:s22] =	ssyncadd.s32 s3;
	_ =	sdelay $0x1  }
0xa1: {  	s23 =	simm.s32 $0x1B8B  }
0xa2: {  	_ =	swait.ge [sflag:s23], $0x1  }
0xa3: {  	[sflag:s23] =	ssyncset.done $0x0  }
0xa4: {  	s25 =	simm.s32 $0x1B8E;
	s24 =	sld [smem:$0x3FFE];
	[sflag:s23] =	ssyncadd.s32 $0xFFFFFFFF  }
0xa5: {  	s26 =	simm.s32 $execute0_lowered;
	[smem:$0x3FD2] =	sst s25  }
0xa6: {  	s4 =	sshll.u32 s26, $0x1;
	_ =	strace $0x8000004F;
	[dreg:$0x1] =	wrdreg $0xFFFFFFFF  }
0xa7: {  	s28 =	simm.s32 $_size_execute0_lowered;
	s2 =	sadd.s32 s2, s4;
	[dreg:$0x0] =	wrdreg $0x0  }
0xa8: {  	s4 =	sshll.u32 s28, $0x1;
	[dreg:$0x2] =	wrdreg s2  }
0xa9: {  	[dreg:$0x3] =	wrdreg s4  }
0xaa: {  	[dreg:$0x4] =	wrdreg $0xC0  }
0xab: {  	_ =	task [dreg:s6], $0x5FFFF  }
0xac: {  	[dreg:$0x1] =	wrdreg $0xFFFFFFFF  }
0xad: {  	[dreg:$0x0] =	wrdreg $0x60  }
0xae: {  	[dreg:$0x2] =	wrdreg s24  }
0xaf: {  	[dreg:$0x3] =	wrdreg $0x9  }
0xb0: {  	_ =	task.clear_ibuf [dreg:s6], $0x4FFFF;
	_ =	strace $0x9000004F  }
0xb1: {  	s29 =	simm.s32 $0x9;
	_ =	strace $0x80000058  }
0xb2: {  	_ =	swait.ge [sflag:s29], $0x1  }
0xb3: {  	[sflag:s29] =	ssyncadd.s32 $0xFFFFFFFF  }
0xb4: {  	_ =	strace $0x90000058  }
0xb5: {  	_ =	sfence  }
0xb6: {  	s30 =	sld [smem:$0x0];
	_ =	sdelay $0x2  }
0xb7: {  	s31 =	sshll.u32 s1, $0xD;
	s1 =	sshrl.u32 s1, $0x2  }
0xb8: {  	s3 =	sand.u32 $0x4000, s31;
	s1 =	sadd.s32 s1, s30  }
0xb9: {  	s0 =	sor.u32 s3, s0;
	s1 =	sshll.u32 s1, $0x11  }
0xba: {  	s0 =	sor.u32 s1, s0  }
0xbb: {  	s0 =	sadd.s32 $0x8F2B, s0  }
0xbc: {  	[sflag:s0] =	ssyncadd.remote.s32 $0x1  }
0xbd: {  	_ =	sfence.sel $0xFFFF  }
0xbe: {  	[dreg:$0x0] =	wrdreg $0xFFFFFFFF;
	(pc) =	sbr.abs _section_cstart, $3  }
0xbf: {  	[dreg:$0x1] =	wrdreg $0xFFFFFFFF  }
0xc0: {  	_ =	task.clear_ibuf [dreg:s6], $0x2FFFF;
	_ =	strace $0x9FFFFFFF  }
0xc1: {  	(tm) =	ssettm $0x7FFFFFFF  }
tec
execute0_lowered:
.L_overlay_start_1:
0x0: {  	(tag) =	ssettag $0x1  }
0x1: {  	s4 =	rddreg [dreg:$0x0]  }
0x2: {  	s0 =	rddreg [dreg:$0x1];
	s1 =	simm.s32 $0x0  }
0x3: {  	s2 =	srdreg.scid;
	s10 =	simm.s32 $0x0;
	[smem:$0x7FF] =	sst s1  }
0x4: {  	s5 =	sand.u32 $0x1, s2;
	s2 =	stileid.u32;
	s3 =	sadd.s32 $0x19A00, s4  }
0x5: {  	s7 =	sadd.s32 $0xA9A00, s4;
	s4 =	sadd.s32 $0x19400, s4;
	s6 =	sshll.u32 s5, $0x4  }
0x6: {  	_ =	strace $0x80000050;
	s5 =	ssub.s32 $0x2, s5;
	s6 =	sor.u32 s2, s6  }
0x7: {  	v2 =	vlaneseq.u32;
	[dreg:$0x2] =	wrdreg s7;
	s8 =	sshrl.u32 s5, $0x1;
	s9 =	smul.u32 $0x30, s6  }
0x8: {  	vm0 =	vmmov $0xffff;
	v1 =	vshrl.u32 v2, $0x3;
	s31 =	ssub.s32 s5, s8;
	s5 =	smul.u32 $0x3, s6;
	s8 =	simm.s32 $0x5  }
0x9: {  	v0 =	vand.u32 $0x7, v2;
	v2 =	vor.u32 $0x8, v2;
	v1 =	vmul.u32 $0x8, v1;
	s7 =	smax.u32 s31, $0x1;
	s6 =	sadd.s32 s4, s9;
	s9 =	simm.s32 $0x3  }
.LBB2_1:
0xa: {  	_ =	strace $0x80000051;
	s11 =	simm.s32 $0x2  }
0xb: {  	s12 =	simm.s32 $0x0;
	s13 =	simm.s32 $0x0;
	s14 =	simm.s32 $0x0  }
0xc: {  	[tilespmem:s1], [sflag:$0x1] =	stream.linear.gather [hbm4b:s6+s1], $0x80, $0x200038;
	[tilespmem:$0x10100] =	vst v63  }
0xd: {  	s15 =	simm.s32 $0x0;
	s16 =	simm.s32 $0x1;
	_ =	strace $0x90000051  }
.LBB2_2:
0xe: {  	s17 =	smov.u32 s12;
	s12 =	sadd.s32 $0x1, s12  }
0xf: {  	p0 =	seq.s32 s12, $0x3  }
0x10: {  	s12 =	simm.s32 @p0 $0x0  }
0x11: {  	p6 =	sne.s32 s11, $0x0;
	p1 =	sne.s32 s17, s12  }
0x12: {  	p0 =	por !p6, !p1  }
0x13: {  	p0 =	por !p0, !p0  }
0x14: {  	s18 =	sadd.s32 @p0 s5, s12  }
0x15: {  	s19 =	sand.u32 @p0 $0x1, s16;
	s18 =	sshll.u32 @p0 s18, $0x4  }
0x16: {  	_ =	strace @p0 $0x80000052;
	s21 =	simm.s32 @p0 $0x0;
	s18 =	sand.u32 @p0 $0x1FFFFFF0, s18  }
0x17: {  	s20 =	sshll.u32 @p0 s19, $0x7;
	s19 =	sadd.s32 @p0 $0x1, s19;
	s18 =	sadd.s32 @p0 s4, s18  }
0x18: {  	[tilespmem:s20], [sflag:s19] =	stream.linear.gather @p0 [hbm4b:s18+s21], $0x80, $0x200038;
	[tilespmem:$0x10100] =	vst v63  }
0x19: {  	s24 =	sand.u32 $0x1, s15;
	_ =	strace @p0 $0x90000052  }
0x1a: {  	s18 =	sadd.s32 $0x1, s24;
	_ =	strace $0x80000053  }
0x1b: {  	_ =	swait.ge [sflag:s18], $0x80  }
0x1c: {  	[sflag:s18] =	ssyncset.done $0x0  }
0x1d: {  	[sflag:s18] =	ssyncadd.s32 $0xFFFFFF80  }
0x1e: {  	s25 =	sshll.u32 s15, $0x7;
	_ =	strace $0x90000053  }
0x1f: {  	s21 =	sand.u32 $0x80, s25;
	_ =	strace $0x80000054  }
0x20: {  	v3 =	vld [tilespmem:s21+$0x0];
	_ =	sdelay $0x4  }
0x21: {  	v4 =	vshll.u32 v3, $0x1  }
0x22: {  	v3 =	vand.u32 $0x7, v3;
	v4 =	vand.u32 $0xFFFFFFF0, v4  }
0x23: {  	v3 =	vor.u32 v3, v4  }
0x24: {  	v4 =	vperm.xlane v3, v0;
	_ =	sdelay $0x1  }
0x25: {  	v3 =	vperm.xlane v3, v2;
	v4 =	vadd.s32 v1, v4;
	_ =	sdelay $0x1  }
0x26: {  	s18 =	sand.u32 $0x1, s14;
	v3 =	vadd.s32 v1, v3  }
0x27: {  	s20 =	sshll.u32 s18, $0xF  }
0x28: {  	s19 =	sor.u32 $0x100, s20  }
0x29: {  	[tilespmem:s19], [sflag:$0x5] =	stream.indirect_vreg.gather [hbm4b:s3+s1], $0x80, v4, vm0, $0x2000b8;
	[tilespmem:$0x10100] =	vst v63  }
0x2a: {  	s22 =	sor.u32 $0x900, s20  }
0x2b: {  	[tilespmem:s22], [sflag:$0x5] =	stream.indirect_vreg.gather [hbm4b:s3+s1], $0x80, v3, vm0, $0x2000b8;
	[tilespmem:$0x10100] =	vst v63  }
0x2c: {  	v3 =	vld [tilespmem:s21+$0x10];
	_ =	sdelay $0x4  }
0x2d: {  	v57 =	vshll.u32 v3, $0x1  }
0x2e: {  	v3 =	vand.u32 $0x7, v3;
	v4 =	vand.u32 $0xFFFFFFF0, v57  }
0x2f: {  	v3 =	vor.u32 v3, v4  }
0x30: {  	v4 =	vperm.xlane v3, v0;
	_ =	sdelay $0x1  }
0x31: {  	v3 =	vperm.xlane v3, v2;
	v4 =	vadd.s32 v1, v4;
	_ =	sdelay $0x1  }
0x32: {  	v3 =	vadd.s32 v1, v3;
	_ =	sdelay $0x1  }
0x33: {  	s26 =	sor.u32 $0x1100, s20  }
0x34: {  	[tilespmem:s26], [sflag:$0x5] =	stream.indirect_vreg.gather [hbm4b:s3+s1], $0x80, v4, vm0, $0x2000b8;
	[tilespmem:$0x10100] =	vst v63  }
0x35: {  	s28 =	sor.u32 $0x1900, s20  }
0x36: {  	[tilespmem:s28], [sflag:$0x5] =	stream.indirect_vreg.gather [hbm4b:s3+s1], $0x80, v3, vm0, $0x2000b8;
	[tilespmem:$0x10100] =	vst v63  }
0x37: {  	v3 =	vld [tilespmem:s21+$0x20];
	_ =	sdelay $0x4  }
0x38: {  	v58 =	vshll.u32 v3, $0x1  }
0x39: {  	v3 =	vand.u32 $0x7, v3;
	v4 =	vand.u32 $0xFFFFFFF0, v58  }
0x3a: {  	v3 =	vor.u32 v3, v4  }
0x3b: {  	v4 =	vperm.xlane v3, v0;
	_ =	sdelay $0x1  }
0x3c: {  	v3 =	vperm.xlane v3, v2;
	v4 =	vadd.s32 v1, v4;
	_ =	sdelay $0x1  }
0x3d: {  	v3 =	vadd.s32 v1, v3;
	_ =	sdelay $0x1  }
0x3e: {  	s29 =	sor.u32 $0x2100, s20  }
0x3f: {  	[tilespmem:s29], [sflag:$0x5] =	stream.indirect_vreg.gather [hbm4b:s3+s1], $0x80, v4, vm0, $0x2000b8;
	[tilespmem:$0x10100] =	vst v63  }
0x40: {  	s30 =	sor.u32 $0x2900, s20  }
0x41: {  	[tilespmem:s30], [sflag:$0x5] =	stream.indirect_vreg.gather [hbm4b:s3+s1], $0x80, v3, vm0, $0x2000b8;
	[tilespmem:$0x10100] =	vst v63  }
0x42: {  	v3 =	vld [tilespmem:s21+$0x30];
	_ =	sdelay $0x4  }
0x43: {  	v59 =	vshll.u32 v3, $0x1  }
0x44: {  	v3 =	vand.u32 $0x7, v3;
	v4 =	vand.u32 $0xFFFFFFF0, v59  }
0x45: {  	v3 =	vor.u32 v3, v4  }
0x46: {  	v4 =	vperm.xlane v3, v0;
	_ =	sdelay $0x1  }
0x47: {  	v3 =	vperm.xlane v3, v2;
	v4 =	vadd.s32 v1, v4;
	_ =	sdelay $0x1  }
0x48: {  	v3 =	vadd.s32 v1, v3;
	_ =	sdelay $0x1  }
0x49: {  	s31 =	sor.u32 $0x3100, s20  }
0x4a: {  	[tilespmem:s31], [sflag:$0x5] =	stream.indirect_vreg.gather [hbm4b:s3+s1], $0x80, v4, vm0, $0x2000b8;
	[tilespmem:$0x10100] =	vst v63  }
0x4b: {  	s23 =	sor.u32 $0x3900, s20  }
0x4c: {  	[tilespmem:s23], [sflag:$0x5] =	stream.indirect_vreg.gather [hbm4b:s3+s1], $0x80, v3, vm0, $0x2000b8;
	[tilespmem:$0x10100] =	vst v63  }
0x4d: {  	v3 =	vld [tilespmem:s21+$0x40];
	_ =	sdelay $0x4  }
0x4e: {  	v60 =	vshll.u32 v3, $0x1  }
0x4f: {  	v3 =	vand.u32 $0x7, v3;
	v4 =	vand.u32 $0xFFFFFFF0, v60  }
0x50: {  	v3 =	vor.u32 v3, v4  }
0x51: {  	v4 =	vperm.xlane v3, v0;
	_ =	sdelay $0x1  }
0x52: {  	v3 =	vperm.xlane v3, v2;
	v4 =	vadd.s32 v1, v4;
	_ =	sdelay $0x1  }
0x53: {  	v3 =	vadd.s32 v1, v3;
	_ =	sdelay $0x1  }
0x54: {  	s24 =	sor.u32 $0x4100, s20  }
0x55: {  	[tilespmem:s24], [sflag:$0x5] =	stream.indirect_vreg.gather [hbm4b:s3+s1], $0x80, v4, vm0, $0x2000b8;
	[tilespmem:$0x10100] =	vst v63  }
0x56: {  	s25 =	sor.u32 $0x4900, s20  }
0x57: {  	[tilespmem:s25], [sflag:$0x5] =	stream.indirect_vreg.gather [hbm4b:s3+s1], $0x80, v3, vm0, $0x2000b8;
	[tilespmem:$0x10100] =	vst v63  }
0x58: {  	v3 =	vld [tilespmem:s21+$0x50];
	_ =	sdelay $0x4  }
0x59: {  	v61 =	vshll.u32 v3, $0x1  }
0x5a: {  	v3 =	vand.u32 $0x7, v3;
	v4 =	vand.u32 $0xFFFFFFF0, v61  }
0x5b: {  	v3 =	vor.u32 v3, v4  }
0x5c: {  	v4 =	vperm.xlane v3, v0;
	_ =	sdelay $0x1  }
0x5d: {  	v3 =	vperm.xlane v3, v2;
	v4 =	vadd.s32 v1, v4;
	_ =	sdelay $0x1  }
0x5e: {  	v3 =	vadd.s32 v1, v3;
	_ =	sdelay $0x1  }
0x5f: {  	s26 =	sor.u32 $0x5100, s20  }
0x60: {  	[tilespmem:s26], [sflag:$0x5] =	stream.indirect_vreg.gather [hbm4b:s3+s1], $0x80, v4, vm0, $0x2000b8;
	[tilespmem:$0x10100] =	vst v63  }
0x61: {  	s28 =	sor.u32 $0x5900, s20  }
0x62: {  	[tilespmem:s28], [sflag:$0x5] =	stream.indirect_vreg.gather [hbm4b:s3+s1], $0x80, v3, vm0, $0x2000b8;
	[tilespmem:$0x10100] =	vst v63  }
0x63: {  	v3 =	vld [tilespmem:s21+$0x60];
	_ =	sdelay $0x4  }
0x64: {  	v62 =	vshll.u32 v3, $0x1  }
0x65: {  	v3 =	vand.u32 $0x7, v3;
	v4 =	vand.u32 $0xFFFFFFF0, v62  }
0x66: {  	v3 =	vor.u32 v3, v4  }
0x67: {  	v4 =	vperm.xlane v3, v0;
	_ =	sdelay $0x1  }
0x68: {  	v3 =	vperm.xlane v3, v2;
	v4 =	vadd.s32 v1, v4;
	_ =	sdelay $0x1  }
0x69: {  	v3 =	vadd.s32 v1, v3;
	_ =	sdelay $0x1  }
0x6a: {  	s29 =	sor.u32 $0x6100, s20  }
0x6b: {  	[tilespmem:s29], [sflag:$0x5] =	stream.indirect_vreg.gather [hbm4b:s3+s1], $0x80, v4, vm0, $0x2000b8;
	[tilespmem:$0x10100] =	vst v63  }
0x6c: {  	s30 =	sor.u32 $0x6900, s20  }
0x6d: {  	[tilespmem:s30], [sflag:$0x5] =	stream.indirect_vreg.gather [hbm4b:s3+s1], $0x80, v3, vm0, $0x2000b8;
	[tilespmem:$0x10100] =	vst v63  }
0x6e: {  	v3 =	vld [tilespmem:s21+$0x70];
	_ =	sdelay $0x4  }
0x6f: {  	v63 =	vshll.u32 v3, $0x1  }
0x70: {  	v3 =	vand.u32 $0x7, v3;
	v4 =	vand.u32 $0xFFFFFFF0, v63  }
0x71: {  	v3 =	vor.u32 v3, v4  }
0x72: {  	v4 =	vperm.xlane v3, v0;
	_ =	sdelay $0x1  }
0x73: {  	v3 =	vperm.xlane v3, v2;
	v4 =	vadd.s32 v1, v4;
	_ =	sdelay $0x1  }
0x74: {  	v3 =	vadd.s32 v1, v3;
	_ =	sdelay $0x1  }
0x75: {  	s31 =	sor.u32 $0x7100, s20  }
0x76: {  	[tilespmem:s31], [sflag:$0x5] =	stream.indirect_vreg.gather [hbm4b:s3+s1], $0x80, v4, vm0, $0x2000b8;
	[tilespmem:$0x10100] =	vst v63  }
0x77: {  	s20 =	sor.u32 $0x7900, s20  }
0x78: {  	[tilespmem:s20], [sflag:$0x5] =	stream.indirect_vreg.gather [hbm4b:s3+s1], $0x80, v3, vm0, $0x2000b8;
	[tilespmem:$0x10100] =	vst v63  }
0x79: {  	_ =	swait.ge [sflag:s8], $0x8000  }
0x7a: {  	p2 =	seq.s32 s11, $0x0;
	[sflag:s8] =	ssyncset.done $0x0  }
0x7b: {  	s17 =	sadd.s32 s5, s17;
	p1 =	por p2, p1;
	[sflag:s8] =	ssyncadd.s32 $0xFFFF8000  }
0x7c: {  	s17 =	sshll.u32 @p1 s17, $0xC;
	_ =	strace $0x90000054  }
0x7d: {  	s17 =	sand.u32 @p1 $0x1FFFF000, s17;
	s21 =	simm.s32 $0x1;
	_ =	strace @p1 $0x80000055  }
0x7e: {  	s18 =	sadd.s32 @p1 $0x3, s18;
	s21 =	simm.s32 @!p0 $0x0;
	s20 =	rddreg [dreg:$0x2]  }
0x7f: {  	p0 =	seq.s32 s11, $0x2;
	s17 =	sadd.s32 @p1 s20, s17;
	s20 =	simm.s32 @p1 $0x0  }
0x80: {  	[hbm4b:s17+s20] =	stream.linear.scatter @p1 [tilespmem:s19], [sflag:s18], $0x8000, $0x200038;
	[tilespmem:$0x10100] =	vst v63  }
0x81: {  	s17 =	simm.s32 $0x1;
	s19 =	simm.s32 $0x1;
	_ =	strace @p1 $0x90000055  }
0x82: {  	s17 =	simm.s32 @!p1 $0x0;
	p1 =	sne.s32 s11, $0x2;
	s11 =	sadd.s32 $0xFFFFFFFF, s11  }
0x83: {  	s18 =	sand.u32 @!p0 $0x1, s13;
	s19 =	simm.s32 @!p1 $0x0;
	p1 =	sne.s32 s11, $0xFFFFFFFF  }
.Ltmp0:
0x84: {  	s18 =	sadd.s32 @!p0 $0x3, s18;
	_ =	strace @!p0 $0x80000056;
	(pc) =	sbr.rel @p1 .LBB2_2-.Ltmp0, $4  }
0x85: {  	_ =	swait.ge @!p0 [sflag:s18], $0x8000  }
0x86: {  	[sflag:s18] =	ssyncset.done @!p0 $0x0  }
0x87: {  	s16 =	sadd.s32 s21, s16;
	s14 =	sadd.s32 s17, s14;
	[sflag:s18] =	ssyncadd.s32 @!p0 $0xFFFF8000  }
0x88: {  	s15 =	sadd.s32 s17, s15;
	s13 =	sadd.s32 s19, s13;
	_ =	strace @!p0 $0x90000056  }
0x89: {  	s10 =	sadd.s32 $0x1, s10  }
0x8a: {  	p0 =	sne.s32 s10, s7  }
.Ltmp1:
0x8b: {  	_ =	strace $0x80000057;
	(pc) =	sbr.rel @p0 .LBB2_1-.Ltmp1, $4  }
0x8c: {  	_ =	swait.ge [sflag:s9], $0x8000  }
0x8d: {  	[sflag:s9] =	ssyncset.done $0x0  }
0x8e: {  	[sflag:s9] =	ssyncadd.s32 $0xFFFF8000  }
0x8f: {  	_ =	strace $0x90000057  }
0x90: {  	_ =	sfence.sel $0x180000  }
0x91: {  	[bflag:$0x0] =	sbarrier.arrive $0xFFFF  }
0x92: {  	p0 =	sne.s32 s2, $0x0;
	_ =	strace $0x90000050  }
0x93: {  	s0 =	sadd.s32 @!p0 $0x100000, s0;
	[bflag:$0x2] =	sbarrier.arrive $0xFFFF  }
0x94: {  	[sflag:s0] =	ssyncadd.tile.s32 @!p0 $0x1;
	_ =	shalt  }
.Lfunc_end2:
_tile_overlayer_lowered:
.L_overlay_start_2:
0x95: {  	(tag) =	ssettag $0x2  }
0x96: {  	s0 =	rddreg [dreg:$0x0];
	s2 =	stileid.u32  }
0x97: {  	s1 =	rddreg [dreg:$0x1];
	p0 =	sne.s32 s2, $0x0  }
0x98: {  	s3 =	rddreg [dreg:$0x2];
	[bflag:$0x3] =	sbarrier.arrive $0xFFFF;
	s2 =	simm.s32 @!p0 $0x1C01  }
0x99: {  	[timem:s3], [sflag:s2] =	dma.local @!p0 [hbm:s0], s1  }
0x9a: {  	s0 =	simm.s32 @!p0 $0x1  }
0x9b: {  	_ =	swait.ge @!p0 [sflag:s0], s1  }
0x9c: {  	s1 =	ssub.s32 @!p0 $0x0, s1;
	[sflag:s0] =	ssyncset.done @!p0 $0x0  }
0x9d: {  	[sflag:s0] =	ssyncadd.s32 @!p0 s1  }
0x9e: {  	[bflag:$0x3] =	sbarrier.arrive $0xFFFF  }
0x9f: {  	_ =	shalt  }

// kernel: kernel.8.cloned.1.call-start
scs
__scs_entry_jumppad:
0x0: {  	(pc) =	sbr.rel $0x88, $3  }
0x1: {  	(tag) =	ssettag $0x0;
	lr =	simm.s32 $0x1  }
0x2: {  	[smem:$0x3F9B] =	sst lr;
	_ =	strace $0xD0000000  }
0x3: {  	_ = 	snop  }
0x4: {  	_ = 	snop  }
0x5: {  	_ = 	snop  }
0x6: {  	_ = 	snop  }
0x7: {  	_ = 	snop  }
__scs_overlays_trampoline_lowered:
0x8: {  	[smem:$0x3FAA] =	sst s0  }
0x9: {  	[smem:$0x3FAB] =	sst s1  }
0xa: {  	[smem:$0x3FAC] =	sst s2  }
0xb: {  	[smem:$0x3FAD] =	sst s3  }
0xc: {  	[smem:$0x3FAE] =	sst s4  }
0xd: {  	[smem:$0x3FAF] =	sst s5  }
0xe: {  	[smem:$0x3FB0] =	sst s6  }
0xf: {  	[smem:$0x3FB1] =	sst s7  }
0x10: {  	[smem:$0x3FB2] =	sst s8  }
0x11: {  	[smem:$0x3FB3] =	sst s9;
	s0 =	simm.s32 @!p0 $0x0  }
0x12: {  	s1 =	sld [smem:$0x3F99];
	s0 =	simm.s32 @p0 $0x1  }
0x13: {  	[smem:$0x3FB4] =	sst s0;
	s0 =	simm.s32 @!p1 $0x0  }
0x14: {  	s2 =	sld [smem:$0x3F98];
	s0 =	simm.s32 @p1 $0x1  }
0x15: {  	[smem:$0x3FB5] =	sst s0;
	s0 =	simm.s32 @!p2 $0x0  }
0x16: {  	s3 =	sld [smem:$0x3FDB];
	s0 =	simm.s32 @p2 $0x1  }
0x17: {  	s4 =	simm.s32 $0x1BF5;
	[smem:$0x3FB7] =	sst s0  }
0x18: {  	s0 =	sld [smem:$0x3F9A];
	_ =	swait.ge [sflag:s4], $0x0  }
0x19: {  	s7 =	sld [smem:$0x3F9B]  }
0x1a: {  	s8 =	sadd.s32 $0xFFFFE003, lr  }
0x1b: {  	s9 =	sadd.s32 $0xFFFFFEF7, lr;
	s5 =	simm.s32 $0xFFFFFFFF;
	p2 =	slt.u32 s8, $0xFFFFF086  }
0x1c: {  	p1 =	slt.u32 s9, $0xF7A;
	s5 =	simm.s32 @!p2 $0x0  }
0x1d: {  	s5 =	simm.s32 @p1 $0x1;
	p0 =	seq.s32 s7, s2  }
0x1e: {  	s7 =	smul.u32 @!p0 $0xF7A, s2;
	p2 =	seq.s32 @!p0 s5, $0x0  }
0x1f: {  	s9 =	smul.u32 $0xF7A, s1;
	s8 =	simm.s32 @!p0 $0x1BF5;
	p2 =	por !p2, p0  }
0x20: {  	[sflag:s8] =	ssyncset.s32 @!p0 $0xFFFFF086;
	s6 =	sadd.s32 @!p0 s3, s7;
	s7 =	simm.s32 @!p0 $0x108  }
0x21: {  	s3 =	sadd.s32 s3, s9;
	s6 =	sadd.s32 @!p0 $0x88, s6;
	s7 =	simm.s32 @p2 $0x1082  }
0x22: {  	[simem:s7], [sflag:s8] =	dma.local @!p0 [hbm:s6], $0xF7A  }
0x23: {  	s9 =	sor.u32 $0xD0000000, s2;
	s6 =	simm.s32 $0x108;
	_ =	swait.ge @!p0 [sflag:s8], $0x0  }
0x24: {  	s3 =	sadd.s32 $0x88, s3;
	s6 =	simm.s32 @!p1 $0x1082;
	[sflag:s4] =	ssyncset.s32 $0xFFFFF086  }
0x25: {  	[simem:s6], [sflag:s4] =	dma.local [hbm:s3], $0xF7A  }
0x26: {  	[smem:$0x3F9B] =	sst s1;
	(tag) =	ssettag s2;
	_ =	strace s9  }
0x27: {  	s1 =	sld [smem:$0x3FAB]  }
0x28: {  	s2 =	sld [smem:$0x3FAC]  }
0x29: {  	s4 =	sld [smem:$0x3FAE]  }
0x2a: {  	p0 =	seq.s32 s5, $0x0;
	s5 =	sld [smem:$0x3FAF]  }
0x2b: {  	s6 =	sld [smem:$0x3FB0]  }
0x2c: {  	s7 =	sld [smem:$0x3FB1]  }
0x2d: {  	s3 =	simm.s32 $0x108;
	s8 =	sld [smem:$0x3FB2]  }
0x2e: {  	s3 =	simm.s32 @!p0 $0x1082;
	s9 =	sld [smem:$0x3FB3]  }
0x2f: {  	lr =	sadd.s32 s0, s3;
	s0 =	sld [smem:$0x3FAA]  }
0x30: {  	s3 =	sld [smem:$0x3FAD]  }
0x31: {  	[smem:$0x3FB6] =	sst s10  }
0x32: {  	s10 =	sld [smem:$0x3FB4];
	_ =	sdelay $0x3  }
0x33: {  	p0 =	seq.s32 s10, $0x1;
	s10 =	sld [smem:$0x3FB6];
	_ =	sdelay $0x3  }
0x34: {  	[smem:$0x3FB6] =	sst s10  }
0x35: {  	s10 =	sld [smem:$0x3FB5];
	_ =	sdelay $0x3  }
0x36: {  	p1 =	seq.s32 s10, $0x1;
	s10 =	sld [smem:$0x3FB6];
	_ =	sdelay $0x3  }
0x37: {  	[smem:$0x3FB6] =	sst s10  }
0x38: {  	s10 =	sld [smem:$0x3FB7]  }
0x39: {  	_ = 	snop;
	(pc) =	sbr.ind lr, $3  }
0x3a: {  	_ = 	snop  }
0x3b: {  	_ = 	snop  }
0x3c: {  	p2 =	seq.s32 s10, $0x1;
	s10 =	sld [smem:$0x3FB6]  }
0x3d: {  	_ =	shalt  }
0x3e: {  	_ =	shalt  }
0x3f: {  	_ =	shalt  }
0x40: {  	_ =	shalt  }
0x41: {  	_ =	shalt  }
0x42: {  	_ =	shalt  }
0x43: {  	_ =	shalt  }
0x44: {  	_ =	shalt  }
0x45: {  	_ =	shalt  }
0x46: {  	_ =	shalt  }
0x47: {  	_ =	shalt  }
0x48: {  	_ =	shalt  }
0x49: {  	_ =	shalt  }
0x4a: {  	_ =	shalt  }
0x4b: {  	_ =	shalt  }
0x4c: {  	_ =	shalt  }
0x4d: {  	_ =	shalt  }
0x4e: {  	_ =	shalt  }
0x4f: {  	_ =	shalt  }
0x50: {  	_ =	shalt  }
0x51: {  	_ =	shalt  }
0x52: {  	_ =	shalt  }
0x53: {  	_ =	shalt  }
0x54: {  	_ =	shalt  }
0x55: {  	_ =	shalt  }
0x56: {  	_ =	shalt  }
0x57: {  	_ =	shalt  }
0x58: {  	_ =	shalt  }
0x59: {  	_ =	shalt  }
0x5a: {  	_ =	shalt  }
0x5b: {  	_ =	shalt  }
0x5c: {  	_ =	shalt  }
0x5d: {  	_ =	shalt  }
0x5e: {  	_ =	shalt  }
0x5f: {  	_ =	shalt  }
0x60: {  	_ =	shalt  }
0x61: {  	_ =	shalt  }
0x62: {  	_ =	shalt  }
0x63: {  	_ =	shalt  }
0x64: {  	_ =	shalt  }
0x65: {  	_ =	shalt  }
0x66: {  	_ =	shalt  }
0x67: {  	_ =	shalt  }
0x68: {  	_ =	shalt  }
0x69: {  	_ =	shalt  }
0x6a: {  	_ =	shalt  }
0x6b: {  	_ =	shalt  }
0x6c: {  	_ =	shalt  }
0x6d: {  	_ =	shalt  }
0x6e: {  	_ =	shalt  }
0x6f: {  	_ =	shalt  }
0x70: {  	_ =	shalt  }
0x71: {  	_ =	shalt  }
0x72: {  	_ =	shalt  }
0x73: {  	_ =	shalt  }
0x74: {  	_ =	shalt  }
0x75: {  	_ =	shalt  }
0x76: {  	_ =	shalt  }
0x77: {  	_ =	shalt  }
0x78: {  	_ =	shalt  }
0x79: {  	_ =	shalt  }
0x7a: {  	_ =	shalt  }
0x7b: {  	_ =	shalt  }
0x7c: {  	_ =	shalt  }
0x7d: {  	_ =	shalt  }
0x7e: {  	_ =	shalt  }
0x7f: {  	_ =	shalt  }
0x80: {  	_ =	shalt  }
0x81: {  	_ =	shalt  }
0x82: {  	_ =	shalt  }
0x83: {  	_ =	shalt  }
0x84: {  	_ =	shalt  }
0x85: {  	_ =	shalt  }
0x86: {  	_ =	shalt  }
0x87: {  	_ =	shalt  }
.Lfunc_end0:
.L_simem_size_0:
called_computation_lowered:
.L_overlay_start_0:
0x88: {  	s2 =	sld [smem:$0x3FD9]  }
0x89: {  	s3 =	sld [smem:$0x3FFE];
	_ =	sdelay $0x1  }
0x8a: {  	s1 =	srdreg.scid  }
0x8b: {  	s0 =	sand.u32 $0x1, s1  }
0x8c: {  	s14 =	sshll.u32 s0, $0xA;
	s2 =	sadd.s32 s3, s2  }
0x8d: {  	s2 =	sadd.s32 s2, s14  }
0x8e: {  	[smem:$0x3FC2] =	sst s2  }
0x8f: {  	_ = 	snop  }
0x90: {  	s2 =	sld [smem:$0x3FD0];
	_ =	sdelay $0x2  }
0x91: {  	s15 =	simm.s32 $0xA;
	s4 =	simm.s32 $0x10  }
0x92: {  	[smem:s4], [sflag:s15] =	dma.local [hbm:s2], $0x1  }
0x93: {  	_ =	swait.eq [sflag:s15], $0x1  }
0x94: {  	[sflag:s15] =	ssyncset.done $0x0  }
0x95: {  	[sflag:s15] =	ssyncadd.s32 $0xFFFFFFFF  }
0x96: {  	s16 =	sld [smem:$0x10];
	(tm) =	ssettm $0x1  }
0x97: {  	s17 =	sld [smem:$0x3FFB];
	_ =	sdelay $0x3  }
0x98: {  	_ =	strace s17  }
0x99: {  	s3 =	sld [smem:$0x3FFC];
	_ =	sdelay $0x3  }
0x9a: {  	_ =	strace s3  }
0x9b: {  	s3 =	sld [smem:$0x3FFD];
	_ =	sdelay $0x3  }
0x9c: {  	_ =	strace s3  }
0x9d: {  	_ =	strace $0x8FFFFFFF  }
0x9e: {  	s18 =	sld [smem:$0x3FDB];
	_ =	sdelay $0x1  }
0x9f: {  	s19 =	simm.s32 $_scs_section_size  }
0xa0: {  	s5 =	simm.s32 $_size__tile_overlayer_lowered;
	s6 =	simm.s32 $_tile_overlayer_lowered  }
0xa1: {  	s22 =	simm.s32 $0x1BFF;
	s21 =	sshll.u32 s6, $0x1;
	s3 =	sadd.s32 s19, s18  }
0xa2: {  	s7 =	simm.s32 $0x0;
	s20 =	sshll.u32 s5, $0x1;
	s5 =	sadd.s32 s21, s3  }
0xa3: {  	[timem:s7], [sflag:s22] =	dma.local [hbm:s5], s20  }
0xa4: {  	_ =	swait.ge [sflag:s22], s20  }
0xa5: {  	s4 =	ssub.s32 $0x0, s20;
	[sflag:s22] =	ssyncset.done $0x0  }
0xa6: {  	[sflag:s22] =	ssyncadd.s32 s4;
	_ =	sdelay $0x1  }
0xa7: {  	s23 =	simm.s32 $0x1B8B  }
0xa8: {  	_ =	swait.ge [sflag:s23], $0x1  }
0xa9: {  	[sflag:s23] =	ssyncset.done $0x0  }
0xaa: {  	s25 =	simm.s32 $0x1B8E;
	s24 =	sld [smem:$0x3FFE];
	[sflag:s23] =	ssyncadd.s32 $0xFFFFFFFF  }
0xab: {  	s26 =	simm.s32 $execute0_lowered;
	[smem:$0x3FD2] =	sst s25  }
0xac: {  	s5 =	sshll.u32 s26, $0x1;
	_ =	strace $0x80000046;
	[dreg:$0x1] =	wrdreg $0xFFFFFFFF  }
0xad: {  	s28 =	simm.s32 $_size_execute0_lowered;
	s3 =	sadd.s32 s3, s5;
	[dreg:$0x0] =	wrdreg $0x0  }
0xae: {  	s5 =	sshll.u32 s28, $0x1;
	[dreg:$0x2] =	wrdreg s3  }
0xaf: {  	[dreg:$0x3] =	wrdreg s5  }
0xb0: {  	[dreg:$0x4] =	wrdreg $0xC0  }
0xb1: {  	_ =	task [dreg:s7], $0x5FFFF  }
0xb2: {  	[dreg:$0x1] =	wrdreg $0xFFFFFFFF  }
0xb3: {  	[dreg:$0x0] =	wrdreg $0x60  }
0xb4: {  	[dreg:$0x2] =	wrdreg s16  }
0xb5: {  	[dreg:$0x3] =	wrdreg s24  }
0xb6: {  	[dreg:$0x4] =	wrdreg $0x9  }
0xb7: {  	_ =	task.clear_ibuf [dreg:s7], $0x5FFFF;
	_ =	strace $0x90000046  }
0xb8: {  	s29 =	simm.s32 $0x9;
	_ =	strace $0x8000004E  }
0xb9: {  	_ =	swait.ge [sflag:s29], $0x1  }
0xba: {  	[sflag:s29] =	ssyncadd.s32 $0xFFFFFFFF  }
0xbb: {  	_ =	strace $0x9000004E  }
0xbc: {  	_ =	sfence  }
0xbd: {  	s30 =	sld [smem:$0x0];
	_ =	sdelay $0x2  }
0xbe: {  	s31 =	sshll.u32 s1, $0xD;
	s1 =	sshrl.u32 s1, $0x2  }
0xbf: {  	s3 =	sand.u32 $0x4000, s31;
	s1 =	sadd.s32 s1, s30  }
0xc0: {  	s0 =	sor.u32 s3, s0;
	s1 =	sshll.u32 s1, $0x11  }
0xc1: {  	s0 =	sor.u32 s1, s0  }
0xc2: {  	s0 =	sadd.s32 $0x8F2B, s0  }
0xc3: {  	[sflag:s0] =	ssyncadd.remote.s32 $0x1  }
0xc4: {  	_ =	sfence.sel $0xFFFF  }
0xc5: {  	[dreg:$0x0] =	wrdreg $0xFFFFFFFF;
	(pc) =	sbr.abs _section_cstart, $3  }
0xc6: {  	[dreg:$0x1] =	wrdreg $0xFFFFFFFF  }
0xc7: {  	_ =	task.clear_ibuf [dreg:s7], $0x2FFFF;
	_ =	strace $0x9FFFFFFF  }
0xc8: {  	(tm) =	ssettm $0x7FFFFFFF  }
0xc9: {  	_ =	shalt  }
tec
execute0_lowered:
.L_overlay_start_1:
0x0: {  	(tag) =	ssettag $0x1  }
0x1: {  	s0 =	srdreg.scid  }
0x2: {  	s5 =	sand.u32 $0x1, s0  }
0x3: {  	s2 =	rddreg [dreg:$0x0];
	s0 =	stileid.u32;
	s1 =	sshll.u32 s5, $0x4  }
0x4: {  	s6 =	rddreg [dreg:$0x1];
	s3 =	simm.s32 $0x0;
	s7 =	sor.u32 s0, s1  }
0x5: {  	[smem:$0x7FF] =	sst s3;
	s4 =	smul.u32 $0x3, s7  }
0x6: {  	s8 =	ssub.s32 $0x2, s5;
	s5 =	sadd.s32 $0x19400, s6;
	s9 =	smul.u32 $0x3000, s7  }
0x7: {  	s6 =	sadd.s32 $0x19A00, s6;
	s10 =	sshrl.u32 s8, $0x1;
	s12 =	smul.u32 $0x30, s7  }
0x8: {  	s1 =	rddreg [dreg:$0x2];
	_ =	strace $0x80000047;
	s10 =	ssub.s32 s8, s10  }
0x9: {  	v2 =	vlaneseq.u32;
	p0 =	slt.u32 s4, $0x30;
	s11 =	sadd.s32 $0xFFFD0000, s9;
	s8 =	sadd.s32 s5, s12  }
0xa: {  	vm0 =	vmmov $0xffff;
	v1 =	vshrl.u32 v2, $0x3;
	s12 =	simm.s32 $0x0;
	s11 =	smov.u32 @p0 s9;
	s9 =	smax.u32 s10, $0x1  }
0xb: {  	v0 =	vand.u32 $0x7, v2;
	v2 =	vor.u32 $0x8, v2;
	v1 =	vmul.u32 $0x8, v1;
	s10 =	simm.s32 $0x10000;
	s7 =	sadd.s32 s2, s11;
	s11 =	simm.s32 $0x5  }
.LBB2_1:
0xc: {  	_ =	strace $0x80000048;
	s13 =	simm.s32 $0x2  }
0xd: {  	[tilespmem:s3], [sflag:$0x1] =	stream.linear.gather [hbm4b:s7+s3], $0x8000, $0x200038;
	[tilespmem:$0x10100] =	vst v63  }
0xe: {  	s14 =	simm.s32 $0x0;
	s15 =	simm.s32 $0x0;
	s16 =	simm.s32 $0x1  }
0xf: {  	[tilespmem:s10], [sflag:$0x3] =	stream.linear.gather [hbm4b:s8+s3], $0x80, $0x200038;
	[tilespmem:$0x10100] =	vst v63  }
0x10: {  	s17 =	simm.s32 $0x0;
	s18 =	simm.s32 $0x1;
	_ =	strace $0x90000048  }
.LBB2_2:
0x11: {  	s19 =	smov.u32 s14;
	s14 =	sadd.s32 $0x1, s14  }
0x12: {  	s20 =	sadd.s32 s4, s19;
	p0 =	seq.s32 s14, $0x3  }
0x13: {  	s14 =	simm.s32 @p0 $0x0;
	s21 =	smulhi.u32 $0x2AAAAAAB, s20;
	s22 =	sshra.s32 s20, $0x1F  }
0x14: {  	s23 =	sadd.s32 s4, s14;
	s22 =	smul.u32 $0x2AAAAAAB, s22  }
0x15: {  	s24 =	smulhi.u32 $0x2AAAAAAB, s23;
	s25 =	sshra.s32 s23, $0x1F  }
0x16: {  	s25 =	smul.u32 $0x2AAAAAAB, s25  }
0x17: {  	s21 =	sadd.s32 s22, s21  }
0x18: {  	s22 =	sshrl.u32 s21, $0x1F;
	s21 =	sshrl.u32 s21, $0x3;
	s24 =	sadd.s32 s25, s24  }
0x19: {  	s21 =	sadd.s32 s22, s21;
	s28 =	sshrl.u32 s24, $0x1F;
	s24 =	sshrl.u32 s24, $0x3  }
0x1a: {  	s21 =	smul.u32 $0x30, s21;
	s22 =	sadd.s32 s28, s24  }
0x1b: {  	s22 =	smul.u32 $0x30, s22  }
0x1c: {  	s20 =	ssub.s32 s20, s21  }
0x1d: {  	p0 =	slt.s32 s20, $0x0;
	s21 =	ssub.s32 s23, s22  }
0x1e: {  	s22 =	sadd.s32 $0x30, s20;
	p1 =	slt.s32 s21, $0x0;
	s24 =	sadd.s32 $0x30, s21  }
0x1f: {  	p3 =	sne.s32 s13, $0x0;
	s20 =	smov.u32 @p0 s22;
	s21 =	smov.u32 @p1 s24  }
0x20: {  	s22 =	sadd.s32 $0xFFFFFFFF, s19;
	p1 =	seq.s32 s19, $0x0;
	p0 =	sne.s32 s20, s21  }
0x21: {  	s22 =	simm.s32 @p1 $0x2;
	p1 =	sne.s32 s19, s14;
	p5 =	por !p3, !p0  }
0x22: {  	s29 =	sadd.s32 s4, s22;
	p3 =	por !p3, !p1;
	p2 =	por !p5, !p5  }
0x23: {  	p3 =	por !p3, !p3;
	s30 =	smulhi.u32 $0x2AAAAAAB, s29;
	s22 =	sshra.s32 s29, $0x1F  }
0x24: {  	s24 =	sand.u32 @p2 $0x1, s18;
	s21 =	sshll.u32 @p2 s21, $0xC;
	_ =	strace @p2 $0x80000049  }
0x25: {  	s26 =	simm.s32 @p2 $0x0;
	s22 =	smul.u32 $0x2AAAAAAB, s22;
	s21 =	sand.u32 @p2 $0x1FFFF000, s21  }
0x26: {  	s25 =	sshll.u32 @p2 s24, $0xF;
	s24 =	sadd.s32 @p2 $0x1, s24;
	s21 =	sadd.s32 @p2 s2, s21  }
0x27: {  	[tilespmem:s25], [sflag:s24] =	stream.linear.gather @p2 [hbm4b:s21+s26], $0x8000, $0x200038;
	[tilespmem:$0x10100] =	vst v63  }
0x28: {  	s24 =	sand.u32 @p3 $0x1, s16;
	s21 =	sadd.s32 s22, s30;
	s22 =	sshll.u32 @p3 s23, $0x4  }
0x29: {  	s23 =	simm.s32 @p3 $0x0;
	_ =	strace @p2 $0x90000049;
	s25 =	sshll.u32 @p3 s24, $0x7  }
0x2a: {  	s31 =	sshrl.u32 s21, $0x1F;
	s21 =	sshrl.u32 s21, $0x3;
	s24 =	sadd.s32 @p3 $0x3, s24  }
0x2b: {  	s22 =	sand.u32 @p3 $0x1FFFFFF0, s22;
	_ =	strace @p3 $0x8000004A;
	s21 =	sadd.s32 s31, s21  }
0x2c: {  	s25 =	sor.u32 @p3 $0x10000, s25;
	s22 =	sadd.s32 @p3 s5, s22;
	s21 =	smul.u32 $0x30, s21  }
0x2d: {  	[tilespmem:s25], [sflag:s24] =	stream.linear.gather @p3 [hbm4b:s22+s23], $0x80, $0x200038;
	[tilespmem:$0x10100] =	vst v63  }
0x2e: {  	s19 =	ssub.s32 s29, s21  }
0x2f: {  	p4 =	slt.s32 s19, $0x0;
	s21 =	sadd.s32 $0x30, s19  }
0x30: {  	p5 =	seq.s32 s13, $0x2;
	s19 =	smov.u32 @p4 s21  }
0x31: {  	p4 =	seq.s32 @!p5 s20, s19  }
0x32: {  	p4 =	por p5, !p4  }
0x33: {  	_ =	strace @p3 $0x9000004A;
	s19 =	sand.u32 @p4 $0x1, s17  }
0x34: {  	_ =	strace @p4 $0x8000004B;
	s19 =	sadd.s32 @p4 $0x1, s19  }
0x35: {  	_ =	swait.ge @p4 [sflag:s19], $0x8000  }
0x36: {  	[sflag:s19] =	ssyncset.done @p4 $0x0  }
0x37: {  	[sflag:s19] =	ssyncadd.s32 @p4 $0xFFFF8000  }
0x38: {  	s23 =	sand.u32 $0x1, s15;
	_ =	strace @p4 $0x9000004B  }
0x39: {  	s19 =	sadd.s32 $0x3, s23;
	_ =	strace $0x8000004C  }
0x3a: {  	_ =	swait.ge [sflag:s19], $0x80  }
0x3b: {  	[sflag:s19] =	ssyncset.done $0x0  }
0x3c: {  	[sflag:s19] =	ssyncadd.s32 $0xFFFFFF80  }
0x3d: {  	s24 =	sshll.u32 s15, $0x7;
	_ =	strace $0x9000004C  }
0x3e: {  	s20 =	sand.u32 $0x80, s24;
	_ =	strace $0x8000004D  }
0x3f: {  	v3 =	vld [tilespmem:s20+$0x10000];
	_ =	sdelay $0x4  }
0x40: {  	v4 =	vshll.u32 v3, $0x1  }
0x41: {  	v3 =	vand.u32 $0x7, v3;
	v4 =	vand.u32 $0xFFFFFFF0, v4  }
0x42: {  	v3 =	vor.u32 v3, v4  }
0x43: {  	v4 =	vperm.xlane v3, v0;
	_ =	sdelay $0x1  }
0x44: {  	v3 =	vperm.xlane v3, v2;
	v4 =	vadd.s32 v1, v4;
	_ =	sdelay $0x1  }
0x45: {  	v3 =	vadd.s32 v1, v3  }
0x46: {  	s25 =	sshll.u32 s17, $0xF  }
0x47: {  	s19 =	sand.u32 $0x8000, s25  }
0x48: {  	[hbm4b:s6+s3] =	stream.indirect_vreg.scatter [tilespmem:s19], [sflag:$0x5], $0x80, v4, vm0, $0x2000b8;
	[tilespmem:$0x10100] =	vst v63  }
0x49: {  	s26 =	sor.u32 $0x800, s19  }
0x4a: {  	[hbm4b:s6+s3] =	stream.indirect_vreg.scatter [tilespmem:s26], [sflag:$0x5], $0x80, v3, vm0, $0x2000b8;
	[tilespmem:$0x10100] =	vst v63  }
0x4b: {  	v3 =	vld [tilespmem:s20+$0x10010];
	_ =	sdelay $0x4  }
0x4c: {  	v57 =	vshll.u32 v3, $0x1  }
0x4d: {  	v3 =	vand.u32 $0x7, v3;
	v4 =	vand.u32 $0xFFFFFFF0, v57  }
0x4e: {  	v3 =	vor.u32 v3, v4  }
0x4f: {  	v4 =	vperm.xlane v3, v0;
	_ =	sdelay $0x1  }
0x50: {  	v3 =	vperm.xlane v3, v2;
	v4 =	vadd.s32 v1, v4;
	_ =	sdelay $0x1  }
0x51: {  	v3 =	vadd.s32 v1, v3;
	_ =	sdelay $0x1  }
0x52: {  	s28 =	sor.u32 $0x1000, s19  }
0x53: {  	[hbm4b:s6+s3] =	stream.indirect_vreg.scatter [tilespmem:s28], [sflag:$0x5], $0x80, v4, vm0, $0x2000b8;
	[tilespmem:$0x10100] =	vst v63  }
0x54: {  	s29 =	sor.u32 $0x1800, s19  }
0x55: {  	[hbm4b:s6+s3] =	stream.indirect_vreg.scatter [tilespmem:s29], [sflag:$0x5], $0x80, v3, vm0, $0x2000b8;
	[tilespmem:$0x10100] =	vst v63  }
0x56: {  	v3 =	vld [tilespmem:s20+$0x10020];
	_ =	sdelay $0x4  }
0x57: {  	v58 =	vshll.u32 v3, $0x1  }
0x58: {  	v3 =	vand.u32 $0x7, v3;
	v4 =	vand.u32 $0xFFFFFFF0, v58  }
0x59: {  	v3 =	vor.u32 v3, v4  }
0x5a: {  	v4 =	vperm.xlane v3, v0;
	_ =	sdelay $0x1  }
0x5b: {  	v3 =	vperm.xlane v3, v2;
	v4 =	vadd.s32 v1, v4;
	_ =	sdelay $0x1  }
0x5c: {  	v3 =	vadd.s32 v1, v3;
	_ =	sdelay $0x1  }
0x5d: {  	s30 =	sor.u32 $0x2000, s19  }
0x5e: {  	[hbm4b:s6+s3] =	stream.indirect_vreg.scatter [tilespmem:s30], [sflag:$0x5], $0x80, v4, vm0, $0x2000b8;
	[tilespmem:$0x10100] =	vst v63  }
0x5f: {  	s31 =	sor.u32 $0x2800, s19  }
0x60: {  	[hbm4b:s6+s3] =	stream.indirect_vreg.scatter [tilespmem:s31], [sflag:$0x5], $0x80, v3, vm0, $0x2000b8;
	[tilespmem:$0x10100] =	vst v63  }
0x61: {  	v3 =	vld [tilespmem:s20+$0x10030];
	_ =	sdelay $0x4  }
0x62: {  	v59 =	vshll.u32 v3, $0x1  }
0x63: {  	v3 =	vand.u32 $0x7, v3;
	v4 =	vand.u32 $0xFFFFFFF0, v59  }
0x64: {  	v3 =	vor.u32 v3, v4  }
0x65: {  	v4 =	vperm.xlane v3, v0;
	_ =	sdelay $0x1  }
0x66: {  	v3 =	vperm.xlane v3, v2;
	v4 =	vadd.s32 v1, v4;
	_ =	sdelay $0x1  }
0x67: {  	v3 =	vadd.s32 v1, v3;
	_ =	sdelay $0x1  }
0x68: {  	s22 =	sor.u32 $0x3000, s19  }
0x69: {  	[hbm4b:s6+s3] =	stream.indirect_vreg.scatter [tilespmem:s22], [sflag:$0x5], $0x80, v4, vm0, $0x2000b8;
	[tilespmem:$0x10100] =	vst v63  }
0x6a: {  	s23 =	sor.u32 $0x3800, s19  }
0x6b: {  	[hbm4b:s6+s3] =	stream.indirect_vreg.scatter [tilespmem:s23], [sflag:$0x5], $0x80, v3, vm0, $0x2000b8;
	[tilespmem:$0x10100] =	vst v63  }
0x6c: {  	v3 =	vld [tilespmem:s20+$0x10040];
	_ =	sdelay $0x4  }
0x6d: {  	v60 =	vshll.u32 v3, $0x1  }
0x6e: {  	v3 =	vand.u32 $0x7, v3;
	v4 =	vand.u32 $0xFFFFFFF0, v60  }
0x6f: {  	v3 =	vor.u32 v3, v4  }
0x70: {  	v4 =	vperm.xlane v3, v0;
	_ =	sdelay $0x1  }
0x71: {  	v3 =	vperm.xlane v3, v2;
	v4 =	vadd.s32 v1, v4;
	_ =	sdelay $0x1  }
0x72: {  	v3 =	vadd.s32 v1, v3;
	_ =	sdelay $0x1  }
0x73: {  	s24 =	sor.u32 $0x4000, s19  }
0x74: {  	[hbm4b:s6+s3] =	stream.indirect_vreg.scatter [tilespmem:s24], [sflag:$0x5], $0x80, v4, vm0, $0x2000b8;
	[tilespmem:$0x10100] =	vst v63  }
0x75: {  	s25 =	sor.u32 $0x4800, s19  }
0x76: {  	[hbm4b:s6+s3] =	stream.indirect_vreg.scatter [tilespmem:s25], [sflag:$0x5], $0x80, v3, vm0, $0x2000b8;
	[tilespmem:$0x10100] =	vst v63  }
0x77: {  	v3 =	vld [tilespmem:s20+$0x10050];
	_ =	sdelay $0x4  }
0x78: {  	v61 =	vshll.u32 v3, $0x1  }
0x79: {  	v3 =	vand.u32 $0x7, v3;
	v4 =	vand.u32 $0xFFFFFFF0, v61  }
0x7a: {  	v3 =	vor.u32 v3, v4  }
0x7b: {  	v4 =	vperm.xlane v3, v0;
	_ =	sdelay $0x1  }
0x7c: {  	v3 =	vperm.xlane v3, v2;
	v4 =	vadd.s32 v1, v4;
	_ =	sdelay $0x1  }
0x7d: {  	v3 =	vadd.s32 v1, v3;
	_ =	sdelay $0x1  }
0x7e: {  	s26 =	sor.u32 $0x5000, s19  }
0x7f: {  	[hbm4b:s6+s3] =	stream.indirect_vreg.scatter [tilespmem:s26], [sflag:$0x5], $0x80, v4, vm0, $0x2000b8;
	[tilespmem:$0x10100] =	vst v63  }
0x80: {  	s28 =	sor.u32 $0x5800, s19  }
0x81: {  	[hbm4b:s6+s3] =	stream.indirect_vreg.scatter [tilespmem:s28], [sflag:$0x5], $0x80, v3, vm0, $0x2000b8;
	[tilespmem:$0x10100] =	vst v63  }
0x82: {  	v3 =	vld [tilespmem:s20+$0x10060];
	_ =	sdelay $0x4  }
0x83: {  	v62 =	vshll.u32 v3, $0x1  }
0x84: {  	v3 =	vand.u32 $0x7, v3;
	v4 =	vand.u32 $0xFFFFFFF0, v62  }
0x85: {  	v3 =	vor.u32 v3, v4  }
0x86: {  	v4 =	vperm.xlane v3, v0;
	_ =	sdelay $0x1  }
0x87: {  	v3 =	vperm.xlane v3, v2;
	v4 =	vadd.s32 v1, v4;
	_ =	sdelay $0x1  }
0x88: {  	v3 =	vadd.s32 v1, v3;
	_ =	sdelay $0x1  }
0x89: {  	s29 =	sor.u32 $0x6000, s19  }
0x8a: {  	[hbm4b:s6+s3] =	stream.indirect_vreg.scatter [tilespmem:s29], [sflag:$0x5], $0x80, v4, vm0, $0x2000b8;
	[tilespmem:$0x10100] =	vst v63  }
0x8b: {  	s30 =	sor.u32 $0x6800, s19  }
0x8c: {  	[hbm4b:s6+s3] =	stream.indirect_vreg.scatter [tilespmem:s30], [sflag:$0x5], $0x80, v3, vm0, $0x2000b8;
	[tilespmem:$0x10100] =	vst v63  }
0x8d: {  	v3 =	vld [tilespmem:s20+$0x10070];
	_ =	sdelay $0x4  }
0x8e: {  	v63 =	vshll.u32 v3, $0x1  }
0x8f: {  	v3 =	vand.u32 $0x7, v3;
	v4 =	vand.u32 $0xFFFFFFF0, v63  }
0x90: {  	v3 =	vor.u32 v3, v4  }
0x91: {  	v4 =	vperm.xlane v3, v0;
	_ =	sdelay $0x1  }
0x92: {  	v3 =	vperm.xlane v3, v2;
	v4 =	vadd.s32 v1, v4;
	_ =	sdelay $0x1  }
0x93: {  	v3 =	vadd.s32 v1, v3;
	_ =	sdelay $0x1  }
0x94: {  	s31 =	sor.u32 $0x7000, s19  }
0x95: {  	[hbm4b:s6+s3] =	stream.indirect_vreg.scatter [tilespmem:s31], [sflag:$0x5], $0x80, v4, vm0, $0x2000b8;
	[tilespmem:$0x10100] =	vst v63  }
0x96: {  	p6 =	seq.s32 s13, $0x0;
	s19 =	sor.u32 $0x7800, s19  }
0x97: {  	[hbm4b:s6+s3] =	stream.indirect_vreg.scatter [tilespmem:s19], [sflag:$0x5], $0x80, v3, vm0, $0x2000b8;
	[tilespmem:$0x10100] =	vst v63  }
0x98: {  	p0 =	por p6, p0;
	s13 =	sadd.s32 $0xFFFFFFFF, s13;
	s19 =	simm.s32 $0x1  }
0x99: {  	p1 =	por p6, p1;
	s19 =	simm.s32 @!p0 $0x0;
	p0 =	sne.s32 s13, $0xFFFFFFFF  }
.Ltmp0:
0x9a: {  	s21 =	simm.s32 $0x1;
	s20 =	simm.s32 $0x1;
	(pc) =	sbr.rel @p0 .LBB2_2-.Ltmp0, $4  }
0x9b: {  	s21 =	simm.s32 @!p3 $0x0;
	s20 =	simm.s32 @!p2 $0x0;
	_ =	swait.ge [sflag:s11], $0x8000  }
0x9c: {  	s18 =	sadd.s32 s20, s18;
	s20 =	simm.s32 $0x1;
	[sflag:s11] =	ssyncset.done $0x0  }
0x9d: {  	s16 =	sadd.s32 s21, s16;
	s20 =	simm.s32 @!p1 $0x0;
	[sflag:s11] =	ssyncadd.s32 $0xFFFF8000  }
0x9e: {  	s15 =	sadd.s32 s20, s15;
	s17 =	sadd.s32 s19, s17;
	_ =	strace $0x9000004D  }
0x9f: {  	s12 =	sadd.s32 $0x1, s12  }
0xa0: {  	p0 =	sne.s32 s12, s9  }
.Ltmp1:
0xa1: {  	_ = 	snop;
	(pc) =	sbr.rel @p0 .LBB2_1-.Ltmp1, $1  }
0xa2: {  	_ =	sdelay $0x3  }
0xa3: {  	_ =	sfence.sel $0x180000  }
0xa4: {  	[bflag:$0x0] =	sbarrier.arrive $0xFFFF  }
0xa5: {  	p0 =	sne.s32 s0, $0x0;
	_ =	strace $0x90000047  }
0xa6: {  	s0 =	sadd.s32 @!p0 $0x100000, s1;
	[bflag:$0x2] =	sbarrier.arrive $0xFFFF  }
0xa7: {  	[sflag:s0] =	ssyncadd.tile.s32 @!p0 $0x1;
	_ =	shalt  }
.Lfunc_end2:
_tile_overlayer_lowered:
.L_overlay_start_2:
0xa8: {  	(tag) =	ssettag $0x2  }
0xa9: {  	s0 =	rddreg [dreg:$0x0];
	s2 =	stileid.u32  }
0xaa: {  	s1 =	rddreg [dreg:$0x1];
	p0 =	sne.s32 s2, $0x0  }
0xab: {  	s3 =	rddreg [dreg:$0x2];
	[bflag:$0x3] =	sbarrier.arrive $0xFFFF;
	s2 =	simm.s32 @!p0 $0x1C01  }
0xac: {  	[timem:s3], [sflag:s2] =	dma.local @!p0 [hbm:s0], s1  }
0xad: {  	s0 =	simm.s32 @!p0 $0x1  }
0xae: {  	_ =	swait.ge @!p0 [sflag:s0], s1  }
0xaf: {  	s1 =	ssub.s32 @!p0 $0x0, s1;
	[sflag:s0] =	ssyncset.done @!p0 $0x0  }
0xb0: {  	[sflag:s0] =	ssyncadd.s32 @!p0 s1  }
0xb1: {  	[bflag:$0x3] =	sbarrier.arrive $0xFFFF  }
0xb2: {  	_ =	shalt  }

</sc_bundles>
